<compile_context>
chip_gen: v7x
topology: tpu7x:2x2x1
jax: 0.10.2.dev20260603
libtpu: 0.0.44.dev20260713+nightly
codegen_flags: <defaults>
</compile_context>

<pallas_src>
import jax
import jax.numpy as jnp
from jax import lax
from jax.experimental import pallas as pl
from jax.experimental.pallas import tpu as pltpu
from jax.experimental.pallas import tpu_sc as plsc

B = 16
H_KV = 2
MAX_LEN = 2048
HEAD_DIM = 128
NW = 32
ROWS = 4 * B * H_KV * MAX_LEN


CHUNK = 256
NBUF = 3
PREF = 2
NCHUNK = 4 * MAX_LEN // CHUNK


class _Ring:

    def __init__(self, bufs, sem_in, sem_out, chunk_ids, src_slice, dst_slice):
        self.bufs = bufs
        self.sem_in = sem_in
        self.sem_out = sem_out
        self.ids = chunk_ids
        self.src = src_slice
        self.dst = dst_slice
        self.n = len(chunk_ids)
        self.nbuf = len(bufs)
        self.in_cp = [None] * self.nbuf
        self.out_cp = [None] * self.nbuf

    def prime(self):
        for j in range(min(PREF, self.n)):
            self.in_cp[j] = pltpu.async_copy(
                self.src(self.ids[j]), self.bufs[j], self.sem_in.at[j])

    def step(self, i):
        if i >= self.n:
            return
        j = i % self.nbuf
        self.in_cp[j].wait()
        self.out_cp[j] = pltpu.async_copy(
            self.bufs[j], self.dst(self.ids[i]), self.sem_out.at[j])
        nxt = i + PREF
        if nxt < self.n:
            jn = nxt % self.nbuf
            if self.out_cp[jn] is not None:
                self.out_cp[jn].wait()
            self.in_cp[jn] = pltpu.async_copy(
                self.src(self.ids[nxt]), self.bufs[jn], self.sem_in.at[jn])

    def drain(self):
        for i in range(max(0, self.n - self.nbuf), self.n):
            self.out_cp[i % self.nbuf].wait()


def _body(c0, c1, c2, c3, n0, n1, n2, n3, dest_hbm, out,
          stage, idx_v, rows_v, sem_in, sem_out, sem_row, sem_pre):
    s = lax.axis_index("s")
    w = s * 2 + lax.axis_index("c")
    caches = (c0, c1, c2, c3)
    news = (n0, n1, n2, n3)

    def src_slice(i):
        c, k = divmod(i, MAX_LEN // CHUNK)
        return caches[c].at[pl.ds(w * MAX_LEN + k * CHUNK, CHUNK)]

    def dst_slice(i):
        c, k = divmod(i, MAX_LEN // CHUNK)
        return out.at[pl.ds((c * NW + w) * MAX_LEN + k * CHUNK, CHUNK)]

    pre = [pltpu.async_copy(dest_hbm.at[pl.ds(w * 8, 4)], idx_v, sem_pre)]
    for c in range(4):
        pre.append(pltpu.async_copy(news[c].at[pl.ds(w, 1)],
                                    rows_v.at[pl.ds(c, 1)], sem_pre))

    ring = _Ring(tuple(stage.at[s, j] for j in range(NBUF)),
                 sem_in, sem_out, list(range(NCHUNK)), src_slice, dst_slice)
    ring.prime()
    for i in range(NCHUNK):
        ring.step(i)

    ring.drain()
    for cp in pre:
        cp.wait()
    pltpu.async_copy(rows_v, out.at[idx_v], sem_row).wait()


def kernel(k_cache_0, v_cache_0, k_cache_1, v_cache_1,
           new_k_0, new_v_0, new_k_1, new_v_1,
           position_ids, seq_ids):
    del seq_ids
    pos = position_ids[:, 0].astype(jnp.int32)

    w_ids = jnp.arange(NW, dtype=jnp.int32)
    c_ids = jnp.arange(4, dtype=jnp.int32)
    dest = ((c_ids[None, :] * NW + w_ids[:, None]) * MAX_LEN
            + pos[w_ids // H_KV][:, None])
    dest = jnp.pad(dest, ((0, 0), (0, 4))).reshape(NW * 8)

    flat = lambda c: c.reshape(B * H_KV * MAX_LEN, HEAD_DIM)

    mesh = plsc.VectorSubcoreMesh(core_axis_name="c", subcore_axis_name="s")
    out = pl.kernel(
        _body,
        out_type=jax.ShapeDtypeStruct((ROWS, HEAD_DIM), jnp.float32),
        mesh=mesh,
        scratch_types=[
            pltpu.VMEM_SHARED((16, NBUF, CHUNK, HEAD_DIM), jnp.float32),
            pltpu.VMEM((4,), jnp.int32),
            pltpu.VMEM((4, HEAD_DIM), jnp.float32),
            pltpu.SemaphoreType.DMA((NBUF,)),
            pltpu.SemaphoreType.DMA((NBUF,)),
            pltpu.SemaphoreType.DMA,
            pltpu.SemaphoreType.DMA,
        ],
    )(flat(k_cache_0), flat(v_cache_0), flat(k_cache_1), flat(v_cache_1),
      new_k_0.reshape(B * H_KV, HEAD_DIM), new_v_0.reshape(B * H_KV, HEAD_DIM),
      new_k_1.reshape(B * H_KV, HEAD_DIM), new_v_1.reshape(B * H_KV, HEAD_DIM),
      dest)
    return out.reshape(4, B, H_KV, MAX_LEN, HEAD_DIM)

# --- scband reference (transcript-rebuilt; emitter-appended) ---
"""Pipeline reference for scband-kvcache-manager-55095840473791 (READ-ONLY COPY).

The authoritative reference and input builder live on the scoring server;
editing this copy changes nothing except your own understanding.
"""

import jax, jax.numpy as jnp
import numpy as np

B = 16
H_KV = 2  # num_kv_heads_per_rank = 8 kv heads / tp_degree 4
MAX_LEN = 2048
HEAD_DIM = 128  # hidden_size 4096 / 32 attention heads
NUM_LAYERS = 2


def setup_inputs(seed: int = 0) -> dict:
    key = jax.random.key(seed)
    ks = jax.random.split(key, 10)
    inp = {}
    # KV cache 'parameters' (one K and one V cache per layer). They are zero-init
    # in the module but we fill with randn to exercise real memory traffic.
    inp['k_cache_0'] = jax.random.normal(ks[0], (B, H_KV, MAX_LEN, HEAD_DIM), dtype=jnp.float32)
    inp['v_cache_0'] = jax.random.normal(ks[1], (B, H_KV, MAX_LEN, HEAD_DIM), dtype=jnp.float32)
    inp['k_cache_1'] = jax.random.normal(ks[2], (B, H_KV, MAX_LEN, HEAD_DIM), dtype=jnp.float32)
    inp['v_cache_1'] = jax.random.normal(ks[3], (B, H_KV, MAX_LEN, HEAD_DIM), dtype=jnp.float32)
    # Newest KV from the decode step (q_len = 1)
    inp['new_k_0'] = jax.random.normal(ks[4], (B, H_KV, 1, HEAD_DIM), dtype=jnp.float32)
    inp['new_v_0'] = jax.random.normal(ks[5], (B, H_KV, 1, HEAD_DIM), dtype=jnp.float32)
    inp['new_k_1'] = jax.random.normal(ks[6], (B, H_KV, 1, HEAD_DIM), dtype=jnp.float32)
    inp['new_v_1'] = jax.random.normal(ks[7], (B, H_KV, 1, HEAD_DIM), dtype=jnp.float32)
    inp['position_ids'] = jax.random.randint(ks[8], (B, 1), 0, MAX_LEN, dtype=jnp.int64 if jax.config.read('jax_enable_x64') else jnp.int32).astype(jnp.int32)
    inp['seq_ids'] = jnp.arange(B, dtype=jnp.int32)
    return inp


def reference(k_cache_0, v_cache_0, k_cache_1, v_cache_1,
              new_k_0, new_v_0, new_k_1, new_v_1,
              position_ids, seq_ids):
    # KVCacheManager.update_cache, token-generation (decode) path,
    # padding_side='right', no continuous batching, no tiling:
    # scatter the latest (q_len=1) K/V into each layer's cache at position_ids.
    b = jnp.arange(position_ids.shape[0])
    pos = position_ids[:, 0]

    def scatter_update(cache, latest):
        # cache: [B, H, MAX_LEN, D], latest: [B, H, 1, D]
        # torch.scatter(dim=2, index=position_ids-expanded, src=latest)
        return cache.at[b, :, pos, :].set(latest[:, :, 0, :])

    updated = [
        scatter_update(k_cache_0, new_k_0),
        scatter_update(v_cache_0, new_v_0),
        scatter_update(k_cache_1, new_k_1),
        scatter_update(v_cache_1, new_v_1),
    ]
    # Stack [num_layers*2, B, H, MAX_LEN, D] mirroring the updated_kv_cache list
    return jnp.stack(updated, axis=0)

if __name__ == "__main__":
    import jax
    _d = setup_inputs()
    print(jax.jit(kernel)(*tuple(_d.values())))

</pallas_src>

<mosaic_0001>
#map = affine_map<(d0, d1) -> (0, 0)>
#map1 = affine_map<(d0, d1) -> (0)>
module attributes {stable_mosaic.version = 14 : i64} {
  func.func @_body(%arg0: i32, %arg1: i32, %arg2: memref<65536x128xf32, #tpu.memory_space<hbm>>, %arg3: memref<65536x128xf32, #tpu.memory_space<hbm>>, %arg4: memref<65536x128xf32, #tpu.memory_space<hbm>>, %arg5: memref<65536x128xf32, #tpu.memory_space<hbm>>, %arg6: memref<32x128xf32, #tpu.memory_space<hbm>>, %arg7: memref<32x128xf32, #tpu.memory_space<hbm>>, %arg8: memref<32x128xf32, #tpu.memory_space<hbm>>, %arg9: memref<32x128xf32, #tpu.memory_space<hbm>>, %arg10: memref<256xi32, #tpu.memory_space<hbm>>, %arg11: memref<262144x128xf32, #tpu.memory_space<hbm>>, %arg12: memref<16x3x256x128xf32, #tpu.memory_space<vmem_shared>>, %arg13: memref<4xi32, #tpu.memory_space<vmem>>, %arg14: memref<4x128xf32, #tpu.memory_space<vmem>>, %arg15: memref<3x!tpu.dma_semaphore, #tpu.memory_space<semaphore_mem>>, %arg16: memref<3x!tpu.dma_semaphore, #tpu.memory_space<semaphore_mem>>, %arg17: memref<!tpu.dma_semaphore, #tpu.memory_space<semaphore_mem>>, %arg18: memref<!tpu.dma_semaphore, #tpu.memory_space<semaphore_mem>>) attributes {dimension_semantics = [#tpu.dimension_semantics<core_parallel>, #tpu.dimension_semantics<subcore_parallel>], iteration_bounds = array<i64: 2, 16>, scalar_prefetch = 0 : i64, scratch_operands = 7 : i64, tpu.core_type = #tpu.core_type<sc_vector_subcore>, window_params = [{transform_indices = #map}, {transform_indices = #map}, {transform_indices = #map}, {transform_indices = #map}, {transform_indices = #map}, {transform_indices = #map}, {transform_indices = #map}, {transform_indices = #map}, {transform_indices = #map1}, {transform_indices = #map}]} {
    %mul3A = arith.constant 2 : i32
    %mul3A_0 = arith.muli %arg1, %mul3A : i32
    %add3A = arith.addi %mul3A_0, %arg0 : i32
    %mul3A_1 = arith.constant 8 : i32
    %mul3A_2 = arith.muli %add3A, %mul3A_1 : i32
    %dma_start3A = tpu.memref_slice %arg10[%mul3A_2] : memref<256xi32, #tpu.memory_space<hbm>> -> memref<4xi32, #tpu.memory_space<hbm>>
    %dma_start3A_3 = tpu.memref_slice %arg10[%mul3A_2] : memref<256xi32, #tpu.memory_space<hbm>> -> memref<4xi32, #tpu.memory_space<hbm>>
    tpu.enqueue_dma source(%dma_start3A_3 : memref<4xi32, #tpu.memory_space<hbm>>) target(%arg13 : memref<4xi32, #tpu.memory_space<vmem>>) target_semaphore(%arg18 : memref<!tpu.dma_semaphore, #tpu.memory_space<semaphore_mem>>)
    %dma_start3A_4 = arith.constant 0 : i32
    %dma_start3A_5 = arith.constant 0 : i32
    %dma_start3A_6 = tpu.memref_slice %arg14[%dma_start3A_4, %dma_start3A_5] : memref<4x128xf32, #tpu.memory_space<vmem>> -> memref<1x128xf32, #tpu.memory_space<vmem>>
    %dma_start3A_7 = arith.constant 0 : i32
    %dma_start3A_8 = tpu.memref_slice %arg6[%add3A, %dma_start3A_7] : memref<32x128xf32, #tpu.memory_space<hbm>> -> memref<1x128xf32, #tpu.memory_space<hbm>>
    %dma_start3A_9 = arith.constant 0 : i32
    %dma_start3A_10 = arith.constant 0 : i32
    %dma_start3A_11 = tpu.memref_slice %arg14[%dma_start3A_9, %dma_start3A_10] : memref<4x128xf32, #tpu.memory_space<vmem>> -> memref<1x128xf32, #tpu.memory_space<vmem>>
    %dma_start3A_12 = arith.constant 0 : i32
    %dma_start3A_13 = tpu.memref_slice %arg6[%add3A, %dma_start3A_12] : memref<32x128xf32, #tpu.memory_space<hbm>> -> memref<1x128xf32, #tpu.memory_space<hbm>>
    tpu.enqueue_dma source(%dma_start3A_13 : memref<1x128xf32, #tpu.memory_space<hbm>>) target(%dma_start3A_11 : memref<1x128xf32, #tpu.memory_space<vmem>>) target_semaphore(%arg18 : memref<!tpu.dma_semaphore, #tpu.memory_space<semaphore_mem>>)
    %dma_start3A_14 = arith.constant 1 : i32
    %dma_start3A_15 = arith.constant 0 : i32
    %dma_start3A_16 = tpu.memref_slice %arg14[%dma_start3A_14, %dma_start3A_15] : memref<4x128xf32, #tpu.memory_space<vmem>> -> memref<1x128xf32, #tpu.memory_space<vmem>>
    %dma_start3A_17 = arith.constant 0 : i32
    %dma_start3A_18 = tpu.memref_slice %arg7[%add3A, %dma_start3A_17] : memref<32x128xf32, #tpu.memory_space<hbm>> -> memref<1x128xf32, #tpu.memory_space<hbm>>
    %dma_start3A_19 = arith.constant 1 : i32
    %dma_start3A_20 = arith.constant 0 : i32
    %dma_start3A_21 = tpu.memref_slice %arg14[%dma_start3A_19, %dma_start3A_20] : memref<4x128xf32, #tpu.memory_space<vmem>> -> memref<1x128xf32, #tpu.memory_space<vmem>>
    %dma_start3A_22 = arith.constant 0 : i32
    %dma_start3A_23 = tpu.memref_slice %arg7[%add3A, %dma_start3A_22] : memref<32x128xf32, #tpu.memory_space<hbm>> -> memref<1x128xf32, #tpu.memory_space<hbm>>
    tpu.enqueue_dma source(%dma_start3A_23 : memref<1x128xf32, #tpu.memory_space<hbm>>) target(%dma_start3A_21 : memref<1x128xf32, #tpu.memory_space<vmem>>) target_semaphore(%arg18 : memref<!tpu.dma_semaphore, #tpu.memory_space<semaphore_mem>>)
    %dma_start3A_24 = arith.constant 2 : i32
    %dma_start3A_25 = arith.constant 0 : i32
    %dma_start3A_26 = tpu.memref_slice %arg14[%dma_start3A_24, %dma_start3A_25] : memref<4x128xf32, #tpu.memory_space<vmem>> -> memref<1x128xf32, #tpu.memory_space<vmem>>
    %dma_start3A_27 = arith.constant 0 : i32
    %dma_start3A_28 = tpu.memref_slice %arg8[%add3A, %dma_start3A_27] : memref<32x128xf32, #tpu.memory_space<hbm>> -> memref<1x128xf32, #tpu.memory_space<hbm>>
    %dma_start3A_29 = arith.constant 2 : i32
    %dma_start3A_30 = arith.constant 0 : i32
    %dma_start3A_31 = tpu.memref_slice %arg14[%dma_start3A_29, %dma_start3A_30] : memref<4x128xf32, #tpu.memory_space<vmem>> -> memref<1x128xf32, #tpu.memory_space<vmem>>
    %dma_start3A_32 = arith.constant 0 : i32
    %dma_start3A_33 = tpu.memref_slice %arg8[%add3A, %dma_start3A_32] : memref<32x128xf32, #tpu.memory_space<hbm>> -> memref<1x128xf32, #tpu.memory_space<hbm>>
    tpu.enqueue_dma source(%dma_start3A_33 : memref<1x128xf32, #tpu.memory_space<hbm>>) target(%dma_start3A_31 : memref<1x128xf32, #tpu.memory_space<vmem>>) target_semaphore(%arg18 : memref<!tpu.dma_semaphore, #tpu.memory_space<semaphore_mem>>)
    %dma_start3A_34 = arith.constant 3 : i32
    %dma_start3A_35 = arith.constant 0 : i32
    %dma_start3A_36 = tpu.memref_slice %arg14[%dma_start3A_34, %dma_start3A_35] : memref<4x128xf32, #tpu.memory_space<vmem>> -> memref<1x128xf32, #tpu.memory_space<vmem>>
    %dma_start3A_37 = arith.constant 0 : i32
    %dma_start3A_38 = tpu.memref_slice %arg9[%add3A, %dma_start3A_37] : memref<32x128xf32, #tpu.memory_space<hbm>> -> memref<1x128xf32, #tpu.memory_space<hbm>>
    %dma_start3A_39 = arith.constant 3 : i32
    %dma_start3A_40 = arith.constant 0 : i32
    %dma_start3A_41 = tpu.memref_slice %arg14[%dma_start3A_39, %dma_start3A_40] : memref<4x128xf32, #tpu.memory_space<vmem>> -> memref<1x128xf32, #tpu.memory_space<vmem>>
    %dma_start3A_42 = arith.constant 0 : i32
    %dma_start3A_43 = tpu.memref_slice %arg9[%add3A, %dma_start3A_42] : memref<32x128xf32, #tpu.memory_space<hbm>> -> memref<1x128xf32, #tpu.memory_space<hbm>>
    tpu.enqueue_dma source(%dma_start3A_43 : memref<1x128xf32, #tpu.memory_space<hbm>>) target(%dma_start3A_41 : memref<1x128xf32, #tpu.memory_space<vmem>>) target_semaphore(%arg18 : memref<!tpu.dma_semaphore, #tpu.memory_space<semaphore_mem>>)
    %mul3A_44 = arith.constant 2048 : i32
    %mul3A_45 = arith.muli %add3A, %mul3A_44 : i32
    %add3A_46 = arith.constant 0 : i32
    %add3A_47 = arith.addi %mul3A_45, %add3A_46 : i32
    %dma_start3A_48 = arith.constant 0 : i32
    %dma_start3A_49 = arith.constant 0 : i32
    %dma_start3A_50 = tpu.memref_slice %arg15[%dma_start3A_49] : memref<3x!tpu.dma_semaphore, #tpu.memory_space<semaphore_mem>> -> memref<1x!tpu.dma_semaphore, #tpu.memory_space<semaphore_mem>>
    %dma_start3A_51 = tpu.memref_squeeze %dma_start3A_50 : memref<1x!tpu.dma_semaphore, #tpu.memory_space<semaphore_mem>> -> memref<!tpu.dma_semaphore, #tpu.memory_space<semaphore_mem>>
    %dma_start3A_52 = arith.constant 0 : i32
    %dma_start3A_53 = arith.constant 0 : i32
    %dma_start3A_54 = tpu.memref_slice %arg12[%arg1, %dma_start3A_48, %dma_start3A_52, %dma_start3A_53] : memref<16x3x256x128xf32, #tpu.memory_space<vmem_shared>> -> memref<1x1x256x128xf32, #tpu.memory_space<vmem_shared>>
    %dma_start3A_55 = tpu.memref_squeeze %dma_start3A_54 : memref<1x1x256x128xf32, #tpu.memory_space<vmem_shared>> -> memref<256x128xf32, #tpu.memory_space<vmem_shared>>
    %dma_start3A_56 = arith.constant 0 : i32
    %dma_start3A_57 = tpu.memref_slice %arg2[%add3A_47, %dma_start3A_56] : memref<65536x128xf32, #tpu.memory_space<hbm>> -> memref<256x128xf32, #tpu.memory_space<hbm>>
    tpu.enqueue_dma source(%dma_start3A_57 : memref<256x128xf32, #tpu.memory_space<hbm>>) target(%dma_start3A_55 : memref<256x128xf32, #tpu.memory_space<vmem_shared>>) target_semaphore(%dma_start3A_51 : memref<!tpu.dma_semaphore, #tpu.memory_space<semaphore_mem>>)
    %mul3A_58 = arith.constant 2048 : i32
    %mul3A_59 = arith.muli %add3A, %mul3A_58 : i32
    %add3A_60 = arith.constant 256 : i32
    %add3A_61 = arith.addi %mul3A_59, %add3A_60 : i32
    %dma_start3A_62 = arith.constant 1 : i32
    %dma_start3A_63 = arith.constant 1 : i32
    %dma_start3A_64 = tpu.memref_slice %arg15[%dma_start3A_63] : memref<3x!tpu.dma_semaphore, #tpu.memory_space<semaphore_mem>> -> memref<1x!tpu.dma_semaphore, #tpu.memory_space<semaphore_mem>>
    %dma_start3A_65 = tpu.memref_squeeze %dma_start3A_64 : memref<1x!tpu.dma_semaphore, #tpu.memory_space<semaphore_mem>> -> memref<!tpu.dma_semaphore, #tpu.memory_space<semaphore_mem>>
    %dma_start3A_66 = arith.constant 0 : i32
    %dma_start3A_67 = arith.constant 0 : i32
    %dma_start3A_68 = tpu.memref_slice %arg12[%arg1, %dma_start3A_62, %dma_start3A_66, %dma_start3A_67] : memref<16x3x256x128xf32, #tpu.memory_space<vmem_shared>> -> memref<1x1x256x128xf32, #tpu.memory_space<vmem_shared>>
    %dma_start3A_69 = tpu.memref_squeeze %dma_start3A_68 : memref<1x1x256x128xf32, #tpu.memory_space<vmem_shared>> -> memref<256x128xf32, #tpu.memory_space<vmem_shared>>
    %dma_start3A_70 = arith.constant 0 : i32
    %dma_start3A_71 = tpu.memref_slice %arg2[%add3A_61, %dma_start3A_70] : memref<65536x128xf32, #tpu.memory_space<hbm>> -> memref<256x128xf32, #tpu.memory_space<hbm>>
    tpu.enqueue_dma source(%dma_start3A_71 : memref<256x128xf32, #tpu.memory_space<hbm>>) target(%dma_start3A_69 : memref<256x128xf32, #tpu.memory_space<vmem_shared>>) target_semaphore(%dma_start3A_65 : memref<!tpu.dma_semaphore, #tpu.memory_space<semaphore_mem>>)
    %dma_wait3A = arith.constant 0 : i32
    %dma_wait3A_72 = arith.constant 0 : i32
    %dma_wait3A_73 = tpu.memref_slice %arg15[%dma_wait3A_72] : memref<3x!tpu.dma_semaphore, #tpu.memory_space<semaphore_mem>> -> memref<1x!tpu.dma_semaphore, #tpu.memory_space<semaphore_mem>>
    %dma_wait3A_74 = tpu.memref_squeeze %dma_wait3A_73 : memref<1x!tpu.dma_semaphore, #tpu.memory_space<semaphore_mem>> -> memref<!tpu.dma_semaphore, #tpu.memory_space<semaphore_mem>>
    %dma_wait3A_75 = arith.constant 0 : i32
    %dma_wait3A_76 = arith.constant 0 : i32
    %dma_wait3A_77 = tpu.memref_slice %arg12[%arg1, %dma_wait3A, %dma_wait3A_75, %dma_wait3A_76] : memref<16x3x256x128xf32, #tpu.memory_space<vmem_shared>> -> memref<1x1x256x128xf32, #tpu.memory_space<vmem_shared>>
    %dma_wait3A_78 = tpu.memref_squeeze %dma_wait3A_77 : memref<1x1x256x128xf32, #tpu.memory_space<vmem_shared>> -> memref<256x128xf32, #tpu.memory_space<vmem_shared>>
    %dma_wait3A_79 = arith.constant 0 : i32
    %dma_wait3A_80 = tpu.memref_slice %arg2[%add3A_47, %dma_wait3A_79] : memref<65536x128xf32, #tpu.memory_space<hbm>> -> memref<256x128xf32, #tpu.memory_space<hbm>>
    tpu.wait_dma2 semaphore(%dma_wait3A_74 : memref<!tpu.dma_semaphore, #tpu.memory_space<semaphore_mem>>) src(%dma_wait3A_80 : memref<256x128xf32, #tpu.memory_space<hbm>>) dst(%dma_wait3A_78 : memref<256x128xf32, #tpu.memory_space<vmem_shared>>)
    %add3A_81 = arith.constant 0 : i32
    %add3A_82 = arith.addi %add3A_81, %add3A : i32
    %mul3A_83 = arith.constant 2048 : i32
    %mul3A_84 = arith.muli %add3A_82, %mul3A_83 : i32
    %add3A_85 = arith.constant 0 : i32
    %add3A_86 = arith.addi %mul3A_84, %add3A_85 : i32
    %dma_start3A_87 = arith.constant 0 : i32
    %dma_start3A_88 = arith.constant 0 : i32
    %dma_start3A_89 = tpu.memref_slice %arg16[%dma_start3A_88] : memref<3x!tpu.dma_semaphore, #tpu.memory_space<semaphore_mem>> -> memref<1x!tpu.dma_semaphore, #tpu.memory_space<semaphore_mem>>
    %dma_start3A_90 = tpu.memref_squeeze %dma_start3A_89 : memref<1x!tpu.dma_semaphore, #tpu.memory_space<semaphore_mem>> -> memref<!tpu.dma_semaphore, #tpu.memory_space<semaphore_mem>>
    %dma_start3A_91 = arith.constant 0 : i32
    %dma_start3A_92 = tpu.memref_slice %arg11[%add3A_86, %dma_start3A_91] : memref<262144x128xf32, #tpu.memory_space<hbm>> -> memref<256x128xf32, #tpu.memory_space<hbm>>
    %dma_start3A_93 = arith.constant 0 : i32
    %dma_start3A_94 = arith.constant 0 : i32
    %dma_start3A_95 = tpu.memref_slice %arg12[%arg1, %dma_start3A_87, %dma_start3A_93, %dma_start3A_94] : memref<16x3x256x128xf32, #tpu.memory_space<vmem_shared>> -> memref<1x1x256x128xf32, #tpu.memory_space<vmem_shared>>
    %dma_start3A_96 = tpu.memref_squeeze %dma_start3A_95 : memref<1x1x256x128xf32, #tpu.memory_space<vmem_shared>> -> memref<256x128xf32, #tpu.memory_space<vmem_shared>>
    tpu.enqueue_dma source(%dma_start3A_96 : memref<256x128xf32, #tpu.memory_space<vmem_shared>>) target(%dma_start3A_92 : memref<256x128xf32, #tpu.memory_space<hbm>>) target_semaphore(%dma_start3A_90 : memref<!tpu.dma_semaphore, #tpu.memory_space<semaphore_mem>>)
    %mul3A_97 = arith.constant 2048 : i32
    %mul3A_98 = arith.muli %add3A, %mul3A_97 : i32
    %add3A_99 = arith.constant 512 : i32
    %add3A_100 = arith.addi %mul3A_98, %add3A_99 : i32
    %dma_start3A_101 = arith.constant 2 : i32
    %dma_start3A_102 = arith.constant 2 : i32
    %dma_start3A_103 = tpu.memref_slice %arg15[%dma_start3A_102] : memref<3x!tpu.dma_semaphore, #tpu.memory_space<semaphore_mem>> -> memref<1x!tpu.dma_semaphore, #tpu.memory_space<semaphore_mem>>
    %dma_start3A_104 = tpu.memref_squeeze %dma_start3A_103 : memref<1x!tpu.dma_semaphore, #tpu.memory_space<semaphore_mem>> -> memref<!tpu.dma_semaphore, #tpu.memory_space<semaphore_mem>>
    %dma_start3A_105 = arith.constant 0 : i32
    %dma_start3A_106 = arith.constant 0 : i32
    %dma_start3A_107 = tpu.memref_slice %arg12[%arg1, %dma_start3A_101, %dma_start3A_105, %dma_start3A_106] : memref<16x3x256x128xf32, #tpu.memory_space<vmem_shared>> -> memref<1x1x256x128xf32, #tpu.memory_space<vmem_shared>>
    %dma_start3A_108 = tpu.memref_squeeze %dma_start3A_107 : memref<1x1x256x128xf32, #tpu.memory_space<vmem_shared>> -> memref<256x128xf32, #tpu.memory_space<vmem_shared>>
    %dma_start3A_109 = arith.constant 0 : i32
    %dma_start3A_110 = tpu.memref_slice %arg2[%add3A_100, %dma_start3A_109] : memref<65536x128xf32, #tpu.memory_space<hbm>> -> memref<256x128xf32, #tpu.memory_space<hbm>>
    tpu.enqueue_dma source(%dma_start3A_110 : memref<256x128xf32, #tpu.memory_space<hbm>>) target(%dma_start3A_108 : memref<256x128xf32, #tpu.memory_space<vmem_shared>>) target_semaphore(%dma_start3A_104 : memref<!tpu.dma_semaphore, #tpu.memory_space<semaphore_mem>>)
    %dma_wait3A_111 = arith.constant 1 : i32
    %dma_wait3A_112 = arith.constant 1 : i32
    %dma_wait3A_113 = tpu.memref_slice %arg15[%dma_wait3A_112] : memref<3x!tpu.dma_semaphore, #tpu.memory_space<semaphore_mem>> -> memref<1x!tpu.dma_semaphore, #tpu.memory_space<semaphore_mem>>
    %dma_wait3A_114 = tpu.memref_squeeze %dma_wait3A_113 : memref<1x!tpu.dma_semaphore, #tpu.memory_space<semaphore_mem>> -> memref<!tpu.dma_semaphore, #tpu.memory_space<semaphore_mem>>
    %dma_wait3A_115 = arith.constant 0 : i32
    %dma_wait3A_116 = arith.constant 0 : i32
    %dma_wait3A_117 = tpu.memref_slice %arg12[%arg1, %dma_wait3A_111, %dma_wait3A_115, %dma_wait3A_116] : memref<16x3x256x128xf32, #tpu.memory_space<vmem_shared>> -> memref<1x1x256x128xf32, #tpu.memory_space<vmem_shared>>
    %dma_wait3A_118 = tpu.memref_squeeze %dma_wait3A_117 : memref<1x1x256x128xf32, #tpu.memory_space<vmem_shared>> -> memref<256x128xf32, #tpu.memory_space<vmem_shared>>
    %dma_wait3A_119 = arith.constant 0 : i32
    %dma_wait3A_120 = tpu.memref_slice %arg2[%add3A_61, %dma_wait3A_119] : memref<65536x128xf32, #tpu.memory_space<hbm>> -> memref<256x128xf32, #tpu.memory_space<hbm>>
    tpu.wait_dma2 semaphore(%dma_wait3A_114 : memref<!tpu.dma_semaphore, #tpu.memory_space<semaphore_mem>>) src(%dma_wait3A_120 : memref<256x128xf32, #tpu.memory_space<hbm>>) dst(%dma_wait3A_118 : memref<256x128xf32, #tpu.memory_space<vmem_shared>>)
    %add3A_121 = arith.constant 0 : i32
    %add3A_122 = arith.addi %add3A_121, %add3A : i32
    %mul3A_123 = arith.constant 2048 : i32
    %mul3A_124 = arith.muli %add3A_122, %mul3A_123 : i32
    %add3A_125 = arith.constant 256 : i32
    %add3A_126 = arith.addi %mul3A_124, %add3A_125 : i32
    %dma_start3A_127 = arith.constant 1 : i32
    %dma_start3A_128 = arith.constant 1 : i32
    %dma_start3A_129 = tpu.memref_slice %arg16[%dma_start3A_128] : memref<3x!tpu.dma_semaphore, #tpu.memory_space<semaphore_mem>> -> memref<1x!tpu.dma_semaphore, #tpu.memory_space<semaphore_mem>>
    %dma_start3A_130 = tpu.memref_squeeze %dma_start3A_129 : memref<1x!tpu.dma_semaphore, #tpu.memory_space<semaphore_mem>> -> memref<!tpu.dma_semaphore, #tpu.memory_space<semaphore_mem>>
    %dma_start3A_131 = arith.constant 0 : i32
    %dma_start3A_132 = tpu.memref_slice %arg11[%add3A_126, %dma_start3A_131] : memref<262144x128xf32, #tpu.memory_space<hbm>> -> memref<256x128xf32, #tpu.memory_space<hbm>>
    %dma_start3A_133 = arith.constant 0 : i32
    %dma_start3A_134 = arith.constant 0 : i32
    %dma_start3A_135 = tpu.memref_slice %arg12[%arg1, %dma_start3A_127, %dma_start3A_133, %dma_start3A_134] : memref<16x3x256x128xf32, #tpu.memory_space<vmem_shared>> -> memref<1x1x256x128xf32, #tpu.memory_space<vmem_shared>>
    %dma_start3A_136 = tpu.memref_squeeze %dma_start3A_135 : memref<1x1x256x128xf32, #tpu.memory_space<vmem_shared>> -> memref<256x128xf32, #tpu.memory_space<vmem_shared>>
    tpu.enqueue_dma source(%dma_start3A_136 : memref<256x128xf32, #tpu.memory_space<vmem_shared>>) target(%dma_start3A_132 : memref<256x128xf32, #tpu.memory_space<hbm>>) target_semaphore(%dma_start3A_130 : memref<!tpu.dma_semaphore, #tpu.memory_space<semaphore_mem>>)
    %dma_wait3A_137 = arith.constant 0 : i32
    %dma_wait3A_138 = arith.constant 0 : i32
    %dma_wait3A_139 = tpu.memref_slice %arg16[%dma_wait3A_138] : memref<3x!tpu.dma_semaphore, #tpu.memory_space<semaphore_mem>> -> memref<1x!tpu.dma_semaphore, #tpu.memory_space<semaphore_mem>>
    %dma_wait3A_140 = tpu.memref_squeeze %dma_wait3A_139 : memref<1x!tpu.dma_semaphore, #tpu.memory_space<semaphore_mem>> -> memref<!tpu.dma_semaphore, #tpu.memory_space<semaphore_mem>>
    %dma_wait3A_141 = arith.constant 0 : i32
    %dma_wait3A_142 = tpu.memref_slice %arg11[%add3A_86, %dma_wait3A_141] : memref<262144x128xf32, #tpu.memory_space<hbm>> -> memref<256x128xf32, #tpu.memory_space<hbm>>
    %dma_wait3A_143 = arith.constant 0 : i32
    %dma_wait3A_144 = arith.constant 0 : i32
    %dma_wait3A_145 = tpu.memref_slice %arg12[%arg1, %dma_wait3A_137, %dma_wait3A_143, %dma_wait3A_144] : memref<16x3x256x128xf32, #tpu.memory_space<vmem_shared>> -> memref<1x1x256x128xf32, #tpu.memory_space<vmem_shared>>
    %dma_wait3A_146 = tpu.memref_squeeze %dma_wait3A_145 : memref<1x1x256x128xf32, #tpu.memory_space<vmem_shared>> -> memref<256x128xf32, #tpu.memory_space<vmem_shared>>
    tpu.wait_dma2 semaphore(%dma_wait3A_140 : memref<!tpu.dma_semaphore, #tpu.memory_space<semaphore_mem>>) src(%dma_wait3A_146 : memref<256x128xf32, #tpu.memory_space<vmem_shared>>) dst(%dma_wait3A_142 : memref<256x128xf32, #tpu.memory_space<hbm>>)
    %mul3A_147 = arith.constant 2048 : i32
    %mul3A_148 = arith.muli %add3A, %mul3A_147 : i32
    %add3A_149 = arith.constant 768 : i32
    %add3A_150 = arith.addi %mul3A_148, %add3A_149 : i32
    %dma_start3A_151 = arith.constant 0 : i32
    %dma_start3A_152 = arith.constant 0 : i32
    %dma_start3A_153 = tpu.memref_slice %arg15[%dma_start3A_152] : memref<3x!tpu.dma_semaphore, #tpu.memory_space<semaphore_mem>> -> memref<1x!tpu.dma_semaphore, #tpu.memory_space<semaphore_mem>>
    %dma_start3A_154 = tpu.memref_squeeze %dma_start3A_153 : memref<1x!tpu.dma_semaphore, #tpu.memory_space<semaphore_mem>> -> memref<!tpu.dma_semaphore, #tpu.memory_space<semaphore_mem>>
    %dma_start3A_155 = arith.constant 0 : i32
    %dma_start3A_156 = arith.constant 0 : i32
    %dma_start3A_157 = tpu.memref_slice %arg12[%arg1, %dma_start3A_151, %dma_start3A_155, %dma_start3A_156] : memref<16x3x256x128xf32, #tpu.memory_space<vmem_shared>> -> memref<1x1x256x128xf32, #tpu.memory_space<vmem_shared>>
    %dma_start3A_158 = tpu.memref_squeeze %dma_start3A_157 : memref<1x1x256x128xf32, #tpu.memory_space<vmem_shared>> -> memref<256x128xf32, #tpu.memory_space<vmem_shared>>
    %dma_start3A_159 = arith.constant 0 : i32
    %dma_start3A_160 = tpu.memref_slice %arg2[%add3A_150, %dma_start3A_159] : memref<65536x128xf32, #tpu.memory_space<hbm>> -> memref<256x128xf32, #tpu.memory_space<hbm>>
    tpu.enqueue_dma source(%dma_start3A_160 : memref<256x128xf32, #tpu.memory_space<hbm>>) target(%dma_start3A_158 : memref<256x128xf32, #tpu.memory_space<vmem_shared>>) target_semaphore(%dma_start3A_154 : memref<!tpu.dma_semaphore, #tpu.memory_space<semaphore_mem>>)
    %dma_wait3A_161 = arith.constant 2 : i32
    %dma_wait3A_162 = arith.constant 2 : i32
    %dma_wait3A_163 = tpu.memref_slice %arg15[%dma_wait3A_162] : memref<3x!tpu.dma_semaphore, #tpu.memory_space<semaphore_mem>> -> memref<1x!tpu.dma_semaphore, #tpu.memory_space<semaphore_mem>>
    %dma_wait3A_164 = tpu.memref_squeeze %dma_wait3A_163 : memref<1x!tpu.dma_semaphore, #tpu.memory_space<semaphore_mem>> -> memref<!tpu.dma_semaphore, #tpu.memory_space<semaphore_mem>>
    %dma_wait3A_165 = arith.constant 0 : i32
    %dma_wait3A_166 = arith.constant 0 : i32
    %dma_wait3A_167 = tpu.memref_slice %arg12[%arg1, %dma_wait3A_161, %dma_wait3A_165, %dma_wait3A_166] : memref<16x3x256x128xf32, #tpu.memory_space<vmem_shared>> -> memref<1x1x256x128xf32, #tpu.memory_space<vmem_shared>>
    %dma_wait3A_168 = tpu.memref_squeeze %dma_wait3A_167 : memref<1x1x256x128xf32, #tpu.memory_space<vmem_shared>> -> memref<256x128xf32, #tpu.memory_space<vmem_shared>>
    %dma_wait3A_169 = arith.constant 0 : i32
    %dma_wait3A_170 = tpu.memref_slice %arg2[%add3A_100, %dma_wait3A_169] : memref<65536x128xf32, #tpu.memory_space<hbm>> -> memref<256x128xf32, #tpu.memory_space<hbm>>
    tpu.wait_dma2 semaphore(%dma_wait3A_164 : memref<!tpu.dma_semaphore, #tpu.memory_space<semaphore_mem>>) src(%dma_wait3A_170 : memref<256x128xf32, #tpu.memory_space<hbm>>) dst(%dma_wait3A_168 : memref<256x128xf32, #tpu.memory_space<vmem_shared>>)
    %add3A_171 = arith.constant 0 : i32
    %add3A_172 = arith.addi %add3A_171, %add3A : i32
    %mul3A_173 = arith.constant 2048 : i32
    %mul3A_174 = arith.muli %add3A_172, %mul3A_173 : i32
    %add3A_175 = arith.constant 512 : i32
    %add3A_176 = arith.addi %mul3A_174, %add3A_175 : i32
    %dma_start3A_177 = arith.constant 2 : i32
    %dma_start3A_178 = arith.constant 2 : i32
    %dma_start3A_179 = tpu.memref_slice %arg16[%dma_start3A_178] : memref<3x!tpu.dma_semaphore, #tpu.memory_space<semaphore_mem>> -> memref<1x!tpu.dma_semaphore, #tpu.memory_space<semaphore_mem>>
    %dma_start3A_180 = tpu.memref_squeeze %dma_start3A_179 : memref<1x!tpu.dma_semaphore, #tpu.memory_space<semaphore_mem>> -> memref<!tpu.dma_semaphore, #tpu.memory_space<semaphore_mem>>
    %dma_start3A_181 = arith.constant 0 : i32
    %dma_start3A_182 = tpu.memref_slice %arg11[%add3A_176, %dma_start3A_181] : memref<262144x128xf32, #tpu.memory_space<hbm>> -> memref<256x128xf32, #tpu.memory_space<hbm>>
    %dma_start3A_183 = arith.constant 0 : i32
    %dma_start3A_184 = arith.constant 0 : i32
    %dma_start3A_185 = tpu.memref_slice %arg12[%arg1, %dma_start3A_177, %dma_start3A_183, %dma_start3A_184] : memref<16x3x256x128xf32, #tpu.memory_space<vmem_shared>> -> memref<1x1x256x128xf32, #tpu.memory_space<vmem_shared>>
    %dma_start3A_186 = tpu.memref_squeeze %dma_start3A_185 : memref<1x1x256x128xf32, #tpu.memory_space<vmem_shared>> -> memref<256x128xf32, #tpu.memory_space<vmem_shared>>
    tpu.enqueue_dma source(%dma_start3A_186 : memref<256x128xf32, #tpu.memory_space<vmem_shared>>) target(%dma_start3A_182 : memref<256x128xf32, #tpu.memory_space<hbm>>) target_semaphore(%dma_start3A_180 : memref<!tpu.dma_semaphore, #tpu.memory_space<semaphore_mem>>)
    %dma_wait3A_187 = arith.constant 1 : i32
    %dma_wait3A_188 = arith.constant 1 : i32
    %dma_wait3A_189 = tpu.memref_slice %arg16[%dma_wait3A_188] : memref<3x!tpu.dma_semaphore, #tpu.memory_space<semaphore_mem>> -> memref<1x!tpu.dma_semaphore, #tpu.memory_space<semaphore_mem>>
    %dma_wait3A_190 = tpu.memref_squeeze %dma_wait3A_189 : memref<1x!tpu.dma_semaphore, #tpu.memory_space<semaphore_mem>> -> memref<!tpu.dma_semaphore, #tpu.memory_space<semaphore_mem>>
    %dma_wait3A_191 = arith.constant 0 : i32
    %dma_wait3A_192 = tpu.memref_slice %arg11[%add3A_126, %dma_wait3A_191] : memref<262144x128xf32, #tpu.memory_space<hbm>> -> memref<256x128xf32, #tpu.memory_space<hbm>>
    %dma_wait3A_193 = arith.constant 0 : i32
    %dma_wait3A_194 = arith.constant 0 : i32
    %dma_wait3A_195 = tpu.memref_slice %arg12[%arg1, %dma_wait3A_187, %dma_wait3A_193, %dma_wait3A_194] : memref<16x3x256x128xf32, #tpu.memory_space<vmem_shared>> -> memref<1x1x256x128xf32, #tpu.memory_space<vmem_shared>>
    %dma_wait3A_196 = tpu.memref_squeeze %dma_wait3A_195 : memref<1x1x256x128xf32, #tpu.memory_space<vmem_shared>> -> memref<256x128xf32, #tpu.memory_space<vmem_shared>>
    tpu.wait_dma2 semaphore(%dma_wait3A_190 : memref<!tpu.dma_semaphore, #tpu.memory_space<semaphore_mem>>) src(%dma_wait3A_196 : memref<256x128xf32, #tpu.memory_space<vmem_shared>>) dst(%dma_wait3A_192 : memref<256x128xf32, #tpu.memory_space<hbm>>)
    %mul3A_197 = arith.constant 2048 : i32
    %mul3A_198 = arith.muli %add3A, %mul3A_197 : i32
    %add3A_199 = arith.constant 1024 : i32
    %add3A_200 = arith.addi %mul3A_198, %add3A_199 : i32
    %dma_start3A_201 = arith.constant 1 : i32
    %dma_start3A_202 = arith.constant 1 : i32
    %dma_start3A_203 = tpu.memref_slice %arg15[%dma_start3A_202] : memref<3x!tpu.dma_semaphore, #tpu.memory_space<semaphore_mem>> -> memref<1x!tpu.dma_semaphore, #tpu.memory_space<semaphore_mem>>
    %dma_start3A_204 = tpu.memref_squeeze %dma_start3A_203 : memref<1x!tpu.dma_semaphore, #tpu.memory_space<semaphore_mem>> -> memref<!tpu.dma_semaphore, #tpu.memory_space<semaphore_mem>>
    %dma_start3A_205 = arith.constant 0 : i32
    %dma_start3A_206 = arith.constant 0 : i32
    %dma_start3A_207 = tpu.memref_slice %arg12[%arg1, %dma_start3A_201, %dma_start3A_205, %dma_start3A_206] : memref<16x3x256x128xf32, #tpu.memory_space<vmem_shared>> -> memref<1x1x256x128xf32, #tpu.memory_space<vmem_shared>>
    %dma_start3A_208 = tpu.memref_squeeze %dma_start3A_207 : memref<1x1x256x128xf32, #tpu.memory_space<vmem_shared>> -> memref<256x128xf32, #tpu.memory_space<vmem_shared>>
    %dma_start3A_209 = arith.constant 0 : i32
    %dma_start3A_210 = tpu.memref_slice %arg2[%add3A_200, %dma_start3A_209] : memref<65536x128xf32, #tpu.memory_space<hbm>> -> memref<256x128xf32, #tpu.memory_space<hbm>>
    tpu.enqueue_dma source(%dma_start3A_210 : memref<256x128xf32, #tpu.memory_space<hbm>>) target(%dma_start3A_208 : memref<256x128xf32, #tpu.memory_space<vmem_shared>>) target_semaphore(%dma_start3A_204 : memref<!tpu.dma_semaphore, #tpu.memory_space<semaphore_mem>>)
    %dma_wait3A_211 = arith.constant 0 : i32
    %dma_wait3A_212 = arith.constant 0 : i32
    %dma_wait3A_213 = tpu.memref_slice %arg15[%dma_wait3A_212] : memref<3x!tpu.dma_semaphore, #tpu.memory_space<semaphore_mem>> -> memref<1x!tpu.dma_semaphore, #tpu.memory_space<semaphore_mem>>
    %dma_wait3A_214 = tpu.memref_squeeze %dma_wait3A_213 : memref<1x!tpu.dma_semaphore, #tpu.memory_space<semaphore_mem>> -> memref<!tpu.dma_semaphore, #tpu.memory_space<semaphore_mem>>
    %dma_wait3A_215 = arith.constant 0 : i32
    %dma_wait3A_216 = arith.constant 0 : i32
    %dma_wait3A_217 = tpu.memref_slice %arg12[%arg1, %dma_wait3A_211, %dma_wait3A_215, %dma_wait3A_216] : memref<16x3x256x128xf32, #tpu.memory_space<vmem_shared>> -> memref<1x1x256x128xf32, #tpu.memory_space<vmem_shared>>
    %dma_wait3A_218 = tpu.memref_squeeze %dma_wait3A_217 : memref<1x1x256x128xf32, #tpu.memory_space<vmem_shared>> -> memref<256x128xf32, #tpu.memory_space<vmem_shared>>
    %dma_wait3A_219 = arith.constant 0 : i32
    %dma_wait3A_220 = tpu.memref_slice %arg2[%add3A_150, %dma_wait3A_219] : memref<65536x128xf32, #tpu.memory_space<hbm>> -> memref<256x128xf32, #tpu.memory_space<hbm>>
    tpu.wait_dma2 semaphore(%dma_wait3A_214 : memref<!tpu.dma_semaphore, #tpu.memory_space<semaphore_mem>>) src(%dma_wait3A_220 : memref<256x128xf32, #tpu.memory_space<hbm>>) dst(%dma_wait3A_218 : memref<256x128xf32, #tpu.memory_space<vmem_shared>>)
    %add3A_221 = arith.constant 0 : i32
    %add3A_222 = arith.addi %add3A_221, %add3A : i32
    %mul3A_223 = arith.constant 2048 : i32
    %mul3A_224 = arith.muli %add3A_222, %mul3A_223 : i32
    %add3A_225 = arith.constant 768 : i32
    %add3A_226 = arith.addi %mul3A_224, %add3A_225 : i32
    %dma_start3A_227 = arith.constant 0 : i32
    %dma_start3A_228 = arith.constant 0 : i32
    %dma_start3A_229 = tpu.memref_slice %arg16[%dma_start3A_228] : memref<3x!tpu.dma_semaphore, #tpu.memory_space<semaphore_mem>> -> memref<1x!tpu.dma_semaphore, #tpu.memory_space<semaphore_mem>>
    %dma_start3A_230 = tpu.memref_squeeze %dma_start3A_229 : memref<1x!tpu.dma_semaphore, #tpu.memory_space<semaphore_mem>> -> memref<!tpu.dma_semaphore, #tpu.memory_space<semaphore_mem>>
    %dma_start3A_231 = arith.constant 0 : i32
    %dma_start3A_232 = tpu.memref_slice %arg11[%add3A_226, %dma_start3A_231] : memref<262144x128xf32, #tpu.memory_space<hbm>> -> memref<256x128xf32, #tpu.memory_space<hbm>>
    %dma_start3A_233 = arith.constant 0 : i32
    %dma_start3A_234 = arith.constant 0 : i32
    %dma_start3A_235 = tpu.memref_slice %arg12[%arg1, %dma_start3A_227, %dma_start3A_233, %dma_start3A_234] : memref<16x3x256x128xf32, #tpu.memory_space<vmem_shared>> -> memref<1x1x256x128xf32, #tpu.memory_space<vmem_shared>>
    %dma_start3A_236 = tpu.memref_squeeze %dma_start3A_235 : memref<1x1x256x128xf32, #tpu.memory_space<vmem_shared>> -> memref<256x128xf32, #tpu.memory_space<vmem_shared>>
    tpu.enqueue_dma source(%dma_start3A_236 : memref<256x128xf32, #tpu.memory_space<vmem_shared>>) target(%dma_start3A_232 : memref<256x128xf32, #tpu.memory_space<hbm>>) target_semaphore(%dma_start3A_230 : memref<!tpu.dma_semaphore, #tpu.memory_space<semaphore_mem>>)
    %dma_wait3A_237 = arith.constant 2 : i32
    %dma_wait3A_238 = arith.constant 2 : i32
    %dma_wait3A_239 = tpu.memref_slice %arg16[%dma_wait3A_238] : memref<3x!tpu.dma_semaphore, #tpu.memory_space<semaphore_mem>> -> memref<1x!tpu.dma_semaphore, #tpu.memory_space<semaphore_mem>>
    %dma_wait3A_240 = tpu.memref_squeeze %dma_wait3A_239 : memref<1x!tpu.dma_semaphore, #tpu.memory_space<semaphore_mem>> -> memref<!tpu.dma_semaphore, #tpu.memory_space<semaphore_mem>>
    %dma_wait3A_241 = arith.constant 0 : i32
    %dma_wait3A_242 = tpu.memref_slice %arg11[%add3A_176, %dma_wait3A_241] : memref<262144x128xf32, #tpu.memory_space<hbm>> -> memref<256x128xf32, #tpu.memory_space<hbm>>
    %dma_wait3A_243 = arith.constant 0 : i32
    %dma_wait3A_244 = arith.constant 0 : i32
    %dma_wait3A_245 = tpu.memref_slice %arg12[%arg1, %dma_wait3A_237, %dma_wait3A_243, %dma_wait3A_244] : memref<16x3x256x128xf32, #tpu.memory_space<vmem_shared>> -> memref<1x1x256x128xf32, #tpu.memory_space<vmem_shared>>
    %dma_wait3A_246 = tpu.memref_squeeze %dma_wait3A_245 : memref<1x1x256x128xf32, #tpu.memory_space<vmem_shared>> -> memref<256x128xf32, #tpu.memory_space<vmem_shared>>
    tpu.wait_dma2 semaphore(%dma_wait3A_240 : memref<!tpu.dma_semaphore, #tpu.memory_space<semaphore_mem>>) src(%dma_wait3A_246 : memref<256x128xf32, #tpu.memory_space<vmem_shared>>) dst(%dma_wait3A_242 : memref<256x128xf32, #tpu.memory_space<hbm>>)
    %mul3A_247 = arith.constant 2048 : i32
    %mul3A_248 = arith.muli %add3A, %mul3A_247 : i32
    %add3A_249 = arith.constant 1280 : i32
    %add3A_250 = arith.addi %mul3A_248, %add3A_249 : i32
    %dma_start3A_251 = arith.constant 2 : i32
    %dma_start3A_252 = arith.constant 2 : i32
    %dma_start3A_253 = tpu.memref_slice %arg15[%dma_start3A_252] : memref<3x!tpu.dma_semaphore, #tpu.memory_space<semaphore_mem>> -> memref<1x!tpu.dma_semaphore, #tpu.memory_space<semaphore_mem>>
    %dma_start3A_254 = tpu.memref_squeeze %dma_start3A_253 : memref<1x!tpu.dma_semaphore, #tpu.memory_space<semaphore_mem>> -> memref<!tpu.dma_semaphore, #tpu.memory_space<semaphore_mem>>
    %dma_start3A_255 = arith.constant 0 : i32
    %dma_start3A_256 = arith.constant 0 : i32
    %dma_start3A_257 = tpu.memref_slice %arg12[%arg1, %dma_start3A_251, %dma_start3A_255, %dma_start3A_256] : memref<16x3x256x128xf32, #tpu.memory_space<vmem_shared>> -> memref<1x1x256x128xf32, #tpu.memory_space<vmem_shared>>
    %dma_start3A_258 = tpu.memref_squeeze %dma_start3A_257 : memref<1x1x256x128xf32, #tpu.memory_space<vmem_shared>> -> memref<256x128xf32, #tpu.memory_space<vmem_shared>>
    %dma_start3A_259 = arith.constant 0 : i32
    %dma_start3A_260 = tpu.memref_slice %arg2[%add3A_250, %dma_start3A_259] : memref<65536x128xf32, #tpu.memory_space<hbm>> -> memref<256x128xf32, #tpu.memory_space<hbm>>
    tpu.enqueue_dma source(%dma_start3A_260 : memref<256x128xf32, #tpu.memory_space<hbm>>) target(%dma_start3A_258 : memref<256x128xf32, #tpu.memory_space<vmem_shared>>) target_semaphore(%dma_start3A_254 : memref<!tpu.dma_semaphore, #tpu.memory_space<semaphore_mem>>)
    %dma_wait3A_261 = arith.constant 1 : i32
    %dma_wait3A_262 = arith.constant 1 : i32
    %dma_wait3A_263 = tpu.memref_slice %arg15[%dma_wait3A_262] : memref<3x!tpu.dma_semaphore, #tpu.memory_space<semaphore_mem>> -> memref<1x!tpu.dma_semaphore, #tpu.memory_space<semaphore_mem>>
    %dma_wait3A_264 = tpu.memref_squeeze %dma_wait3A_263 : memref<1x!tpu.dma_semaphore, #tpu.memory_space<semaphore_mem>> -> memref<!tpu.dma_semaphore, #tpu.memory_space<semaphore_mem>>
    %dma_wait3A_265 = arith.constant 0 : i32
    %dma_wait3A_266 = arith.constant 0 : i32
    %dma_wait3A_267 = tpu.memref_slice %arg12[%arg1, %dma_wait3A_261, %dma_wait3A_265, %dma_wait3A_266] : memref<16x3x256x128xf32, #tpu.memory_space<vmem_shared>> -> memref<1x1x256x128xf32, #tpu.memory_space<vmem_shared>>
    %dma_wait3A_268 = tpu.memref_squeeze %dma_wait3A_267 : memref<1x1x256x128xf32, #tpu.memory_space<vmem_shared>> -> memref<256x128xf32, #tpu.memory_space<vmem_shared>>
    %dma_wait3A_269 = arith.constant 0 : i32
    %dma_wait3A_270 = tpu.memref_slice %arg2[%add3A_200, %dma_wait3A_269] : memref<65536x128xf32, #tpu.memory_space<hbm>> -> memref<256x128xf32, #tpu.memory_space<hbm>>
    tpu.wait_dma2 semaphore(%dma_wait3A_264 : memref<!tpu.dma_semaphore, #tpu.memory_space<semaphore_mem>>) src(%dma_wait3A_270 : memref<256x128xf32, #tpu.memory_space<hbm>>) dst(%dma_wait3A_268 : memref<256x128xf32, #tpu.memory_space<vmem_shared>>)
    %add3A_271 = arith.constant 0 : i32
    %add3A_272 = arith.addi %add3A_271, %add3A : i32
    %mul3A_273 = arith.constant 2048 : i32
    %mul3A_274 = arith.muli %add3A_272, %mul3A_273 : i32
    %add3A_275 = arith.constant 1024 : i32
    %add3A_276 = arith.addi %mul3A_274, %add3A_275 : i32
    %dma_start3A_277 = arith.constant 1 : i32
    %dma_start3A_278 = arith.constant 1 : i32
    %dma_start3A_279 = tpu.memref_slice %arg16[%dma_start3A_278] : memref<3x!tpu.dma_semaphore, #tpu.memory_space<semaphore_mem>> -> memref<1x!tpu.dma_semaphore, #tpu.memory_space<semaphore_mem>>
    %dma_start3A_280 = tpu.memref_squeeze %dma_start3A_279 : memref<1x!tpu.dma_semaphore, #tpu.memory_space<semaphore_mem>> -> memref<!tpu.dma_semaphore, #tpu.memory_space<semaphore_mem>>
    %dma_start3A_281 = arith.constant 0 : i32
    %dma_start3A_282 = tpu.memref_slice %arg11[%add3A_276, %dma_start3A_281] : memref<262144x128xf32, #tpu.memory_space<hbm>> -> memref<256x128xf32, #tpu.memory_space<hbm>>
    %dma_start3A_283 = arith.constant 0 : i32
    %dma_start3A_284 = arith.constant 0 : i32
    %dma_start3A_285 = tpu.memref_slice %arg12[%arg1, %dma_start3A_277, %dma_start3A_283, %dma_start3A_284] : memref<16x3x256x128xf32, #tpu.memory_space<vmem_shared>> -> memref<1x1x256x128xf32, #tpu.memory_space<vmem_shared>>
    %dma_start3A_286 = tpu.memref_squeeze %dma_start3A_285 : memref<1x1x256x128xf32, #tpu.memory_space<vmem_shared>> -> memref<256x128xf32, #tpu.memory_space<vmem_shared>>
    tpu.enqueue_dma source(%dma_start3A_286 : memref<256x128xf32, #tpu.memory_space<vmem_shared>>) target(%dma_start3A_282 : memref<256x128xf32, #tpu.memory_space<hbm>>) target_semaphore(%dma_start3A_280 : memref<!tpu.dma_semaphore, #tpu.memory_space<semaphore_mem>>)
    %dma_wait3A_287 = arith.constant 0 : i32
    %dma_wait3A_288 = arith.constant 0 : i32
    %dma_wait3A_289 = tpu.memref_slice %arg16[%dma_wait3A_288] : memref<3x!tpu.dma_semaphore, #tpu.memory_space<semaphore_mem>> -> memref<1x!tpu.dma_semaphore, #tpu.memory_space<semaphore_mem>>
    %dma_wait3A_290 = tpu.memref_squeeze %dma_wait3A_289 : memref<1x!tpu.dma_semaphore, #tpu.memory_space<semaphore_mem>> -> memref<!tpu.dma_semaphore, #tpu.memory_space<semaphore_mem>>
    %dma_wait3A_291 = arith.constant 0 : i32
    %dma_wait3A_292 = tpu.memref_slice %arg11[%add3A_226, %dma_wait3A_291] : memref<262144x128xf32, #tpu.memory_space<hbm>> -> memref<256x128xf32, #tpu.memory_space<hbm>>
    %dma_wait3A_293 = arith.constant 0 : i32
    %dma_wait3A_294 = arith.constant 0 : i32
    %dma_wait3A_295 = tpu.memref_slice %arg12[%arg1, %dma_wait3A_287, %dma_wait3A_293, %dma_wait3A_294] : memref<16x3x256x128xf32, #tpu.memory_space<vmem_shared>> -> memref<1x1x256x128xf32, #tpu.memory_space<vmem_shared>>
    %dma_wait3A_296 = tpu.memref_squeeze %dma_wait3A_295 : memref<1x1x256x128xf32, #tpu.memory_space<vmem_shared>> -> memref<256x128xf32, #tpu.memory_space<vmem_shared>>
    tpu.wait_dma2 semaphore(%dma_wait3A_290 : memref<!tpu.dma_semaphore, #tpu.memory_space<semaphore_mem>>) src(%dma_wait3A_296 : memref<256x128xf32, #tpu.memory_space<vmem_shared>>) dst(%dma_wait3A_292 : memref<256x128xf32, #tpu.memory_space<hbm>>)
    %mul3A_297 = arith.constant 2048 : i32
    %mul3A_298 = arith.muli %add3A, %mul3A_297 : i32
    %add3A_299 = arith.constant 1536 : i32
    %add3A_300 = arith.addi %mul3A_298, %add3A_299 : i32
    %dma_start3A_301 = arith.constant 0 : i32
    %dma_start3A_302 = arith.constant 0 : i32
    %dma_start3A_303 = tpu.memref_slice %arg15[%dma_start3A_302] : memref<3x!tpu.dma_semaphore, #tpu.memory_space<semaphore_mem>> -> memref<1x!tpu.dma_semaphore, #tpu.memory_space<semaphore_mem>>
    %dma_start3A_304 = tpu.memref_squeeze %dma_start3A_303 : memref<1x!tpu.dma_semaphore, #tpu.memory_space<semaphore_mem>> -> memref<!tpu.dma_semaphore, #tpu.memory_space<semaphore_mem>>
    %dma_start3A_305 = arith.constant 0 : i32
    %dma_start3A_306 = arith.constant 0 : i32
    %dma_start3A_307 = tpu.memref_slice %arg12[%arg1, %dma_start3A_301, %dma_start3A_305, %dma_start3A_306] : memref<16x3x256x128xf32, #tpu.memory_space<vmem_shared>> -> memref<1x1x256x128xf32, #tpu.memory_space<vmem_shared>>
    %dma_start3A_308 = tpu.memref_squeeze %dma_start3A_307 : memref<1x1x256x128xf32, #tpu.memory_space<vmem_shared>> -> memref<256x128xf32, #tpu.memory_space<vmem_shared>>
    %dma_start3A_309 = arith.constant 0 : i32
    %dma_start3A_310 = tpu.memref_slice %arg2[%add3A_300, %dma_start3A_309] : memref<65536x128xf32, #tpu.memory_space<hbm>> -> memref<256x128xf32, #tpu.memory_space<hbm>>
    tpu.enqueue_dma source(%dma_start3A_310 : memref<256x128xf32, #tpu.memory_space<hbm>>) target(%dma_start3A_308 : memref<256x128xf32, #tpu.memory_space<vmem_shared>>) target_semaphore(%dma_start3A_304 : memref<!tpu.dma_semaphore, #tpu.memory_space<semaphore_mem>>)
    %dma_wait3A_311 = arith.constant 2 : i32
    %dma_wait3A_312 = arith.constant 2 : i32
    %dma_wait3A_313 = tpu.memref_slice %arg15[%dma_wait3A_312] : memref<3x!tpu.dma_semaphore, #tpu.memory_space<semaphore_mem>> -> memref<1x!tpu.dma_semaphore, #tpu.memory_space<semaphore_mem>>
    %dma_wait3A_314 = tpu.memref_squeeze %dma_wait3A_313 : memref<1x!tpu.dma_semaphore, #tpu.memory_space<semaphore_mem>> -> memref<!tpu.dma_semaphore, #tpu.memory_space<semaphore_mem>>
    %dma_wait3A_315 = arith.constant 0 : i32
    %dma_wait3A_316 = arith.constant 0 : i32
    %dma_wait3A_317 = tpu.memref_slice %arg12[%arg1, %dma_wait3A_311, %dma_wait3A_315, %dma_wait3A_316] : memref<16x3x256x128xf32, #tpu.memory_space<vmem_shared>> -> memref<1x1x256x128xf32, #tpu.memory_space<vmem_shared>>
    %dma_wait3A_318 = tpu.memref_squeeze %dma_wait3A_317 : memref<1x1x256x128xf32, #tpu.memory_space<vmem_shared>> -> memref<256x128xf32, #tpu.memory_space<vmem_shared>>
    %dma_wait3A_319 = arith.constant 0 : i32
    %dma_wait3A_320 = tpu.memref_slice %arg2[%add3A_250, %dma_wait3A_319] : memref<65536x128xf32, #tpu.memory_space<hbm>> -> memref<256x128xf32, #tpu.memory_space<hbm>>
    tpu.wait_dma2 semaphore(%dma_wait3A_314 : memref<!tpu.dma_semaphore, #tpu.memory_space<semaphore_mem>>) src(%dma_wait3A_320 : memref<256x128xf32, #tpu.memory_space<hbm>>) dst(%dma_wait3A_318 : memref<256x128xf32, #tpu.memory_space<vmem_shared>>)
    %add3A_321 = arith.constant 0 : i32
    %add3A_322 = arith.addi %add3A_321, %add3A : i32
    %mul3A_323 = arith.constant 2048 : i32
    %mul3A_324 = arith.muli %add3A_322, %mul3A_323 : i32
    %add3A_325 = arith.constant 1280 : i32
    %add3A_326 = arith.addi %mul3A_324, %add3A_325 : i32
    %dma_start3A_327 = arith.constant 2 : i32
    %dma_start3A_328 = arith.constant 2 : i32
    %dma_start3A_329 = tpu.memref_slice %arg16[%dma_start3A_328] : memref<3x!tpu.dma_semaphore, #tpu.memory_space<semaphore_mem>> -> memref<1x!tpu.dma_semaphore, #tpu.memory_space<semaphore_mem>>
    %dma_start3A_330 = tpu.memref_squeeze %dma_start3A_329 : memref<1x!tpu.dma_semaphore, #tpu.memory_space<semaphore_mem>> -> memref<!tpu.dma_semaphore, #tpu.memory_space<semaphore_mem>>
    %dma_start3A_331 = arith.constant 0 : i32
    %dma_start3A_332 = tpu.memref_slice %arg11[%add3A_326, %dma_start3A_331] : memref<262144x128xf32, #tpu.memory_space<hbm>> -> memref<256x128xf32, #tpu.memory_space<hbm>>
    %dma_start3A_333 = arith.constant 0 : i32
    %dma_start3A_334 = arith.constant 0 : i32
    %dma_start3A_335 = tpu.memref_slice %arg12[%arg1, %dma_start3A_327, %dma_start3A_333, %dma_start3A_334] : memref<16x3x256x128xf32, #tpu.memory_space<vmem_shared>> -> memref<1x1x256x128xf32, #tpu.memory_space<vmem_shared>>
    %dma_start3A_336 = tpu.memref_squeeze %dma_start3A_335 : memref<1x1x256x128xf32, #tpu.memory_space<vmem_shared>> -> memref<256x128xf32, #tpu.memory_space<vmem_shared>>
    tpu.enqueue_dma source(%dma_start3A_336 : memref<256x128xf32, #tpu.memory_space<vmem_shared>>) target(%dma_start3A_332 : memref<256x128xf32, #tpu.memory_space<hbm>>) target_semaphore(%dma_start3A_330 : memref<!tpu.dma_semaphore, #tpu.memory_space<semaphore_mem>>)
    %dma_wait3A_337 = arith.constant 1 : i32
    %dma_wait3A_338 = arith.constant 1 : i32
    %dma_wait3A_339 = tpu.memref_slice %arg16[%dma_wait3A_338] : memref<3x!tpu.dma_semaphore, #tpu.memory_space<semaphore_mem>> -> memref<1x!tpu.dma_semaphore, #tpu.memory_space<semaphore_mem>>
    %dma_wait3A_340 = tpu.memref_squeeze %dma_wait3A_339 : memref<1x!tpu.dma_semaphore, #tpu.memory_space<semaphore_mem>> -> memref<!tpu.dma_semaphore, #tpu.memory_space<semaphore_mem>>
    %dma_wait3A_341 = arith.constant 0 : i32
    %dma_wait3A_342 = tpu.memref_slice %arg11[%add3A_276, %dma_wait3A_341] : memref<262144x128xf32, #tpu.memory_space<hbm>> -> memref<256x128xf32, #tpu.memory_space<hbm>>
    %dma_wait3A_343 = arith.constant 0 : i32
    %dma_wait3A_344 = arith.constant 0 : i32
    %dma_wait3A_345 = tpu.memref_slice %arg12[%arg1, %dma_wait3A_337, %dma_wait3A_343, %dma_wait3A_344] : memref<16x3x256x128xf32, #tpu.memory_space<vmem_shared>> -> memref<1x1x256x128xf32, #tpu.memory_space<vmem_shared>>
    %dma_wait3A_346 = tpu.memref_squeeze %dma_wait3A_345 : memref<1x1x256x128xf32, #tpu.memory_space<vmem_shared>> -> memref<256x128xf32, #tpu.memory_space<vmem_shared>>
    tpu.wait_dma2 semaphore(%dma_wait3A_340 : memref<!tpu.dma_semaphore, #tpu.memory_space<semaphore_mem>>) src(%dma_wait3A_346 : memref<256x128xf32, #tpu.memory_space<vmem_shared>>) dst(%dma_wait3A_342 : memref<256x128xf32, #tpu.memory_space<hbm>>)
    %mul3A_347 = arith.constant 2048 : i32
    %mul3A_348 = arith.muli %add3A, %mul3A_347 : i32
    %add3A_349 = arith.constant 1792 : i32
    %add3A_350 = arith.addi %mul3A_348, %add3A_349 : i32
    %dma_start3A_351 = arith.constant 1 : i32
    %dma_start3A_352 = arith.constant 1 : i32
    %dma_start3A_353 = tpu.memref_slice %arg15[%dma_start3A_352] : memref<3x!tpu.dma_semaphore, #tpu.memory_space<semaphore_mem>> -> memref<1x!tpu.dma_semaphore, #tpu.memory_space<semaphore_mem>>
    %dma_start3A_354 = tpu.memref_squeeze %dma_start3A_353 : memref<1x!tpu.dma_semaphore, #tpu.memory_space<semaphore_mem>> -> memref<!tpu.dma_semaphore, #tpu.memory_space<semaphore_mem>>
    %dma_start3A_355 = arith.constant 0 : i32
    %dma_start3A_356 = arith.constant 0 : i32
    %dma_start3A_357 = tpu.memref_slice %arg12[%arg1, %dma_start3A_351, %dma_start3A_355, %dma_start3A_356] : memref<16x3x256x128xf32, #tpu.memory_space<vmem_shared>> -> memref<1x1x256x128xf32, #tpu.memory_space<vmem_shared>>
    %dma_start3A_358 = tpu.memref_squeeze %dma_start3A_357 : memref<1x1x256x128xf32, #tpu.memory_space<vmem_shared>> -> memref<256x128xf32, #tpu.memory_space<vmem_shared>>
    %dma_start3A_359 = arith.constant 0 : i32
    %dma_start3A_360 = tpu.memref_slice %arg2[%add3A_350, %dma_start3A_359] : memref<65536x128xf32, #tpu.memory_space<hbm>> -> memref<256x128xf32, #tpu.memory_space<hbm>>
    tpu.enqueue_dma source(%dma_start3A_360 : memref<256x128xf32, #tpu.memory_space<hbm>>) target(%dma_start3A_358 : memref<256x128xf32, #tpu.memory_space<vmem_shared>>) target_semaphore(%dma_start3A_354 : memref<!tpu.dma_semaphore, #tpu.memory_space<semaphore_mem>>)
    %dma_wait3A_361 = arith.constant 0 : i32
    %dma_wait3A_362 = arith.constant 0 : i32
    %dma_wait3A_363 = tpu.memref_slice %arg15[%dma_wait3A_362] : memref<3x!tpu.dma_semaphore, #tpu.memory_space<semaphore_mem>> -> memref<1x!tpu.dma_semaphore, #tpu.memory_space<semaphore_mem>>
    %dma_wait3A_364 = tpu.memref_squeeze %dma_wait3A_363 : memref<1x!tpu.dma_semaphore, #tpu.memory_space<semaphore_mem>> -> memref<!tpu.dma_semaphore, #tpu.memory_space<semaphore_mem>>
    %dma_wait3A_365 = arith.constant 0 : i32
    %dma_wait3A_366 = arith.constant 0 : i32
    %dma_wait3A_367 = tpu.memref_slice %arg12[%arg1, %dma_wait3A_361, %dma_wait3A_365, %dma_wait3A_366] : memref<16x3x256x128xf32, #tpu.memory_space<vmem_shared>> -> memref<1x1x256x128xf32, #tpu.memory_space<vmem_shared>>
    %dma_wait3A_368 = tpu.memref_squeeze %dma_wait3A_367 : memref<1x1x256x128xf32, #tpu.memory_space<vmem_shared>> -> memref<256x128xf32, #tpu.memory_space<vmem_shared>>
    %dma_wait3A_369 = arith.constant 0 : i32
    %dma_wait3A_370 = tpu.memref_slice %arg2[%add3A_300, %dma_wait3A_369] : memref<65536x128xf32, #tpu.memory_space<hbm>> -> memref<256x128xf32, #tpu.memory_space<hbm>>
    tpu.wait_dma2 semaphore(%dma_wait3A_364 : memref<!tpu.dma_semaphore, #tpu.memory_space<semaphore_mem>>) src(%dma_wait3A_370 : memref<256x128xf32, #tpu.memory_space<hbm>>) dst(%dma_wait3A_368 : memref<256x128xf32, #tpu.memory_space<vmem_shared>>)
    %add3A_371 = arith.constant 0 : i32
    %add3A_372 = arith.addi %add3A_371, %add3A : i32
    %mul3A_373 = arith.constant 2048 : i32
    %mul3A_374 = arith.muli %add3A_372, %mul3A_373 : i32
    %add3A_375 = arith.constant 1536 : i32
    %add3A_376 = arith.addi %mul3A_374, %add3A_375 : i32
    %dma_start3A_377 = arith.constant 0 : i32
    %dma_start3A_378 = arith.constant 0 : i32
    %dma_start3A_379 = tpu.memref_slice %arg16[%dma_start3A_378] : memref<3x!tpu.dma_semaphore, #tpu.memory_space<semaphore_mem>> -> memref<1x!tpu.dma_semaphore, #tpu.memory_space<semaphore_mem>>
    %dma_start3A_380 = tpu.memref_squeeze %dma_start3A_379 : memref<1x!tpu.dma_semaphore, #tpu.memory_space<semaphore_mem>> -> memref<!tpu.dma_semaphore, #tpu.memory_space<semaphore_mem>>
    %dma_start3A_381 = arith.constant 0 : i32
    %dma_start3A_382 = tpu.memref_slice %arg11[%add3A_376, %dma_start3A_381] : memref<262144x128xf32, #tpu.memory_space<hbm>> -> memref<256x128xf32, #tpu.memory_space<hbm>>
    %dma_start3A_383 = arith.constant 0 : i32
    %dma_start3A_384 = arith.constant 0 : i32
    %dma_start3A_385 = tpu.memref_slice %arg12[%arg1, %dma_start3A_377, %dma_start3A_383, %dma_start3A_384] : memref<16x3x256x128xf32, #tpu.memory_space<vmem_shared>> -> memref<1x1x256x128xf32, #tpu.memory_space<vmem_shared>>
    %dma_start3A_386 = tpu.memref_squeeze %dma_start3A_385 : memref<1x1x256x128xf32, #tpu.memory_space<vmem_shared>> -> memref<256x128xf32, #tpu.memory_space<vmem_shared>>
    tpu.enqueue_dma source(%dma_start3A_386 : memref<256x128xf32, #tpu.memory_space<vmem_shared>>) target(%dma_start3A_382 : memref<256x128xf32, #tpu.memory_space<hbm>>) target_semaphore(%dma_start3A_380 : memref<!tpu.dma_semaphore, #tpu.memory_space<semaphore_mem>>)
    %dma_wait3A_387 = arith.constant 2 : i32
    %dma_wait3A_388 = arith.constant 2 : i32
    %dma_wait3A_389 = tpu.memref_slice %arg16[%dma_wait3A_388] : memref<3x!tpu.dma_semaphore, #tpu.memory_space<semaphore_mem>> -> memref<1x!tpu.dma_semaphore, #tpu.memory_space<semaphore_mem>>
    %dma_wait3A_390 = tpu.memref_squeeze %dma_wait3A_389 : memref<1x!tpu.dma_semaphore, #tpu.memory_space<semaphore_mem>> -> memref<!tpu.dma_semaphore, #tpu.memory_space<semaphore_mem>>
    %dma_wait3A_391 = arith.constant 0 : i32
    %dma_wait3A_392 = tpu.memref_slice %arg11[%add3A_326, %dma_wait3A_391] : memref<262144x128xf32, #tpu.memory_space<hbm>> -> memref<256x128xf32, #tpu.memory_space<hbm>>
    %dma_wait3A_393 = arith.constant 0 : i32
    %dma_wait3A_394 = arith.constant 0 : i32
    %dma_wait3A_395 = tpu.memref_slice %arg12[%arg1, %dma_wait3A_387, %dma_wait3A_393, %dma_wait3A_394] : memref<16x3x256x128xf32, #tpu.memory_space<vmem_shared>> -> memref<1x1x256x128xf32, #tpu.memory_space<vmem_shared>>
    %dma_wait3A_396 = tpu.memref_squeeze %dma_wait3A_395 : memref<1x1x256x128xf32, #tpu.memory_space<vmem_shared>> -> memref<256x128xf32, #tpu.memory_space<vmem_shared>>
    tpu.wait_dma2 semaphore(%dma_wait3A_390 : memref<!tpu.dma_semaphore, #tpu.memory_space<semaphore_mem>>) src(%dma_wait3A_396 : memref<256x128xf32, #tpu.memory_space<vmem_shared>>) dst(%dma_wait3A_392 : memref<256x128xf32, #tpu.memory_space<hbm>>)
    %mul3A_397 = arith.constant 2048 : i32
    %mul3A_398 = arith.muli %add3A, %mul3A_397 : i32
    %add3A_399 = arith.constant 0 : i32
    %add3A_400 = arith.addi %mul3A_398, %add3A_399 : i32
    %dma_start3A_401 = arith.constant 2 : i32
    %dma_start3A_402 = arith.constant 2 : i32
    %dma_start3A_403 = tpu.memref_slice %arg15[%dma_start3A_402] : memref<3x!tpu.dma_semaphore, #tpu.memory_space<semaphore_mem>> -> memref<1x!tpu.dma_semaphore, #tpu.memory_space<semaphore_mem>>
    %dma_start3A_404 = tpu.memref_squeeze %dma_start3A_403 : memref<1x!tpu.dma_semaphore, #tpu.memory_space<semaphore_mem>> -> memref<!tpu.dma_semaphore, #tpu.memory_space<semaphore_mem>>
    %dma_start3A_405 = arith.constant 0 : i32
    %dma_start3A_406 = arith.constant 0 : i32
    %dma_start3A_407 = tpu.memref_slice %arg12[%arg1, %dma_start3A_401, %dma_start3A_405, %dma_start3A_406] : memref<16x3x256x128xf32, #tpu.memory_space<vmem_shared>> -> memref<1x1x256x128xf32, #tpu.memory_space<vmem_shared>>
    %dma_start3A_408 = tpu.memref_squeeze %dma_start3A_407 : memref<1x1x256x128xf32, #tpu.memory_space<vmem_shared>> -> memref<256x128xf32, #tpu.memory_space<vmem_shared>>
    %dma_start3A_409 = arith.constant 0 : i32
    %dma_start3A_410 = tpu.memref_slice %arg3[%add3A_400, %dma_start3A_409] : memref<65536x128xf32, #tpu.memory_space<hbm>> -> memref<256x128xf32, #tpu.memory_space<hbm>>
    tpu.enqueue_dma source(%dma_start3A_410 : memref<256x128xf32, #tpu.memory_space<hbm>>) target(%dma_start3A_408 : memref<256x128xf32, #tpu.memory_space<vmem_shared>>) target_semaphore(%dma_start3A_404 : memref<!tpu.dma_semaphore, #tpu.memory_space<semaphore_mem>>)
    %dma_wait3A_411 = arith.constant 1 : i32
    %dma_wait3A_412 = arith.constant 1 : i32
    %dma_wait3A_413 = tpu.memref_slice %arg15[%dma_wait3A_412] : memref<3x!tpu.dma_semaphore, #tpu.memory_space<semaphore_mem>> -> memref<1x!tpu.dma_semaphore, #tpu.memory_space<semaphore_mem>>
    %dma_wait3A_414 = tpu.memref_squeeze %dma_wait3A_413 : memref<1x!tpu.dma_semaphore, #tpu.memory_space<semaphore_mem>> -> memref<!tpu.dma_semaphore, #tpu.memory_space<semaphore_mem>>
    %dma_wait3A_415 = arith.constant 0 : i32
    %dma_wait3A_416 = arith.constant 0 : i32
    %dma_wait3A_417 = tpu.memref_slice %arg12[%arg1, %dma_wait3A_411, %dma_wait3A_415, %dma_wait3A_416] : memref<16x3x256x128xf32, #tpu.memory_space<vmem_shared>> -> memref<1x1x256x128xf32, #tpu.memory_space<vmem_shared>>
    %dma_wait3A_418 = tpu.memref_squeeze %dma_wait3A_417 : memref<1x1x256x128xf32, #tpu.memory_space<vmem_shared>> -> memref<256x128xf32, #tpu.memory_space<vmem_shared>>
    %dma_wait3A_419 = arith.constant 0 : i32
    %dma_wait3A_420 = tpu.memref_slice %arg2[%add3A_350, %dma_wait3A_419] : memref<65536x128xf32, #tpu.memory_space<hbm>> -> memref<256x128xf32, #tpu.memory_space<hbm>>
    tpu.wait_dma2 semaphore(%dma_wait3A_414 : memref<!tpu.dma_semaphore, #tpu.memory_space<semaphore_mem>>) src(%dma_wait3A_420 : memref<256x128xf32, #tpu.memory_space<hbm>>) dst(%dma_wait3A_418 : memref<256x128xf32, #tpu.memory_space<vmem_shared>>)
    %add3A_421 = arith.constant 0 : i32
    %add3A_422 = arith.addi %add3A_421, %add3A : i32
    %mul3A_423 = arith.constant 2048 : i32
    %mul3A_424 = arith.muli %add3A_422, %mul3A_423 : i32
    %add3A_425 = arith.constant 1792 : i32
    %add3A_426 = arith.addi %mul3A_424, %add3A_425 : i32
    %dma_start3A_427 = arith.constant 1 : i32
    %dma_start3A_428 = arith.constant 1 : i32
    %dma_start3A_429 = tpu.memref_slice %arg16[%dma_start3A_428] : memref<3x!tpu.dma_semaphore, #tpu.memory_space<semaphore_mem>> -> memref<1x!tpu.dma_semaphore, #tpu.memory_space<semaphore_mem>>
    %dma_start3A_430 = tpu.memref_squeeze %dma_start3A_429 : memref<1x!tpu.dma_semaphore, #tpu.memory_space<semaphore_mem>> -> memref<!tpu.dma_semaphore, #tpu.memory_space<semaphore_mem>>
    %dma_start3A_431 = arith.constant 0 : i32
    %dma_start3A_432 = tpu.memref_slice %arg11[%add3A_426, %dma_start3A_431] : memref<262144x128xf32, #tpu.memory_space<hbm>> -> memref<256x128xf32, #tpu.memory_space<hbm>>
    %dma_start3A_433 = arith.constant 0 : i32
    %dma_start3A_434 = arith.constant 0 : i32
    %dma_start3A_435 = tpu.memref_slice %arg12[%arg1, %dma_start3A_427, %dma_start3A_433, %dma_start3A_434] : memref<16x3x256x128xf32, #tpu.memory_space<vmem_shared>> -> memref<1x1x256x128xf32, #tpu.memory_space<vmem_shared>>
    %dma_start3A_436 = tpu.memref_squeeze %dma_start3A_435 : memref<1x1x256x128xf32, #tpu.memory_space<vmem_shared>> -> memref<256x128xf32, #tpu.memory_space<vmem_shared>>
    tpu.enqueue_dma source(%dma_start3A_436 : memref<256x128xf32, #tpu.memory_space<vmem_shared>>) target(%dma_start3A_432 : memref<256x128xf32, #tpu.memory_space<hbm>>) target_semaphore(%dma_start3A_430 : memref<!tpu.dma_semaphore, #tpu.memory_space<semaphore_mem>>)
    %dma_wait3A_437 = arith.constant 0 : i32
    %dma_wait3A_438 = arith.constant 0 : i32
    %dma_wait3A_439 = tpu.memref_slice %arg16[%dma_wait3A_438] : memref<3x!tpu.dma_semaphore, #tpu.memory_space<semaphore_mem>> -> memref<1x!tpu.dma_semaphore, #tpu.memory_space<semaphore_mem>>
    %dma_wait3A_440 = tpu.memref_squeeze %dma_wait3A_439 : memref<1x!tpu.dma_semaphore, #tpu.memory_space<semaphore_mem>> -> memref<!tpu.dma_semaphore, #tpu.memory_space<semaphore_mem>>
    %dma_wait3A_441 = arith.constant 0 : i32
    %dma_wait3A_442 = tpu.memref_slice %arg11[%add3A_376, %dma_wait3A_441] : memref<262144x128xf32, #tpu.memory_space<hbm>> -> memref<256x128xf32, #tpu.memory_space<hbm>>
    %dma_wait3A_443 = arith.constant 0 : i32
    %dma_wait3A_444 = arith.constant 0 : i32
    %dma_wait3A_445 = tpu.memref_slice %arg12[%arg1, %dma_wait3A_437, %dma_wait3A_443, %dma_wait3A_444] : memref<16x3x256x128xf32, #tpu.memory_space<vmem_shared>> -> memref<1x1x256x128xf32, #tpu.memory_space<vmem_shared>>
    %dma_wait3A_446 = tpu.memref_squeeze %dma_wait3A_445 : memref<1x1x256x128xf32, #tpu.memory_space<vmem_shared>> -> memref<256x128xf32, #tpu.memory_space<vmem_shared>>
    tpu.wait_dma2 semaphore(%dma_wait3A_440 : memref<!tpu.dma_semaphore, #tpu.memory_space<semaphore_mem>>) src(%dma_wait3A_446 : memref<256x128xf32, #tpu.memory_space<vmem_shared>>) dst(%dma_wait3A_442 : memref<256x128xf32, #tpu.memory_space<hbm>>)
    %mul3A_447 = arith.constant 2048 : i32
    %mul3A_448 = arith.muli %add3A, %mul3A_447 : i32
    %add3A_449 = arith.constant 256 : i32
    %add3A_450 = arith.addi %mul3A_448, %add3A_449 : i32
    %dma_start3A_451 = arith.constant 0 : i32
    %dma_start3A_452 = arith.constant 0 : i32
    %dma_start3A_453 = tpu.memref_slice %arg15[%dma_start3A_452] : memref<3x!tpu.dma_semaphore, #tpu.memory_space<semaphore_mem>> -> memref<1x!tpu.dma_semaphore, #tpu.memory_space<semaphore_mem>>
    %dma_start3A_454 = tpu.memref_squeeze %dma_start3A_453 : memref<1x!tpu.dma_semaphore, #tpu.memory_space<semaphore_mem>> -> memref<!tpu.dma_semaphore, #tpu.memory_space<semaphore_mem>>
    %dma_start3A_455 = arith.constant 0 : i32
    %dma_start3A_456 = arith.constant 0 : i32
    %dma_start3A_457 = tpu.memref_slice %arg12[%arg1, %dma_start3A_451, %dma_start3A_455, %dma_start3A_456] : memref<16x3x256x128xf32, #tpu.memory_space<vmem_shared>> -> memref<1x1x256x128xf32, #tpu.memory_space<vmem_shared>>
    %dma_start3A_458 = tpu.memref_squeeze %dma_start3A_457 : memref<1x1x256x128xf32, #tpu.memory_space<vmem_shared>> -> memref<256x128xf32, #tpu.memory_space<vmem_shared>>
    %dma_start3A_459 = arith.constant 0 : i32
    %dma_start3A_460 = tpu.memref_slice %arg3[%add3A_450, %dma_start3A_459] : memref<65536x128xf32, #tpu.memory_space<hbm>> -> memref<256x128xf32, #tpu.memory_space<hbm>>
    tpu.enqueue_dma source(%dma_start3A_460 : memref<256x128xf32, #tpu.memory_space<hbm>>) target(%dma_start3A_458 : memref<256x128xf32, #tpu.memory_space<vmem_shared>>) target_semaphore(%dma_start3A_454 : memref<!tpu.dma_semaphore, #tpu.memory_space<semaphore_mem>>)
    %dma_wait3A_461 = arith.constant 2 : i32
    %dma_wait3A_462 = arith.constant 2 : i32
    %dma_wait3A_463 = tpu.memref_slice %arg15[%dma_wait3A_462] : memref<3x!tpu.dma_semaphore, #tpu.memory_space<semaphore_mem>> -> memref<1x!tpu.dma_semaphore, #tpu.memory_space<semaphore_mem>>
    %dma_wait3A_464 = tpu.memref_squeeze %dma_wait3A_463 : memref<1x!tpu.dma_semaphore, #tpu.memory_space<semaphore_mem>> -> memref<!tpu.dma_semaphore, #tpu.memory_space<semaphore_mem>>
    %dma_wait3A_465 = arith.constant 0 : i32
    %dma_wait3A_466 = arith.constant 0 : i32
    %dma_wait3A_467 = tpu.memref_slice %arg12[%arg1, %dma_wait3A_461, %dma_wait3A_465, %dma_wait3A_466] : memref<16x3x256x128xf32, #tpu.memory_space<vmem_shared>> -> memref<1x1x256x128xf32, #tpu.memory_space<vmem_shared>>
    %dma_wait3A_468 = tpu.memref_squeeze %dma_wait3A_467 : memref<1x1x256x128xf32, #tpu.memory_space<vmem_shared>> -> memref<256x128xf32, #tpu.memory_space<vmem_shared>>
    %dma_wait3A_469 = arith.constant 0 : i32
    %dma_wait3A_470 = tpu.memref_slice %arg3[%add3A_400, %dma_wait3A_469] : memref<65536x128xf32, #tpu.memory_space<hbm>> -> memref<256x128xf32, #tpu.memory_space<hbm>>
    tpu.wait_dma2 semaphore(%dma_wait3A_464 : memref<!tpu.dma_semaphore, #tpu.memory_space<semaphore_mem>>) src(%dma_wait3A_470 : memref<256x128xf32, #tpu.memory_space<hbm>>) dst(%dma_wait3A_468 : memref<256x128xf32, #tpu.memory_space<vmem_shared>>)
    %add3A_471 = arith.constant 32 : i32
    %add3A_472 = arith.addi %add3A_471, %add3A : i32
    %mul3A_473 = arith.constant 2048 : i32
    %mul3A_474 = arith.muli %add3A_472, %mul3A_473 : i32
    %add3A_475 = arith.constant 0 : i32
    %add3A_476 = arith.addi %mul3A_474, %add3A_475 : i32
    %dma_start3A_477 = arith.constant 2 : i32
    %dma_start3A_478 = arith.constant 2 : i32
    %dma_start3A_479 = tpu.memref_slice %arg16[%dma_start3A_478] : memref<3x!tpu.dma_semaphore, #tpu.memory_space<semaphore_mem>> -> memref<1x!tpu.dma_semaphore, #tpu.memory_space<semaphore_mem>>
    %dma_start3A_480 = tpu.memref_squeeze %dma_start3A_479 : memref<1x!tpu.dma_semaphore, #tpu.memory_space<semaphore_mem>> -> memref<!tpu.dma_semaphore, #tpu.memory_space<semaphore_mem>>
    %dma_start3A_481 = arith.constant 0 : i32
    %dma_start3A_482 = tpu.memref_slice %arg11[%add3A_476, %dma_start3A_481] : memref<262144x128xf32, #tpu.memory_space<hbm>> -> memref<256x128xf32, #tpu.memory_space<hbm>>
    %dma_start3A_483 = arith.constant 0 : i32
    %dma_start3A_484 = arith.constant 0 : i32
    %dma_start3A_485 = tpu.memref_slice %arg12[%arg1, %dma_start3A_477, %dma_start3A_483, %dma_start3A_484] : memref<16x3x256x128xf32, #tpu.memory_space<vmem_shared>> -> memref<1x1x256x128xf32, #tpu.memory_space<vmem_shared>>
    %dma_start3A_486 = tpu.memref_squeeze %dma_start3A_485 : memref<1x1x256x128xf32, #tpu.memory_space<vmem_shared>> -> memref<256x128xf32, #tpu.memory_space<vmem_shared>>
    tpu.enqueue_dma source(%dma_start3A_486 : memref<256x128xf32, #tpu.memory_space<vmem_shared>>) target(%dma_start3A_482 : memref<256x128xf32, #tpu.memory_space<hbm>>) target_semaphore(%dma_start3A_480 : memref<!tpu.dma_semaphore, #tpu.memory_space<semaphore_mem>>)
    %dma_wait3A_487 = arith.constant 1 : i32
    %dma_wait3A_488 = arith.constant 1 : i32
    %dma_wait3A_489 = tpu.memref_slice %arg16[%dma_wait3A_488] : memref<3x!tpu.dma_semaphore, #tpu.memory_space<semaphore_mem>> -> memref<1x!tpu.dma_semaphore, #tpu.memory_space<semaphore_mem>>
    %dma_wait3A_490 = tpu.memref_squeeze %dma_wait3A_489 : memref<1x!tpu.dma_semaphore, #tpu.memory_space<semaphore_mem>> -> memref<!tpu.dma_semaphore, #tpu.memory_space<semaphore_mem>>
    %dma_wait3A_491 = arith.constant 0 : i32
    %dma_wait3A_492 = tpu.memref_slice %arg11[%add3A_426, %dma_wait3A_491] : memref<262144x128xf32, #tpu.memory_space<hbm>> -> memref<256x128xf32, #tpu.memory_space<hbm>>
    %dma_wait3A_493 = arith.constant 0 : i32
    %dma_wait3A_494 = arith.constant 0 : i32
    %dma_wait3A_495 = tpu.memref_slice %arg12[%arg1, %dma_wait3A_487, %dma_wait3A_493, %dma_wait3A_494] : memref<16x3x256x128xf32, #tpu.memory_space<vmem_shared>> -> memref<1x1x256x128xf32, #tpu.memory_space<vmem_shared>>
    %dma_wait3A_496 = tpu.memref_squeeze %dma_wait3A_495 : memref<1x1x256x128xf32, #tpu.memory_space<vmem_shared>> -> memref<256x128xf32, #tpu.memory_space<vmem_shared>>
    tpu.wait_dma2 semaphore(%dma_wait3A_490 : memref<!tpu.dma_semaphore, #tpu.memory_space<semaphore_mem>>) src(%dma_wait3A_496 : memref<256x128xf32, #tpu.memory_space<vmem_shared>>) dst(%dma_wait3A_492 : memref<256x128xf32, #tpu.memory_space<hbm>>)
    %mul3A_497 = arith.constant 2048 : i32
    %mul3A_498 = arith.muli %add3A, %mul3A_497 : i32
    %add3A_499 = arith.constant 512 : i32
    %add3A_500 = arith.addi %mul3A_498, %add3A_499 : i32
    %dma_start3A_501 = arith.constant 1 : i32
    %dma_start3A_502 = arith.constant 1 : i32
    %dma_start3A_503 = tpu.memref_slice %arg15[%dma_start3A_502] : memref<3x!tpu.dma_semaphore, #tpu.memory_space<semaphore_mem>> -> memref<1x!tpu.dma_semaphore, #tpu.memory_space<semaphore_mem>>
    %dma_start3A_504 = tpu.memref_squeeze %dma_start3A_503 : memref<1x!tpu.dma_semaphore, #tpu.memory_space<semaphore_mem>> -> memref<!tpu.dma_semaphore, #tpu.memory_space<semaphore_mem>>
    %dma_start3A_505 = arith.constant 0 : i32
    %dma_start3A_506 = arith.constant 0 : i32
    %dma_start3A_507 = tpu.memref_slice %arg12[%arg1, %dma_start3A_501, %dma_start3A_505, %dma_start3A_506] : memref<16x3x256x128xf32, #tpu.memory_space<vmem_shared>> -> memref<1x1x256x128xf32, #tpu.memory_space<vmem_shared>>
    %dma_start3A_508 = tpu.memref_squeeze %dma_start3A_507 : memref<1x1x256x128xf32, #tpu.memory_space<vmem_shared>> -> memref<256x128xf32, #tpu.memory_space<vmem_shared>>
    %dma_start3A_509 = arith.constant 0 : i32
    %dma_start3A_510 = tpu.memref_slice %arg3[%add3A_500, %dma_start3A_509] : memref<65536x128xf32, #tpu.memory_space<hbm>> -> memref<256x128xf32, #tpu.memory_space<hbm>>
    tpu.enqueue_dma source(%dma_start3A_510 : memref<256x128xf32, #tpu.memory_space<hbm>>) target(%dma_start3A_508 : memref<256x128xf32, #tpu.memory_space<vmem_shared>>) target_semaphore(%dma_start3A_504 : memref<!tpu.dma_semaphore, #tpu.memory_space<semaphore_mem>>)
    %dma_wait3A_511 = arith.constant 0 : i32
    %dma_wait3A_512 = arith.constant 0 : i32
    %dma_wait3A_513 = tpu.memref_slice %arg15[%dma_wait3A_512] : memref<3x!tpu.dma_semaphore, #tpu.memory_space<semaphore_mem>> -> memref<1x!tpu.dma_semaphore, #tpu.memory_space<semaphore_mem>>
    %dma_wait3A_514 = tpu.memref_squeeze %dma_wait3A_513 : memref<1x!tpu.dma_semaphore, #tpu.memory_space<semaphore_mem>> -> memref<!tpu.dma_semaphore, #tpu.memory_space<semaphore_mem>>
    %dma_wait3A_515 = arith.constant 0 : i32
    %dma_wait3A_516 = arith.constant 0 : i32
    %dma_wait3A_517 = tpu.memref_slice %arg12[%arg1, %dma_wait3A_511, %dma_wait3A_515, %dma_wait3A_516] : memref<16x3x256x128xf32, #tpu.memory_space<vmem_shared>> -> memref<1x1x256x128xf32, #tpu.memory_space<vmem_shared>>
    %dma_wait3A_518 = tpu.memref_squeeze %dma_wait3A_517 : memref<1x1x256x128xf32, #tpu.memory_space<vmem_shared>> -> memref<256x128xf32, #tpu.memory_space<vmem_shared>>
    %dma_wait3A_519 = arith.constant 0 : i32
    %dma_wait3A_520 = tpu.memref_slice %arg3[%add3A_450, %dma_wait3A_519] : memref<65536x128xf32, #tpu.memory_space<hbm>> -> memref<256x128xf32, #tpu.memory_space<hbm>>
    tpu.wait_dma2 semaphore(%dma_wait3A_514 : memref<!tpu.dma_semaphore, #tpu.memory_space<semaphore_mem>>) src(%dma_wait3A_520 : memref<256x128xf32, #tpu.memory_space<hbm>>) dst(%dma_wait3A_518 : memref<256x128xf32, #tpu.memory_space<vmem_shared>>)
    %add3A_521 = arith.constant 32 : i32
    %add3A_522 = arith.addi %add3A_521, %add3A : i32
    %mul3A_523 = arith.constant 2048 : i32
    %mul3A_524 = arith.muli %add3A_522, %mul3A_523 : i32
    %add3A_525 = arith.constant 256 : i32
    %add3A_526 = arith.addi %mul3A_524, %add3A_525 : i32
    %dma_start3A_527 = arith.constant 0 : i32
    %dma_start3A_528 = arith.constant 0 : i32
    %dma_start3A_529 = tpu.memref_slice %arg16[%dma_start3A_528] : memref<3x!tpu.dma_semaphore, #tpu.memory_space<semaphore_mem>> -> memref<1x!tpu.dma_semaphore, #tpu.memory_space<semaphore_mem>>
    %dma_start3A_530 = tpu.memref_squeeze %dma_start3A_529 : memref<1x!tpu.dma_semaphore, #tpu.memory_space<semaphore_mem>> -> memref<!tpu.dma_semaphore, #tpu.memory_space<semaphore_mem>>
    %dma_start3A_531 = arith.constant 0 : i32
    %dma_start3A_532 = tpu.memref_slice %arg11[%add3A_526, %dma_start3A_531] : memref<262144x128xf32, #tpu.memory_space<hbm>> -> memref<256x128xf32, #tpu.memory_space<hbm>>
    %dma_start3A_533 = arith.constant 0 : i32
    %dma_start3A_534 = arith.constant 0 : i32
    %dma_start3A_535 = tpu.memref_slice %arg12[%arg1, %dma_start3A_527, %dma_start3A_533, %dma_start3A_534] : memref<16x3x256x128xf32, #tpu.memory_space<vmem_shared>> -> memref<1x1x256x128xf32, #tpu.memory_space<vmem_shared>>
    %dma_start3A_536 = tpu.memref_squeeze %dma_start3A_535 : memref<1x1x256x128xf32, #tpu.memory_space<vmem_shared>> -> memref<256x128xf32, #tpu.memory_space<vmem_shared>>
    tpu.enqueue_dma source(%dma_start3A_536 : memref<256x128xf32, #tpu.memory_space<vmem_shared>>) target(%dma_start3A_532 : memref<256x128xf32, #tpu.memory_space<hbm>>) target_semaphore(%dma_start3A_530 : memref<!tpu.dma_semaphore, #tpu.memory_space<semaphore_mem>>)
    %dma_wait3A_537 = arith.constant 2 : i32
    %dma_wait3A_538 = arith.constant 2 : i32
    %dma_wait3A_539 = tpu.memref_slice %arg16[%dma_wait3A_538] : memref<3x!tpu.dma_semaphore, #tpu.memory_space<semaphore_mem>> -> memref<1x!tpu.dma_semaphore, #tpu.memory_space<semaphore_mem>>
    %dma_wait3A_540 = tpu.memref_squeeze %dma_wait3A_539 : memref<1x!tpu.dma_semaphore, #tpu.memory_space<semaphore_mem>> -> memref<!tpu.dma_semaphore, #tpu.memory_space<semaphore_mem>>
    %dma_wait3A_541 = arith.constant 0 : i32
    %dma_wait3A_542 = tpu.memref_slice %arg11[%add3A_476, %dma_wait3A_541] : memref<262144x128xf32, #tpu.memory_space<hbm>> -> memref<256x128xf32, #tpu.memory_space<hbm>>
    %dma_wait3A_543 = arith.constant 0 : i32
    %dma_wait3A_544 = arith.constant 0 : i32
    %dma_wait3A_545 = tpu.memref_slice %arg12[%arg1, %dma_wait3A_537, %dma_wait3A_543, %dma_wait3A_544] : memref<16x3x256x128xf32, #tpu.memory_space<vmem_shared>> -> memref<1x1x256x128xf32, #tpu.memory_space<vmem_shared>>
    %dma_wait3A_546 = tpu.memref_squeeze %dma_wait3A_545 : memref<1x1x256x128xf32, #tpu.memory_space<vmem_shared>> -> memref<256x128xf32, #tpu.memory_space<vmem_shared>>
    tpu.wait_dma2 semaphore(%dma_wait3A_540 : memref<!tpu.dma_semaphore, #tpu.memory_space<semaphore_mem>>) src(%dma_wait3A_546 : memref<256x128xf32, #tpu.memory_space<vmem_shared>>) dst(%dma_wait3A_542 : memref<256x128xf32, #tpu.memory_space<hbm>>)
    %mul3A_547 = arith.constant 2048 : i32
    %mul3A_548 = arith.muli %add3A, %mul3A_547 : i32
    %add3A_549 = arith.constant 768 : i32
    %add3A_550 = arith.addi %mul3A_548, %add3A_549 : i32
    %dma_start3A_551 = arith.constant 2 : i32
    %dma_start3A_552 = arith.constant 2 : i32
    %dma_start3A_553 = tpu.memref_slice %arg15[%dma_start3A_552] : memref<3x!tpu.dma_semaphore, #tpu.memory_space<semaphore_mem>> -> memref<1x!tpu.dma_semaphore, #tpu.memory_space<semaphore_mem>>
    %dma_start3A_554 = tpu.memref_squeeze %dma_start3A_553 : memref<1x!tpu.dma_semaphore, #tpu.memory_space<semaphore_mem>> -> memref<!tpu.dma_semaphore, #tpu.memory_space<semaphore_mem>>
    %dma_start3A_555 = arith.constant 0 : i32
    %dma_start3A_556 = arith.constant 0 : i32
    %dma_start3A_557 = tpu.memref_slice %arg12[%arg1, %dma_start3A_551, %dma_start3A_555, %dma_start3A_556] : memref<16x3x256x128xf32, #tpu.memory_space<vmem_shared>> -> memref<1x1x256x128xf32, #tpu.memory_space<vmem_shared>>
    %dma_start3A_558 = tpu.memref_squeeze %dma_start3A_557 : memref<1x1x256x128xf32, #tpu.memory_space<vmem_shared>> -> memref<256x128xf32, #tpu.memory_space<vmem_shared>>
    %dma_start3A_559 = arith.constant 0 : i32
    %dma_start3A_560 = tpu.memref_slice %arg3[%add3A_550, %dma_start3A_559] : memref<65536x128xf32, #tpu.memory_space<hbm>> -> memref<256x128xf32, #tpu.memory_space<hbm>>
    tpu.enqueue_dma source(%dma_start3A_560 : memref<256x128xf32, #tpu.memory_space<hbm>>) target(%dma_start3A_558 : memref<256x128xf32, #tpu.memory_space<vmem_shared>>) target_semaphore(%dma_start3A_554 : memref<!tpu.dma_semaphore, #tpu.memory_space<semaphore_mem>>)
    %dma_wait3A_561 = arith.constant 1 : i32
    %dma_wait3A_562 = arith.constant 1 : i32
    %dma_wait3A_563 = tpu.memref_slice %arg15[%dma_wait3A_562] : memref<3x!tpu.dma_semaphore, #tpu.memory_space<semaphore_mem>> -> memref<1x!tpu.dma_semaphore, #tpu.memory_space<semaphore_mem>>
    %dma_wait3A_564 = tpu.memref_squeeze %dma_wait3A_563 : memref<1x!tpu.dma_semaphore, #tpu.memory_space<semaphore_mem>> -> memref<!tpu.dma_semaphore, #tpu.memory_space<semaphore_mem>>
    %dma_wait3A_565 = arith.constant 0 : i32
    %dma_wait3A_566 = arith.constant 0 : i32
    %dma_wait3A_567 = tpu.memref_slice %arg12[%arg1, %dma_wait3A_561, %dma_wait3A_565, %dma_wait3A_566] : memref<16x3x256x128xf32, #tpu.memory_space<vmem_shared>> -> memref<1x1x256x128xf32, #tpu.memory_space<vmem_shared>>
    %dma_wait3A_568 = tpu.memref_squeeze %dma_wait3A_567 : memref<1x1x256x128xf32, #tpu.memory_space<vmem_shared>> -> memref<256x128xf32, #tpu.memory_space<vmem_shared>>
    %dma_wait3A_569 = arith.constant 0 : i32
    %dma_wait3A_570 = tpu.memref_slice %arg3[%add3A_500, %dma_wait3A_569] : memref<65536x128xf32, #tpu.memory_space<hbm>> -> memref<256x128xf32, #tpu.memory_space<hbm>>
    tpu.wait_dma2 semaphore(%dma_wait3A_564 : memref<!tpu.dma_semaphore, #tpu.memory_space<semaphore_mem>>) src(%dma_wait3A_570 : memref<256x128xf32, #tpu.memory_space<hbm>>) dst(%dma_wait3A_568 : memref<256x128xf32, #tpu.memory_space<vmem_shared>>)
    %add3A_571 = arith.constant 32 : i32
    %add3A_572 = arith.addi %add3A_571, %add3A : i32
    %mul3A_573 = arith.constant 2048 : i32
    %mul3A_574 = arith.muli %add3A_572, %mul3A_573 : i32
    %add3A_575 = arith.constant 512 : i32
    %add3A_576 = arith.addi %mul3A_574, %add3A_575 : i32
    %dma_start3A_577 = arith.constant 1 : i32
    %dma_start3A_578 = arith.constant 1 : i32
    %dma_start3A_579 = tpu.memref_slice %arg16[%dma_start3A_578] : memref<3x!tpu.dma_semaphore, #tpu.memory_space<semaphore_mem>> -> memref<1x!tpu.dma_semaphore, #tpu.memory_space<semaphore_mem>>
    %dma_start3A_580 = tpu.memref_squeeze %dma_start3A_579 : memref<1x!tpu.dma_semaphore, #tpu.memory_space<semaphore_mem>> -> memref<!tpu.dma_semaphore, #tpu.memory_space<semaphore_mem>>
    %dma_start3A_581 = arith.constant 0 : i32
    %dma_start3A_582 = tpu.memref_slice %arg11[%add3A_576, %dma_start3A_581] : memref<262144x128xf32, #tpu.memory_space<hbm>> -> memref<256x128xf32, #tpu.memory_space<hbm>>
    %dma_start3A_583 = arith.constant 0 : i32
    %dma_start3A_584 = arith.constant 0 : i32
    %dma_start3A_585 = tpu.memref_slice %arg12[%arg1, %dma_start3A_577, %dma_start3A_583, %dma_start3A_584] : memref<16x3x256x128xf32, #tpu.memory_space<vmem_shared>> -> memref<1x1x256x128xf32, #tpu.memory_space<vmem_shared>>
    %dma_start3A_586 = tpu.memref_squeeze %dma_start3A_585 : memref<1x1x256x128xf32, #tpu.memory_space<vmem_shared>> -> memref<256x128xf32, #tpu.memory_space<vmem_shared>>
    tpu.enqueue_dma source(%dma_start3A_586 : memref<256x128xf32, #tpu.memory_space<vmem_shared>>) target(%dma_start3A_582 : memref<256x128xf32, #tpu.memory_space<hbm>>) target_semaphore(%dma_start3A_580 : memref<!tpu.dma_semaphore, #tpu.memory_space<semaphore_mem>>)
    %dma_wait3A_587 = arith.constant 0 : i32
    %dma_wait3A_588 = arith.constant 0 : i32
    %dma_wait3A_589 = tpu.memref_slice %arg16[%dma_wait3A_588] : memref<3x!tpu.dma_semaphore, #tpu.memory_space<semaphore_mem>> -> memref<1x!tpu.dma_semaphore, #tpu.memory_space<semaphore_mem>>
    %dma_wait3A_590 = tpu.memref_squeeze %dma_wait3A_589 : memref<1x!tpu.dma_semaphore, #tpu.memory_space<semaphore_mem>> -> memref<!tpu.dma_semaphore, #tpu.memory_space<semaphore_mem>>
    %dma_wait3A_591 = arith.constant 0 : i32
    %dma_wait3A_592 = tpu.memref_slice %arg11[%add3A_526, %dma_wait3A_591] : memref<262144x128xf32, #tpu.memory_space<hbm>> -> memref<256x128xf32, #tpu.memory_space<hbm>>
    %dma_wait3A_593 = arith.constant 0 : i32
    %dma_wait3A_594 = arith.constant 0 : i32
    %dma_wait3A_595 = tpu.memref_slice %arg12[%arg1, %dma_wait3A_587, %dma_wait3A_593, %dma_wait3A_594] : memref<16x3x256x128xf32, #tpu.memory_space<vmem_shared>> -> memref<1x1x256x128xf32, #tpu.memory_space<vmem_shared>>
    %dma_wait3A_596 = tpu.memref_squeeze %dma_wait3A_595 : memref<1x1x256x128xf32, #tpu.memory_space<vmem_shared>> -> memref<256x128xf32, #tpu.memory_space<vmem_shared>>
    tpu.wait_dma2 semaphore(%dma_wait3A_590 : memref<!tpu.dma_semaphore, #tpu.memory_space<semaphore_mem>>) src(%dma_wait3A_596 : memref<256x128xf32, #tpu.memory_space<vmem_shared>>) dst(%dma_wait3A_592 : memref<256x128xf32, #tpu.memory_space<hbm>>)
    %mul3A_597 = arith.constant 2048 : i32
    %mul3A_598 = arith.muli %add3A, %mul3A_597 : i32
    %add3A_599 = arith.constant 1024 : i32
    %add3A_600 = arith.addi %mul3A_598, %add3A_599 : i32
    %dma_start3A_601 = arith.constant 0 : i32
    %dma_start3A_602 = arith.constant 0 : i32
    %dma_start3A_603 = tpu.memref_slice %arg15[%dma_start3A_602] : memref<3x!tpu.dma_semaphore, #tpu.memory_space<semaphore_mem>> -> memref<1x!tpu.dma_semaphore, #tpu.memory_space<semaphore_mem>>
    %dma_start3A_604 = tpu.memref_squeeze %dma_start3A_603 : memref<1x!tpu.dma_semaphore, #tpu.memory_space<semaphore_mem>> -> memref<!tpu.dma_semaphore, #tpu.memory_space<semaphore_mem>>
    %dma_start3A_605 = arith.constant 0 : i32
    %dma_start3A_606 = arith.constant 0 : i32
    %dma_start3A_607 = tpu.memref_slice %arg12[%arg1, %dma_start3A_601, %dma_start3A_605, %dma_start3A_606] : memref<16x3x256x128xf32, #tpu.memory_space<vmem_shared>> -> memref<1x1x256x128xf32, #tpu.memory_space<vmem_shared>>
    %dma_start3A_608 = tpu.memref_squeeze %dma_start3A_607 : memref<1x1x256x128xf32, #tpu.memory_space<vmem_shared>> -> memref<256x128xf32, #tpu.memory_space<vmem_shared>>
    %dma_start3A_609 = arith.constant 0 : i32
    %dma_start3A_610 = tpu.memref_slice %arg3[%add3A_600, %dma_start3A_609] : memref<65536x128xf32, #tpu.memory_space<hbm>> -> memref<256x128xf32, #tpu.memory_space<hbm>>
    tpu.enqueue_dma source(%dma_start3A_610 : memref<256x128xf32, #tpu.memory_space<hbm>>) target(%dma_start3A_608 : memref<256x128xf32, #tpu.memory_space<vmem_shared>>) target_semaphore(%dma_start3A_604 : memref<!tpu.dma_semaphore, #tpu.memory_space<semaphore_mem>>)
    %dma_wait3A_611 = arith.constant 2 : i32
    %dma_wait3A_612 = arith.constant 2 : i32
    %dma_wait3A_613 = tpu.memref_slice %arg15[%dma_wait3A_612] : memref<3x!tpu.dma_semaphore, #tpu.memory_space<semaphore_mem>> -> memref<1x!tpu.dma_semaphore, #tpu.memory_space<semaphore_mem>>
    %dma_wait3A_614 = tpu.memref_squeeze %dma_wait3A_613 : memref<1x!tpu.dma_semaphore, #tpu.memory_space<semaphore_mem>> -> memref<!tpu.dma_semaphore, #tpu.memory_space<semaphore_mem>>
    %dma_wait3A_615 = arith.constant 0 : i32
    %dma_wait3A_616 = arith.constant 0 : i32
    %dma_wait3A_617 = tpu.memref_slice %arg12[%arg1, %dma_wait3A_611, %dma_wait3A_615, %dma_wait3A_616] : memref<16x3x256x128xf32, #tpu.memory_space<vmem_shared>> -> memref<1x1x256x128xf32, #tpu.memory_space<vmem_shared>>
    %dma_wait3A_618 = tpu.memref_squeeze %dma_wait3A_617 : memref<1x1x256x128xf32, #tpu.memory_space<vmem_shared>> -> memref<256x128xf32, #tpu.memory_space<vmem_shared>>
    %dma_wait3A_619 = arith.constant 0 : i32
    %dma_wait3A_620 = tpu.memref_slice %arg3[%add3A_550, %dma_wait3A_619] : memref<65536x128xf32, #tpu.memory_space<hbm>> -> memref<256x128xf32, #tpu.memory_space<hbm>>
    tpu.wait_dma2 semaphore(%dma_wait3A_614 : memref<!tpu.dma_semaphore, #tpu.memory_space<semaphore_mem>>) src(%dma_wait3A_620 : memref<256x128xf32, #tpu.memory_space<hbm>>) dst(%dma_wait3A_618 : memref<256x128xf32, #tpu.memory_space<vmem_shared>>)
    %add3A_621 = arith.constant 32 : i32
    %add3A_622 = arith.addi %add3A_621, %add3A : i32
    %mul3A_623 = arith.constant 2048 : i32
    %mul3A_624 = arith.muli %add3A_622, %mul3A_623 : i32
    %add3A_625 = arith.constant 768 : i32
    %add3A_626 = arith.addi %mul3A_624, %add3A_625 : i32
    %dma_start3A_627 = arith.constant 2 : i32
    %dma_start3A_628 = arith.constant 2 : i32
    %dma_start3A_629 = tpu.memref_slice %arg16[%dma_start3A_628] : memref<3x!tpu.dma_semaphore, #tpu.memory_space<semaphore_mem>> -> memref<1x!tpu.dma_semaphore, #tpu.memory_space<semaphore_mem>>
    %dma_start3A_630 = tpu.memref_squeeze %dma_start3A_629 : memref<1x!tpu.dma_semaphore, #tpu.memory_space<semaphore_mem>> -> memref<!tpu.dma_semaphore, #tpu.memory_space<semaphore_mem>>
    %dma_start3A_631 = arith.constant 0 : i32
    %dma_start3A_632 = tpu.memref_slice %arg11[%add3A_626, %dma_start3A_631] : memref<262144x128xf32, #tpu.memory_space<hbm>> -> memref<256x128xf32, #tpu.memory_space<hbm>>
    %dma_start3A_633 = arith.constant 0 : i32
    %dma_start3A_634 = arith.constant 0 : i32
    %dma_start3A_635 = tpu.memref_slice %arg12[%arg1, %dma_start3A_627, %dma_start3A_633, %dma_start3A_634] : memref<16x3x256x128xf32, #tpu.memory_space<vmem_shared>> -> memref<1x1x256x128xf32, #tpu.memory_space<vmem_shared>>
    %dma_start3A_636 = tpu.memref_squeeze %dma_start3A_635 : memref<1x1x256x128xf32, #tpu.memory_space<vmem_shared>> -> memref<256x128xf32, #tpu.memory_space<vmem_shared>>
    tpu.enqueue_dma source(%dma_start3A_636 : memref<256x128xf32, #tpu.memory_space<vmem_shared>>) target(%dma_start3A_632 : memref<256x128xf32, #tpu.memory_space<hbm>>) target_semaphore(%dma_start3A_630 : memref<!tpu.dma_semaphore, #tpu.memory_space<semaphore_mem>>)
    %dma_wait3A_637 = arith.constant 1 : i32
    %dma_wait3A_638 = arith.constant 1 : i32
    %dma_wait3A_639 = tpu.memref_slice %arg16[%dma_wait3A_638] : memref<3x!tpu.dma_semaphore, #tpu.memory_space<semaphore_mem>> -> memref<1x!tpu.dma_semaphore, #tpu.memory_space<semaphore_mem>>
    %dma_wait3A_640 = tpu.memref_squeeze %dma_wait3A_639 : memref<1x!tpu.dma_semaphore, #tpu.memory_space<semaphore_mem>> -> memref<!tpu.dma_semaphore, #tpu.memory_space<semaphore_mem>>
    %dma_wait3A_641 = arith.constant 0 : i32
    %dma_wait3A_642 = tpu.memref_slice %arg11[%add3A_576, %dma_wait3A_641] : memref<262144x128xf32, #tpu.memory_space<hbm>> -> memref<256x128xf32, #tpu.memory_space<hbm>>
    %dma_wait3A_643 = arith.constant 0 : i32
    %dma_wait3A_644 = arith.constant 0 : i32
    %dma_wait3A_645 = tpu.memref_slice %arg12[%arg1, %dma_wait3A_637, %dma_wait3A_643, %dma_wait3A_644] : memref<16x3x256x128xf32, #tpu.memory_space<vmem_shared>> -> memref<1x1x256x128xf32, #tpu.memory_space<vmem_shared>>
    %dma_wait3A_646 = tpu.memref_squeeze %dma_wait3A_645 : memref<1x1x256x128xf32, #tpu.memory_space<vmem_shared>> -> memref<256x128xf32, #tpu.memory_space<vmem_shared>>
    tpu.wait_dma2 semaphore(%dma_wait3A_640 : memref<!tpu.dma_semaphore, #tpu.memory_space<semaphore_mem>>) src(%dma_wait3A_646 : memref<256x128xf32, #tpu.memory_space<vmem_shared>>) dst(%dma_wait3A_642 : memref<256x128xf32, #tpu.memory_space<hbm>>)
    %mul3A_647 = arith.constant 2048 : i32
    %mul3A_648 = arith.muli %add3A, %mul3A_647 : i32
    %add3A_649 = arith.constant 1280 : i32
    %add3A_650 = arith.addi %mul3A_648, %add3A_649 : i32
    %dma_start3A_651 = arith.constant 1 : i32
    %dma_start3A_652 = arith.constant 1 : i32
    %dma_start3A_653 = tpu.memref_slice %arg15[%dma_start3A_652] : memref<3x!tpu.dma_semaphore, #tpu.memory_space<semaphore_mem>> -> memref<1x!tpu.dma_semaphore, #tpu.memory_space<semaphore_mem>>
    %dma_start3A_654 = tpu.memref_squeeze %dma_start3A_653 : memref<1x!tpu.dma_semaphore, #tpu.memory_space<semaphore_mem>> -> memref<!tpu.dma_semaphore, #tpu.memory_space<semaphore_mem>>
    %dma_start3A_655 = arith.constant 0 : i32
    %dma_start3A_656 = arith.constant 0 : i32
    %dma_start3A_657 = tpu.memref_slice %arg12[%arg1, %dma_start3A_651, %dma_start3A_655, %dma_start3A_656] : memref<16x3x256x128xf32, #tpu.memory_space<vmem_shared>> -> memref<1x1x256x128xf32, #tpu.memory_space<vmem_shared>>
    %dma_start3A_658 = tpu.memref_squeeze %dma_start3A_657 : memref<1x1x256x128xf32, #tpu.memory_space<vmem_shared>> -> memref<256x128xf32, #tpu.memory_space<vmem_shared>>
    %dma_start3A_659 = arith.constant 0 : i32
    %dma_start3A_660 = tpu.memref_slice %arg3[%add3A_650, %dma_start3A_659] : memref<65536x128xf32, #tpu.memory_space<hbm>> -> memref<256x128xf32, #tpu.memory_space<hbm>>
    tpu.enqueue_dma source(%dma_start3A_660 : memref<256x128xf32, #tpu.memory_space<hbm>>) target(%dma_start3A_658 : memref<256x128xf32, #tpu.memory_space<vmem_shared>>) target_semaphore(%dma_start3A_654 : memref<!tpu.dma_semaphore, #tpu.memory_space<semaphore_mem>>)
    %dma_wait3A_661 = arith.constant 0 : i32
    %dma_wait3A_662 = arith.constant 0 : i32
    %dma_wait3A_663 = tpu.memref_slice %arg15[%dma_wait3A_662] : memref<3x!tpu.dma_semaphore, #tpu.memory_space<semaphore_mem>> -> memref<1x!tpu.dma_semaphore, #tpu.memory_space<semaphore_mem>>
    %dma_wait3A_664 = tpu.memref_squeeze %dma_wait3A_663 : memref<1x!tpu.dma_semaphore, #tpu.memory_space<semaphore_mem>> -> memref<!tpu.dma_semaphore, #tpu.memory_space<semaphore_mem>>
    %dma_wait3A_665 = arith.constant 0 : i32
    %dma_wait3A_666 = arith.constant 0 : i32
    %dma_wait3A_667 = tpu.memref_slice %arg12[%arg1, %dma_wait3A_661, %dma_wait3A_665, %dma_wait3A_666] : memref<16x3x256x128xf32, #tpu.memory_space<vmem_shared>> -> memref<1x1x256x128xf32, #tpu.memory_space<vmem_shared>>
    %dma_wait3A_668 = tpu.memref_squeeze %dma_wait3A_667 : memref<1x1x256x128xf32, #tpu.memory_space<vmem_shared>> -> memref<256x128xf32, #tpu.memory_space<vmem_shared>>
    %dma_wait3A_669 = arith.constant 0 : i32
    %dma_wait3A_670 = tpu.memref_slice %arg3[%add3A_600, %dma_wait3A_669] : memref<65536x128xf32, #tpu.memory_space<hbm>> -> memref<256x128xf32, #tpu.memory_space<hbm>>
    tpu.wait_dma2 semaphore(%dma_wait3A_664 : memref<!tpu.dma_semaphore, #tpu.memory_space<semaphore_mem>>) src(%dma_wait3A_670 : memref<256x128xf32, #tpu.memory_space<hbm>>) dst(%dma_wait3A_668 : memref<256x128xf32, #tpu.memory_space<vmem_shared>>)
    %add3A_671 = arith.constant 32 : i32
    %add3A_672 = arith.addi %add3A_671, %add3A : i32
    %mul3A_673 = arith.constant 2048 : i32
    %mul3A_674 = arith.muli %add3A_672, %mul3A_673 : i32
    %add3A_675 = arith.constant 1024 : i32
    %add3A_676 = arith.addi %mul3A_674, %add3A_675 : i32
    %dma_start3A_677 = arith.constant 0 : i32
    %dma_start3A_678 = arith.constant 0 : i32
    %dma_start3A_679 = tpu.memref_slice %arg16[%dma_start3A_678] : memref<3x!tpu.dma_semaphore, #tpu.memory_space<semaphore_mem>> -> memref<1x!tpu.dma_semaphore, #tpu.memory_space<semaphore_mem>>
    %dma_start3A_680 = tpu.memref_squeeze %dma_start3A_679 : memref<1x!tpu.dma_semaphore, #tpu.memory_space<semaphore_mem>> -> memref<!tpu.dma_semaphore, #tpu.memory_space<semaphore_mem>>
    %dma_start3A_681 = arith.constant 0 : i32
    %dma_start3A_682 = tpu.memref_slice %arg11[%add3A_676, %dma_start3A_681] : memref<262144x128xf32, #tpu.memory_space<hbm>> -> memref<256x128xf32, #tpu.memory_space<hbm>>
    %dma_start3A_683 = arith.constant 0 : i32
    %dma_start3A_684 = arith.constant 0 : i32
    %dma_start3A_685 = tpu.memref_slice %arg12[%arg1, %dma_start3A_677, %dma_start3A_683, %dma_start3A_684] : memref<16x3x256x128xf32, #tpu.memory_space<vmem_shared>> -> memref<1x1x256x128xf32, #tpu.memory_space<vmem_shared>>
    %dma_start3A_686 = tpu.memref_squeeze %dma_start3A_685 : memref<1x1x256x128xf32, #tpu.memory_space<vmem_shared>> -> memref<256x128xf32, #tpu.memory_space<vmem_shared>>
    tpu.enqueue_dma source(%dma_start3A_686 : memref<256x128xf32, #tpu.memory_space<vmem_shared>>) target(%dma_start3A_682 : memref<256x128xf32, #tpu.memory_space<hbm>>) target_semaphore(%dma_start3A_680 : memref<!tpu.dma_semaphore, #tpu.memory_space<semaphore_mem>>)
    %dma_wait3A_687 = arith.constant 2 : i32
    %dma_wait3A_688 = arith.constant 2 : i32
    %dma_wait3A_689 = tpu.memref_slice %arg16[%dma_wait3A_688] : memref<3x!tpu.dma_semaphore, #tpu.memory_space<semaphore_mem>> -> memref<1x!tpu.dma_semaphore, #tpu.memory_space<semaphore_mem>>
    %dma_wait3A_690 = tpu.memref_squeeze %dma_wait3A_689 : memref<1x!tpu.dma_semaphore, #tpu.memory_space<semaphore_mem>> -> memref<!tpu.dma_semaphore, #tpu.memory_space<semaphore_mem>>
    %dma_wait3A_691 = arith.constant 0 : i32
    %dma_wait3A_692 = tpu.memref_slice %arg11[%add3A_626, %dma_wait3A_691] : memref<262144x128xf32, #tpu.memory_space<hbm>> -> memref<256x128xf32, #tpu.memory_space<hbm>>
    %dma_wait3A_693 = arith.constant 0 : i32
    %dma_wait3A_694 = arith.constant 0 : i32
    %dma_wait3A_695 = tpu.memref_slice %arg12[%arg1, %dma_wait3A_687, %dma_wait3A_693, %dma_wait3A_694] : memref<16x3x256x128xf32, #tpu.memory_space<vmem_shared>> -> memref<1x1x256x128xf32, #tpu.memory_space<vmem_shared>>
    %dma_wait3A_696 = tpu.memref_squeeze %dma_wait3A_695 : memref<1x1x256x128xf32, #tpu.memory_space<vmem_shared>> -> memref<256x128xf32, #tpu.memory_space<vmem_shared>>
    tpu.wait_dma2 semaphore(%dma_wait3A_690 : memref<!tpu.dma_semaphore, #tpu.memory_space<semaphore_mem>>) src(%dma_wait3A_696 : memref<256x128xf32, #tpu.memory_space<vmem_shared>>) dst(%dma_wait3A_692 : memref<256x128xf32, #tpu.memory_space<hbm>>)
    %mul3A_697 = arith.constant 2048 : i32
    %mul3A_698 = arith.muli %add3A, %mul3A_697 : i32
    %add3A_699 = arith.constant 1536 : i32
    %add3A_700 = arith.addi %mul3A_698, %add3A_699 : i32
    %dma_start3A_701 = arith.constant 2 : i32
    %dma_start3A_702 = arith.constant 2 : i32
    %dma_start3A_703 = tpu.memref_slice %arg15[%dma_start3A_702] : memref<3x!tpu.dma_semaphore, #tpu.memory_space<semaphore_mem>> -> memref<1x!tpu.dma_semaphore, #tpu.memory_space<semaphore_mem>>
    %dma_start3A_704 = tpu.memref_squeeze %dma_start3A_703 : memref<1x!tpu.dma_semaphore, #tpu.memory_space<semaphore_mem>> -> memref<!tpu.dma_semaphore, #tpu.memory_space<semaphore_mem>>
    %dma_start3A_705 = arith.constant 0 : i32
    %dma_start3A_706 = arith.constant 0 : i32
    %dma_start3A_707 = tpu.memref_slice %arg12[%arg1, %dma_start3A_701, %dma_start3A_705, %dma_start3A_706] : memref<16x3x256x128xf32, #tpu.memory_space<vmem_shared>> -> memref<1x1x256x128xf32, #tpu.memory_space<vmem_shared>>
    %dma_start3A_708 = tpu.memref_squeeze %dma_start3A_707 : memref<1x1x256x128xf32, #tpu.memory_space<vmem_shared>> -> memref<256x128xf32, #tpu.memory_space<vmem_shared>>
    %dma_start3A_709 = arith.constant 0 : i32
    %dma_start3A_710 = tpu.memref_slice %arg3[%add3A_700, %dma_start3A_709] : memref<65536x128xf32, #tpu.memory_space<hbm>> -> memref<256x128xf32, #tpu.memory_space<hbm>>
    tpu.enqueue_dma source(%dma_start3A_710 : memref<256x128xf32, #tpu.memory_space<hbm>>) target(%dma_start3A_708 : memref<256x128xf32, #tpu.memory_space<vmem_shared>>) target_semaphore(%dma_start3A_704 : memref<!tpu.dma_semaphore, #tpu.memory_space<semaphore_mem>>)
    %dma_wait3A_711 = arith.constant 1 : i32
    %dma_wait3A_712 = arith.constant 1 : i32
    %dma_wait3A_713 = tpu.memref_slice %arg15[%dma_wait3A_712] : memref<3x!tpu.dma_semaphore, #tpu.memory_space<semaphore_mem>> -> memref<1x!tpu.dma_semaphore, #tpu.memory_space<semaphore_mem>>
    %dma_wait3A_714 = tpu.memref_squeeze %dma_wait3A_713 : memref<1x!tpu.dma_semaphore, #tpu.memory_space<semaphore_mem>> -> memref<!tpu.dma_semaphore, #tpu.memory_space<semaphore_mem>>
    %dma_wait3A_715 = arith.constant 0 : i32
    %dma_wait3A_716 = arith.constant 0 : i32
    %dma_wait3A_717 = tpu.memref_slice %arg12[%arg1, %dma_wait3A_711, %dma_wait3A_715, %dma_wait3A_716] : memref<16x3x256x128xf32, #tpu.memory_space<vmem_shared>> -> memref<1x1x256x128xf32, #tpu.memory_space<vmem_shared>>
    %dma_wait3A_718 = tpu.memref_squeeze %dma_wait3A_717 : memref<1x1x256x128xf32, #tpu.memory_space<vmem_shared>> -> memref<256x128xf32, #tpu.memory_space<vmem_shared>>
    %dma_wait3A_719 = arith.constant 0 : i32
    %dma_wait3A_720 = tpu.memref_slice %arg3[%add3A_650, %dma_wait3A_719] : memref<65536x128xf32, #tpu.memory_space<hbm>> -> memref<256x128xf32, #tpu.memory_space<hbm>>
    tpu.wait_dma2 semaphore(%dma_wait3A_714 : memref<!tpu.dma_semaphore, #tpu.memory_space<semaphore_mem>>) src(%dma_wait3A_720 : memref<256x128xf32, #tpu.memory_space<hbm>>) dst(%dma_wait3A_718 : memref<256x128xf32, #tpu.memory_space<vmem_shared>>)
    %add3A_721 = arith.constant 32 : i32
    %add3A_722 = arith.addi %add3A_721, %add3A : i32
    %mul3A_723 = arith.constant 2048 : i32
    %mul3A_724 = arith.muli %add3A_722, %mul3A_723 : i32
    %add3A_725 = arith.constant 1280 : i32
    %add3A_726 = arith.addi %mul3A_724, %add3A_725 : i32
    %dma_start3A_727 = arith.constant 1 : i32
    %dma_start3A_728 = arith.constant 1 : i32
    %dma_start3A_729 = tpu.memref_slice %arg16[%dma_start3A_728] : memref<3x!tpu.dma_semaphore, #tpu.memory_space<semaphore_mem>> -> memref<1x!tpu.dma_semaphore, #tpu.memory_space<semaphore_mem>>
    %dma_start3A_730 = tpu.memref_squeeze %dma_start3A_729 : memref<1x!tpu.dma_semaphore, #tpu.memory_space<semaphore_mem>> -> memref<!tpu.dma_semaphore, #tpu.memory_space<semaphore_mem>>
    %dma_start3A_731 = arith.constant 0 : i32
    %dma_start3A_732 = tpu.memref_slice %arg11[%add3A_726, %dma_start3A_731] : memref<262144x128xf32, #tpu.memory_space<hbm>> -> memref<256x128xf32, #tpu.memory_space<hbm>>
    %dma_start3A_733 = arith.constant 0 : i32
    %dma_start3A_734 = arith.constant 0 : i32
    %dma_start3A_735 = tpu.memref_slice %arg12[%arg1, %dma_start3A_727, %dma_start3A_733, %dma_start3A_734] : memref<16x3x256x128xf32, #tpu.memory_space<vmem_shared>> -> memref<1x1x256x128xf32, #tpu.memory_space<vmem_shared>>
    %dma_start3A_736 = tpu.memref_squeeze %dma_start3A_735 : memref<1x1x256x128xf32, #tpu.memory_space<vmem_shared>> -> memref<256x128xf32, #tpu.memory_space<vmem_shared>>
    tpu.enqueue_dma source(%dma_start3A_736 : memref<256x128xf32, #tpu.memory_space<vmem_shared>>) target(%dma_start3A_732 : memref<256x128xf32, #tpu.memory_space<hbm>>) target_semaphore(%dma_start3A_730 : memref<!tpu.dma_semaphore, #tpu.memory_space<semaphore_mem>>)
    %dma_wait3A_737 = arith.constant 0 : i32
    %dma_wait3A_738 = arith.constant 0 : i32
    %dma_wait3A_739 = tpu.memref_slice %arg16[%dma_wait3A_738] : memref<3x!tpu.dma_semaphore, #tpu.memory_space<semaphore_mem>> -> memref<1x!tpu.dma_semaphore, #tpu.memory_space<semaphore_mem>>
    %dma_wait3A_740 = tpu.memref_squeeze %dma_wait3A_739 : memref<1x!tpu.dma_semaphore, #tpu.memory_space<semaphore_mem>> -> memref<!tpu.dma_semaphore, #tpu.memory_space<semaphore_mem>>
    %dma_wait3A_741 = arith.constant 0 : i32
    %dma_wait3A_742 = tpu.memref_slice %arg11[%add3A_676, %dma_wait3A_741] : memref<262144x128xf32, #tpu.memory_space<hbm>> -> memref<256x128xf32, #tpu.memory_space<hbm>>
    %dma_wait3A_743 = arith.constant 0 : i32
    %dma_wait3A_744 = arith.constant 0 : i32
    %dma_wait3A_745 = tpu.memref_slice %arg12[%arg1, %dma_wait3A_737, %dma_wait3A_743, %dma_wait3A_744] : memref<16x3x256x128xf32, #tpu.memory_space<vmem_shared>> -> memref<1x1x256x128xf32, #tpu.memory_space<vmem_shared>>
    %dma_wait3A_746 = tpu.memref_squeeze %dma_wait3A_745 : memref<1x1x256x128xf32, #tpu.memory_space<vmem_shared>> -> memref<256x128xf32, #tpu.memory_space<vmem_shared>>
    tpu.wait_dma2 semaphore(%dma_wait3A_740 : memref<!tpu.dma_semaphore, #tpu.memory_space<semaphore_mem>>) src(%dma_wait3A_746 : memref<256x128xf32, #tpu.memory_space<vmem_shared>>) dst(%dma_wait3A_742 : memref<256x128xf32, #tpu.memory_space<hbm>>)
    %mul3A_747 = arith.constant 2048 : i32
    %mul3A_748 = arith.muli %add3A, %mul3A_747 : i32
    %add3A_749 = arith.constant 1792 : i32
    %add3A_750 = arith.addi %mul3A_748, %add3A_749 : i32
    %dma_start3A_751 = arith.constant 0 : i32
    %dma_start3A_752 = arith.constant 0 : i32
    %dma_start3A_753 = tpu.memref_slice %arg15[%dma_start3A_752] : memref<3x!tpu.dma_semaphore, #tpu.memory_space<semaphore_mem>> -> memref<1x!tpu.dma_semaphore, #tpu.memory_space<semaphore_mem>>
    %dma_start3A_754 = tpu.memref_squeeze %dma_start3A_753 : memref<1x!tpu.dma_semaphore, #tpu.memory_space<semaphore_mem>> -> memref<!tpu.dma_semaphore, #tpu.memory_space<semaphore_mem>>
    %dma_start3A_755 = arith.constant 0 : i32
    %dma_start3A_756 = arith.constant 0 : i32
    %dma_start3A_757 = tpu.memref_slice %arg12[%arg1, %dma_start3A_751, %dma_start3A_755, %dma_start3A_756] : memref<16x3x256x128xf32, #tpu.memory_space<vmem_shared>> -> memref<1x1x256x128xf32, #tpu.memory_space<vmem_shared>>
    %dma_start3A_758 = tpu.memref_squeeze %dma_start3A_757 : memref<1x1x256x128xf32, #tpu.memory_space<vmem_shared>> -> memref<256x128xf32, #tpu.memory_space<vmem_shared>>
    %dma_start3A_759 = arith.constant 0 : i32
    %dma_start3A_760 = tpu.memref_slice %arg3[%add3A_750, %dma_start3A_759] : memref<65536x128xf32, #tpu.memory_space<hbm>> -> memref<256x128xf32, #tpu.memory_space<hbm>>
    tpu.enqueue_dma source(%dma_start3A_760 : memref<256x128xf32, #tpu.memory_space<hbm>>) target(%dma_start3A_758 : memref<256x128xf32, #tpu.memory_space<vmem_shared>>) target_semaphore(%dma_start3A_754 : memref<!tpu.dma_semaphore, #tpu.memory_space<semaphore_mem>>)
    %dma_wait3A_761 = arith.constant 2 : i32
    %dma_wait3A_762 = arith.constant 2 : i32
    %dma_wait3A_763 = tpu.memref_slice %arg15[%dma_wait3A_762] : memref<3x!tpu.dma_semaphore, #tpu.memory_space<semaphore_mem>> -> memref<1x!tpu.dma_semaphore, #tpu.memory_space<semaphore_mem>>
    %dma_wait3A_764 = tpu.memref_squeeze %dma_wait3A_763 : memref<1x!tpu.dma_semaphore, #tpu.memory_space<semaphore_mem>> -> memref<!tpu.dma_semaphore, #tpu.memory_space<semaphore_mem>>
    %dma_wait3A_765 = arith.constant 0 : i32
    %dma_wait3A_766 = arith.constant 0 : i32
    %dma_wait3A_767 = tpu.memref_slice %arg12[%arg1, %dma_wait3A_761, %dma_wait3A_765, %dma_wait3A_766] : memref<16x3x256x128xf32, #tpu.memory_space<vmem_shared>> -> memref<1x1x256x128xf32, #tpu.memory_space<vmem_shared>>
    %dma_wait3A_768 = tpu.memref_squeeze %dma_wait3A_767 : memref<1x1x256x128xf32, #tpu.memory_space<vmem_shared>> -> memref<256x128xf32, #tpu.memory_space<vmem_shared>>
    %dma_wait3A_769 = arith.constant 0 : i32
    %dma_wait3A_770 = tpu.memref_slice %arg3[%add3A_700, %dma_wait3A_769] : memref<65536x128xf32, #tpu.memory_space<hbm>> -> memref<256x128xf32, #tpu.memory_space<hbm>>
    tpu.wait_dma2 semaphore(%dma_wait3A_764 : memref<!tpu.dma_semaphore, #tpu.memory_space<semaphore_mem>>) src(%dma_wait3A_770 : memref<256x128xf32, #tpu.memory_space<hbm>>) dst(%dma_wait3A_768 : memref<256x128xf32, #tpu.memory_space<vmem_shared>>)
    %add3A_771 = arith.constant 32 : i32
    %add3A_772 = arith.addi %add3A_771, %add3A : i32
    %mul3A_773 = arith.constant 2048 : i32
    %mul3A_774 = arith.muli %add3A_772, %mul3A_773 : i32
    %add3A_775 = arith.constant 1536 : i32
    %add3A_776 = arith.addi %mul3A_774, %add3A_775 : i32
    %dma_start3A_777 = arith.constant 2 : i32
    %dma_start3A_778 = arith.constant 2 : i32
    %dma_start3A_779 = tpu.memref_slice %arg16[%dma_start3A_778] : memref<3x!tpu.dma_semaphore, #tpu.memory_space<semaphore_mem>> -> memref<1x!tpu.dma_semaphore, #tpu.memory_space<semaphore_mem>>
    %dma_start3A_780 = tpu.memref_squeeze %dma_start3A_779 : memref<1x!tpu.dma_semaphore, #tpu.memory_space<semaphore_mem>> -> memref<!tpu.dma_semaphore, #tpu.memory_space<semaphore_mem>>
    %dma_start3A_781 = arith.constant 0 : i32
    %dma_start3A_782 = tpu.memref_slice %arg11[%add3A_776, %dma_start3A_781] : memref<262144x128xf32, #tpu.memory_space<hbm>> -> memref<256x128xf32, #tpu.memory_space<hbm>>
    %dma_start3A_783 = arith.constant 0 : i32
    %dma_start3A_784 = arith.constant 0 : i32
    %dma_start3A_785 = tpu.memref_slice %arg12[%arg1, %dma_start3A_777, %dma_start3A_783, %dma_start3A_784] : memref<16x3x256x128xf32, #tpu.memory_space<vmem_shared>> -> memref<1x1x256x128xf32, #tpu.memory_space<vmem_shared>>
    %dma_start3A_786 = tpu.memref_squeeze %dma_start3A_785 : memref<1x1x256x128xf32, #tpu.memory_space<vmem_shared>> -> memref<256x128xf32, #tpu.memory_space<vmem_shared>>
    tpu.enqueue_dma source(%dma_start3A_786 : memref<256x128xf32, #tpu.memory_space<vmem_shared>>) target(%dma_start3A_782 : memref<256x128xf32, #tpu.memory_space<hbm>>) target_semaphore(%dma_start3A_780 : memref<!tpu.dma_semaphore, #tpu.memory_space<semaphore_mem>>)
    %dma_wait3A_787 = arith.constant 1 : i32
    %dma_wait3A_788 = arith.constant 1 : i32
    %dma_wait3A_789 = tpu.memref_slice %arg16[%dma_wait3A_788] : memref<3x!tpu.dma_semaphore, #tpu.memory_space<semaphore_mem>> -> memref<1x!tpu.dma_semaphore, #tpu.memory_space<semaphore_mem>>
    %dma_wait3A_790 = tpu.memref_squeeze %dma_wait3A_789 : memref<1x!tpu.dma_semaphore, #tpu.memory_space<semaphore_mem>> -> memref<!tpu.dma_semaphore, #tpu.memory_space<semaphore_mem>>
    %dma_wait3A_791 = arith.constant 0 : i32
    %dma_wait3A_792 = tpu.memref_slice %arg11[%add3A_726, %dma_wait3A_791] : memref<262144x128xf32, #tpu.memory_space<hbm>> -> memref<256x128xf32, #tpu.memory_space<hbm>>
    %dma_wait3A_793 = arith.constant 0 : i32
    %dma_wait3A_794 = arith.constant 0 : i32
    %dma_wait3A_795 = tpu.memref_slice %arg12[%arg1, %dma_wait3A_787, %dma_wait3A_793, %dma_wait3A_794] : memref<16x3x256x128xf32, #tpu.memory_space<vmem_shared>> -> memref<1x1x256x128xf32, #tpu.memory_space<vmem_shared>>
    %dma_wait3A_796 = tpu.memref_squeeze %dma_wait3A_795 : memref<1x1x256x128xf32, #tpu.memory_space<vmem_shared>> -> memref<256x128xf32, #tpu.memory_space<vmem_shared>>
    tpu.wait_dma2 semaphore(%dma_wait3A_790 : memref<!tpu.dma_semaphore, #tpu.memory_space<semaphore_mem>>) src(%dma_wait3A_796 : memref<256x128xf32, #tpu.memory_space<vmem_shared>>) dst(%dma_wait3A_792 : memref<256x128xf32, #tpu.memory_space<hbm>>)
    %mul3A_797 = arith.constant 2048 : i32
    %mul3A_798 = arith.muli %add3A, %mul3A_797 : i32
    %add3A_799 = arith.constant 0 : i32
    %add3A_800 = arith.addi %mul3A_798, %add3A_799 : i32
    %dma_start3A_801 = arith.constant 1 : i32
    %dma_start3A_802 = arith.constant 1 : i32
    %dma_start3A_803 = tpu.memref_slice %arg15[%dma_start3A_802] : memref<3x!tpu.dma_semaphore, #tpu.memory_space<semaphore_mem>> -> memref<1x!tpu.dma_semaphore, #tpu.memory_space<semaphore_mem>>
    %dma_start3A_804 = tpu.memref_squeeze %dma_start3A_803 : memref<1x!tpu.dma_semaphore, #tpu.memory_space<semaphore_mem>> -> memref<!tpu.dma_semaphore, #tpu.memory_space<semaphore_mem>>
    %dma_start3A_805 = arith.constant 0 : i32
    %dma_start3A_806 = arith.constant 0 : i32
    %dma_start3A_807 = tpu.memref_slice %arg12[%arg1, %dma_start3A_801, %dma_start3A_805, %dma_start3A_806] : memref<16x3x256x128xf32, #tpu.memory_space<vmem_shared>> -> memref<1x1x256x128xf32, #tpu.memory_space<vmem_shared>>
    %dma_start3A_808 = tpu.memref_squeeze %dma_start3A_807 : memref<1x1x256x128xf32, #tpu.memory_space<vmem_shared>> -> memref<256x128xf32, #tpu.memory_space<vmem_shared>>
    %dma_start3A_809 = arith.constant 0 : i32
    %dma_start3A_810 = tpu.memref_slice %arg4[%add3A_800, %dma_start3A_809] : memref<65536x128xf32, #tpu.memory_space<hbm>> -> memref<256x128xf32, #tpu.memory_space<hbm>>
    tpu.enqueue_dma source(%dma_start3A_810 : memref<256x128xf32, #tpu.memory_space<hbm>>) target(%dma_start3A_808 : memref<256x128xf32, #tpu.memory_space<vmem_shared>>) target_semaphore(%dma_start3A_804 : memref<!tpu.dma_semaphore, #tpu.memory_space<semaphore_mem>>)
    %dma_wait3A_811 = arith.constant 0 : i32
    %dma_wait3A_812 = arith.constant 0 : i32
    %dma_wait3A_813 = tpu.memref_slice %arg15[%dma_wait3A_812] : memref<3x!tpu.dma_semaphore, #tpu.memory_space<semaphore_mem>> -> memref<1x!tpu.dma_semaphore, #tpu.memory_space<semaphore_mem>>
    %dma_wait3A_814 = tpu.memref_squeeze %dma_wait3A_813 : memref<1x!tpu.dma_semaphore, #tpu.memory_space<semaphore_mem>> -> memref<!tpu.dma_semaphore, #tpu.memory_space<semaphore_mem>>
    %dma_wait3A_815 = arith.constant 0 : i32
    %dma_wait3A_816 = arith.constant 0 : i32
    %dma_wait3A_817 = tpu.memref_slice %arg12[%arg1, %dma_wait3A_811, %dma_wait3A_815, %dma_wait3A_816] : memref<16x3x256x128xf32, #tpu.memory_space<vmem_shared>> -> memref<1x1x256x128xf32, #tpu.memory_space<vmem_shared>>
    %dma_wait3A_818 = tpu.memref_squeeze %dma_wait3A_817 : memref<1x1x256x128xf32, #tpu.memory_space<vmem_shared>> -> memref<256x128xf32, #tpu.memory_space<vmem_shared>>
    %dma_wait3A_819 = arith.constant 0 : i32
    %dma_wait3A_820 = tpu.memref_slice %arg3[%add3A_750, %dma_wait3A_819] : memref<65536x128xf32, #tpu.memory_space<hbm>> -> memref<256x128xf32, #tpu.memory_space<hbm>>
    tpu.wait_dma2 semaphore(%dma_wait3A_814 : memref<!tpu.dma_semaphore, #tpu.memory_space<semaphore_mem>>) src(%dma_wait3A_820 : memref<256x128xf32, #tpu.memory_space<hbm>>) dst(%dma_wait3A_818 : memref<256x128xf32, #tpu.memory_space<vmem_shared>>)
    %add3A_821 = arith.constant 32 : i32
    %add3A_822 = arith.addi %add3A_821, %add3A : i32
    %mul3A_823 = arith.constant 2048 : i32
    %mul3A_824 = arith.muli %add3A_822, %mul3A_823 : i32
    %add3A_825 = arith.constant 1792 : i32
    %add3A_826 = arith.addi %mul3A_824, %add3A_825 : i32
    %dma_start3A_827 = arith.constant 0 : i32
    %dma_start3A_828 = arith.constant 0 : i32
    %dma_start3A_829 = tpu.memref_slice %arg16[%dma_start3A_828] : memref<3x!tpu.dma_semaphore, #tpu.memory_space<semaphore_mem>> -> memref<1x!tpu.dma_semaphore, #tpu.memory_space<semaphore_mem>>
    %dma_start3A_830 = tpu.memref_squeeze %dma_start3A_829 : memref<1x!tpu.dma_semaphore, #tpu.memory_space<semaphore_mem>> -> memref<!tpu.dma_semaphore, #tpu.memory_space<semaphore_mem>>
    %dma_start3A_831 = arith.constant 0 : i32
    %dma_start3A_832 = tpu.memref_slice %arg11[%add3A_826, %dma_start3A_831] : memref<262144x128xf32, #tpu.memory_space<hbm>> -> memref<256x128xf32, #tpu.memory_space<hbm>>
    %dma_start3A_833 = arith.constant 0 : i32
    %dma_start3A_834 = arith.constant 0 : i32
    %dma_start3A_835 = tpu.memref_slice %arg12[%arg1, %dma_start3A_827, %dma_start3A_833, %dma_start3A_834] : memref<16x3x256x128xf32, #tpu.memory_space<vmem_shared>> -> memref<1x1x256x128xf32, #tpu.memory_space<vmem_shared>>
    %dma_start3A_836 = tpu.memref_squeeze %dma_start3A_835 : memref<1x1x256x128xf32, #tpu.memory_space<vmem_shared>> -> memref<256x128xf32, #tpu.memory_space<vmem_shared>>
    tpu.enqueue_dma source(%dma_start3A_836 : memref<256x128xf32, #tpu.memory_space<vmem_shared>>) target(%dma_start3A_832 : memref<256x128xf32, #tpu.memory_space<hbm>>) target_semaphore(%dma_start3A_830 : memref<!tpu.dma_semaphore, #tpu.memory_space<semaphore_mem>>)
    %dma_wait3A_837 = arith.constant 2 : i32
    %dma_wait3A_838 = arith.constant 2 : i32
    %dma_wait3A_839 = tpu.memref_slice %arg16[%dma_wait3A_838] : memref<3x!tpu.dma_semaphore, #tpu.memory_space<semaphore_mem>> -> memref<1x!tpu.dma_semaphore, #tpu.memory_space<semaphore_mem>>
    %dma_wait3A_840 = tpu.memref_squeeze %dma_wait3A_839 : memref<1x!tpu.dma_semaphore, #tpu.memory_space<semaphore_mem>> -> memref<!tpu.dma_semaphore, #tpu.memory_space<semaphore_mem>>
    %dma_wait3A_841 = arith.constant 0 : i32
    %dma_wait3A_842 = tpu.memref_slice %arg11[%add3A_776, %dma_wait3A_841] : memref<262144x128xf32, #tpu.memory_space<hbm>> -> memref<256x128xf32, #tpu.memory_space<hbm>>
    %dma_wait3A_843 = arith.constant 0 : i32
    %dma_wait3A_844 = arith.constant 0 : i32
    %dma_wait3A_845 = tpu.memref_slice %arg12[%arg1, %dma_wait3A_837, %dma_wait3A_843, %dma_wait3A_844] : memref<16x3x256x128xf32, #tpu.memory_space<vmem_shared>> -> memref<1x1x256x128xf32, #tpu.memory_space<vmem_shared>>
    %dma_wait3A_846 = tpu.memref_squeeze %dma_wait3A_845 : memref<1x1x256x128xf32, #tpu.memory_space<vmem_shared>> -> memref<256x128xf32, #tpu.memory_space<vmem_shared>>
    tpu.wait_dma2 semaphore(%dma_wait3A_840 : memref<!tpu.dma_semaphore, #tpu.memory_space<semaphore_mem>>) src(%dma_wait3A_846 : memref<256x128xf32, #tpu.memory_space<vmem_shared>>) dst(%dma_wait3A_842 : memref<256x128xf32, #tpu.memory_space<hbm>>)
    %mul3A_847 = arith.constant 2048 : i32
    %mul3A_848 = arith.muli %add3A, %mul3A_847 : i32
    %add3A_849 = arith.constant 256 : i32
    %add3A_850 = arith.addi %mul3A_848, %add3A_849 : i32
    %dma_start3A_851 = arith.constant 2 : i32
    %dma_start3A_852 = arith.constant 2 : i32
    %dma_start3A_853 = tpu.memref_slice %arg15[%dma_start3A_852] : memref<3x!tpu.dma_semaphore, #tpu.memory_space<semaphore_mem>> -> memref<1x!tpu.dma_semaphore, #tpu.memory_space<semaphore_mem>>
    %dma_start3A_854 = tpu.memref_squeeze %dma_start3A_853 : memref<1x!tpu.dma_semaphore, #tpu.memory_space<semaphore_mem>> -> memref<!tpu.dma_semaphore, #tpu.memory_space<semaphore_mem>>
    %dma_start3A_855 = arith.constant 0 : i32
    %dma_start3A_856 = arith.constant 0 : i32
    %dma_start3A_857 = tpu.memref_slice %arg12[%arg1, %dma_start3A_851, %dma_start3A_855, %dma_start3A_856] : memref<16x3x256x128xf32, #tpu.memory_space<vmem_shared>> -> memref<1x1x256x128xf32, #tpu.memory_space<vmem_shared>>
    %dma_start3A_858 = tpu.memref_squeeze %dma_start3A_857 : memref<1x1x256x128xf32, #tpu.memory_space<vmem_shared>> -> memref<256x128xf32, #tpu.memory_space<vmem_shared>>
    %dma_start3A_859 = arith.constant 0 : i32
    %dma_start3A_860 = tpu.memref_slice %arg4[%add3A_850, %dma_start3A_859] : memref<65536x128xf32, #tpu.memory_space<hbm>> -> memref<256x128xf32, #tpu.memory_space<hbm>>
    tpu.enqueue_dma source(%dma_start3A_860 : memref<256x128xf32, #tpu.memory_space<hbm>>) target(%dma_start3A_858 : memref<256x128xf32, #tpu.memory_space<vmem_shared>>) target_semaphore(%dma_start3A_854 : memref<!tpu.dma_semaphore, #tpu.memory_space<semaphore_mem>>)
    %dma_wait3A_861 = arith.constant 1 : i32
    %dma_wait3A_862 = arith.constant 1 : i32
    %dma_wait3A_863 = tpu.memref_slice %arg15[%dma_wait3A_862] : memref<3x!tpu.dma_semaphore, #tpu.memory_space<semaphore_mem>> -> memref<1x!tpu.dma_semaphore, #tpu.memory_space<semaphore_mem>>
    %dma_wait3A_864 = tpu.memref_squeeze %dma_wait3A_863 : memref<1x!tpu.dma_semaphore, #tpu.memory_space<semaphore_mem>> -> memref<!tpu.dma_semaphore, #tpu.memory_space<semaphore_mem>>
    %dma_wait3A_865 = arith.constant 0 : i32
    %dma_wait3A_866 = arith.constant 0 : i32
    %dma_wait3A_867 = tpu.memref_slice %arg12[%arg1, %dma_wait3A_861, %dma_wait3A_865, %dma_wait3A_866] : memref<16x3x256x128xf32, #tpu.memory_space<vmem_shared>> -> memref<1x1x256x128xf32, #tpu.memory_space<vmem_shared>>
    %dma_wait3A_868 = tpu.memref_squeeze %dma_wait3A_867 : memref<1x1x256x128xf32, #tpu.memory_space<vmem_shared>> -> memref<256x128xf32, #tpu.memory_space<vmem_shared>>
    %dma_wait3A_869 = arith.constant 0 : i32
    %dma_wait3A_870 = tpu.memref_slice %arg4[%add3A_800, %dma_wait3A_869] : memref<65536x128xf32, #tpu.memory_space<hbm>> -> memref<256x128xf32, #tpu.memory_space<hbm>>
    tpu.wait_dma2 semaphore(%dma_wait3A_864 : memref<!tpu.dma_semaphore, #tpu.memory_space<semaphore_mem>>) src(%dma_wait3A_870 : memref<256x128xf32, #tpu.memory_space<hbm>>) dst(%dma_wait3A_868 : memref<256x128xf32, #tpu.memory_space<vmem_shared>>)
    %add3A_871 = arith.constant 64 : i32
    %add3A_872 = arith.addi %add3A_871, %add3A : i32
    %mul3A_873 = arith.constant 2048 : i32
    %mul3A_874 = arith.muli %add3A_872, %mul3A_873 : i32
    %add3A_875 = arith.constant 0 : i32
    %add3A_876 = arith.addi %mul3A_874, %add3A_875 : i32
    %dma_start3A_877 = arith.constant 1 : i32
    %dma_start3A_878 = arith.constant 1 : i32
    %dma_start3A_879 = tpu.memref_slice %arg16[%dma_start3A_878] : memref<3x!tpu.dma_semaphore, #tpu.memory_space<semaphore_mem>> -> memref<1x!tpu.dma_semaphore, #tpu.memory_space<semaphore_mem>>
    %dma_start3A_880 = tpu.memref_squeeze %dma_start3A_879 : memref<1x!tpu.dma_semaphore, #tpu.memory_space<semaphore_mem>> -> memref<!tpu.dma_semaphore, #tpu.memory_space<semaphore_mem>>
    %dma_start3A_881 = arith.constant 0 : i32
    %dma_start3A_882 = tpu.memref_slice %arg11[%add3A_876, %dma_start3A_881] : memref<262144x128xf32, #tpu.memory_space<hbm>> -> memref<256x128xf32, #tpu.memory_space<hbm>>
    %dma_start3A_883 = arith.constant 0 : i32
    %dma_start3A_884 = arith.constant 0 : i32
    %dma_start3A_885 = tpu.memref_slice %arg12[%arg1, %dma_start3A_877, %dma_start3A_883, %dma_start3A_884] : memref<16x3x256x128xf32, #tpu.memory_space<vmem_shared>> -> memref<1x1x256x128xf32, #tpu.memory_space<vmem_shared>>
    %dma_start3A_886 = tpu.memref_squeeze %dma_start3A_885 : memref<1x1x256x128xf32, #tpu.memory_space<vmem_shared>> -> memref<256x128xf32, #tpu.memory_space<vmem_shared>>
    tpu.enqueue_dma source(%dma_start3A_886 : memref<256x128xf32, #tpu.memory_space<vmem_shared>>) target(%dma_start3A_882 : memref<256x128xf32, #tpu.memory_space<hbm>>) target_semaphore(%dma_start3A_880 : memref<!tpu.dma_semaphore, #tpu.memory_space<semaphore_mem>>)
    %dma_wait3A_887 = arith.constant 0 : i32
    %dma_wait3A_888 = arith.constant 0 : i32
    %dma_wait3A_889 = tpu.memref_slice %arg16[%dma_wait3A_888] : memref<3x!tpu.dma_semaphore, #tpu.memory_space<semaphore_mem>> -> memref<1x!tpu.dma_semaphore, #tpu.memory_space<semaphore_mem>>
    %dma_wait3A_890 = tpu.memref_squeeze %dma_wait3A_889 : memref<1x!tpu.dma_semaphore, #tpu.memory_space<semaphore_mem>> -> memref<!tpu.dma_semaphore, #tpu.memory_space<semaphore_mem>>
    %dma_wait3A_891 = arith.constant 0 : i32
    %dma_wait3A_892 = tpu.memref_slice %arg11[%add3A_826, %dma_wait3A_891] : memref<262144x128xf32, #tpu.memory_space<hbm>> -> memref<256x128xf32, #tpu.memory_space<hbm>>
    %dma_wait3A_893 = arith.constant 0 : i32
    %dma_wait3A_894 = arith.constant 0 : i32
    %dma_wait3A_895 = tpu.memref_slice %arg12[%arg1, %dma_wait3A_887, %dma_wait3A_893, %dma_wait3A_894] : memref<16x3x256x128xf32, #tpu.memory_space<vmem_shared>> -> memref<1x1x256x128xf32, #tpu.memory_space<vmem_shared>>
    %dma_wait3A_896 = tpu.memref_squeeze %dma_wait3A_895 : memref<1x1x256x128xf32, #tpu.memory_space<vmem_shared>> -> memref<256x128xf32, #tpu.memory_space<vmem_shared>>
    tpu.wait_dma2 semaphore(%dma_wait3A_890 : memref<!tpu.dma_semaphore, #tpu.memory_space<semaphore_mem>>) src(%dma_wait3A_896 : memref<256x128xf32, #tpu.memory_space<vmem_shared>>) dst(%dma_wait3A_892 : memref<256x128xf32, #tpu.memory_space<hbm>>)
    %mul3A_897 = arith.constant 2048 : i32
    %mul3A_898 = arith.muli %add3A, %mul3A_897 : i32
    %add3A_899 = arith.constant 512 : i32
    %add3A_900 = arith.addi %mul3A_898, %add3A_899 : i32
    %dma_start3A_901 = arith.constant 0 : i32
    %dma_start3A_902 = arith.constant 0 : i32
    %dma_start3A_903 = tpu.memref_slice %arg15[%dma_start3A_902] : memref<3x!tpu.dma_semaphore, #tpu.memory_space<semaphore_mem>> -> memref<1x!tpu.dma_semaphore, #tpu.memory_space<semaphore_mem>>
    %dma_start3A_904 = tpu.memref_squeeze %dma_start3A_903 : memref<1x!tpu.dma_semaphore, #tpu.memory_space<semaphore_mem>> -> memref<!tpu.dma_semaphore, #tpu.memory_space<semaphore_mem>>
    %dma_start3A_905 = arith.constant 0 : i32
    %dma_start3A_906 = arith.constant 0 : i32
    %dma_start3A_907 = tpu.memref_slice %arg12[%arg1, %dma_start3A_901, %dma_start3A_905, %dma_start3A_906] : memref<16x3x256x128xf32, #tpu.memory_space<vmem_shared>> -> memref<1x1x256x128xf32, #tpu.memory_space<vmem_shared>>
    %dma_start3A_908 = tpu.memref_squeeze %dma_start3A_907 : memref<1x1x256x128xf32, #tpu.memory_space<vmem_shared>> -> memref<256x128xf32, #tpu.memory_space<vmem_shared>>
    %dma_start3A_909 = arith.constant 0 : i32
    %dma_start3A_910 = tpu.memref_slice %arg4[%add3A_900, %dma_start3A_909] : memref<65536x128xf32, #tpu.memory_space<hbm>> -> memref<256x128xf32, #tpu.memory_space<hbm>>
    tpu.enqueue_dma source(%dma_start3A_910 : memref<256x128xf32, #tpu.memory_space<hbm>>) target(%dma_start3A_908 : memref<256x128xf32, #tpu.memory_space<vmem_shared>>) target_semaphore(%dma_start3A_904 : memref<!tpu.dma_semaphore, #tpu.memory_space<semaphore_mem>>)
    %dma_wait3A_911 = arith.constant 2 : i32
    %dma_wait3A_912 = arith.constant 2 : i32
    %dma_wait3A_913 = tpu.memref_slice %arg15[%dma_wait3A_912] : memref<3x!tpu.dma_semaphore, #tpu.memory_space<semaphore_mem>> -> memref<1x!tpu.dma_semaphore, #tpu.memory_space<semaphore_mem>>
    %dma_wait3A_914 = tpu.memref_squeeze %dma_wait3A_913 : memref<1x!tpu.dma_semaphore, #tpu.memory_space<semaphore_mem>> -> memref<!tpu.dma_semaphore, #tpu.memory_space<semaphore_mem>>
    %dma_wait3A_915 = arith.constant 0 : i32
    %dma_wait3A_916 = arith.constant 0 : i32
    %dma_wait3A_917 = tpu.memref_slice %arg12[%arg1, %dma_wait3A_911, %dma_wait3A_915, %dma_wait3A_916] : memref<16x3x256x128xf32, #tpu.memory_space<vmem_shared>> -> memref<1x1x256x128xf32, #tpu.memory_space<vmem_shared>>
    %dma_wait3A_918 = tpu.memref_squeeze %dma_wait3A_917 : memref<1x1x256x128xf32, #tpu.memory_space<vmem_shared>> -> memref<256x128xf32, #tpu.memory_space<vmem_shared>>
    %dma_wait3A_919 = arith.constant 0 : i32
    %dma_wait3A_920 = tpu.memref_slice %arg4[%add3A_850, %dma_wait3A_919] : memref<65536x128xf32, #tpu.memory_space<hbm>> -> memref<256x128xf32, #tpu.memory_space<hbm>>
    tpu.wait_dma2 semaphore(%dma_wait3A_914 : memref<!tpu.dma_semaphore, #tpu.memory_space<semaphore_mem>>) src(%dma_wait3A_920 : memref<256x128xf32, #tpu.memory_space<hbm>>) dst(%dma_wait3A_918 : memref<256x128xf32, #tpu.memory_space<vmem_shared>>)
    %add3A_921 = arith.constant 64 : i32
    %add3A_922 = arith.addi %add3A_921, %add3A : i32
    %mul3A_923 = arith.constant 2048 : i32
    %mul3A_924 = arith.muli %add3A_922, %mul3A_923 : i32
    %add3A_925 = arith.constant 256 : i32
    %add3A_926 = arith.addi %mul3A_924, %add3A_925 : i32
    %dma_start3A_927 = arith.constant 2 : i32
    %dma_start3A_928 = arith.constant 2 : i32
    %dma_start3A_929 = tpu.memref_slice %arg16[%dma_start3A_928] : memref<3x!tpu.dma_semaphore, #tpu.memory_space<semaphore_mem>> -> memref<1x!tpu.dma_semaphore, #tpu.memory_space<semaphore_mem>>
    %dma_start3A_930 = tpu.memref_squeeze %dma_start3A_929 : memref<1x!tpu.dma_semaphore, #tpu.memory_space<semaphore_mem>> -> memref<!tpu.dma_semaphore, #tpu.memory_space<semaphore_mem>>
    %dma_start3A_931 = arith.constant 0 : i32
    %dma_start3A_932 = tpu.memref_slice %arg11[%add3A_926, %dma_start3A_931] : memref<262144x128xf32, #tpu.memory_space<hbm>> -> memref<256x128xf32, #tpu.memory_space<hbm>>
    %dma_start3A_933 = arith.constant 0 : i32
    %dma_start3A_934 = arith.constant 0 : i32
    %dma_start3A_935 = tpu.memref_slice %arg12[%arg1, %dma_start3A_927, %dma_start3A_933, %dma_start3A_934] : memref<16x3x256x128xf32, #tpu.memory_space<vmem_shared>> -> memref<1x1x256x128xf32, #tpu.memory_space<vmem_shared>>
    %dma_start3A_936 = tpu.memref_squeeze %dma_start3A_935 : memref<1x1x256x128xf32, #tpu.memory_space<vmem_shared>> -> memref<256x128xf32, #tpu.memory_space<vmem_shared>>
    tpu.enqueue_dma source(%dma_start3A_936 : memref<256x128xf32, #tpu.memory_space<vmem_shared>>) target(%dma_start3A_932 : memref<256x128xf32, #tpu.memory_space<hbm>>) target_semaphore(%dma_start3A_930 : memref<!tpu.dma_semaphore, #tpu.memory_space<semaphore_mem>>)
    %dma_wait3A_937 = arith.constant 1 : i32
    %dma_wait3A_938 = arith.constant 1 : i32
    %dma_wait3A_939 = tpu.memref_slice %arg16[%dma_wait3A_938] : memref<3x!tpu.dma_semaphore, #tpu.memory_space<semaphore_mem>> -> memref<1x!tpu.dma_semaphore, #tpu.memory_space<semaphore_mem>>
    %dma_wait3A_940 = tpu.memref_squeeze %dma_wait3A_939 : memref<1x!tpu.dma_semaphore, #tpu.memory_space<semaphore_mem>> -> memref<!tpu.dma_semaphore, #tpu.memory_space<semaphore_mem>>
    %dma_wait3A_941 = arith.constant 0 : i32
    %dma_wait3A_942 = tpu.memref_slice %arg11[%add3A_876, %dma_wait3A_941] : memref<262144x128xf32, #tpu.memory_space<hbm>> -> memref<256x128xf32, #tpu.memory_space<hbm>>
    %dma_wait3A_943 = arith.constant 0 : i32
    %dma_wait3A_944 = arith.constant 0 : i32
    %dma_wait3A_945 = tpu.memref_slice %arg12[%arg1, %dma_wait3A_937, %dma_wait3A_943, %dma_wait3A_944] : memref<16x3x256x128xf32, #tpu.memory_space<vmem_shared>> -> memref<1x1x256x128xf32, #tpu.memory_space<vmem_shared>>
    %dma_wait3A_946 = tpu.memref_squeeze %dma_wait3A_945 : memref<1x1x256x128xf32, #tpu.memory_space<vmem_shared>> -> memref<256x128xf32, #tpu.memory_space<vmem_shared>>
    tpu.wait_dma2 semaphore(%dma_wait3A_940 : memref<!tpu.dma_semaphore, #tpu.memory_space<semaphore_mem>>) src(%dma_wait3A_946 : memref<256x128xf32, #tpu.memory_space<vmem_shared>>) dst(%dma_wait3A_942 : memref<256x128xf32, #tpu.memory_space<hbm>>)
    %mul3A_947 = arith.constant 2048 : i32
    %mul3A_948 = arith.muli %add3A, %mul3A_947 : i32
    %add3A_949 = arith.constant 768 : i32
    %add3A_950 = arith.addi %mul3A_948, %add3A_949 : i32
    %dma_start3A_951 = arith.constant 1 : i32
    %dma_start3A_952 = arith.constant 1 : i32
    %dma_start3A_953 = tpu.memref_slice %arg15[%dma_start3A_952] : memref<3x!tpu.dma_semaphore, #tpu.memory_space<semaphore_mem>> -> memref<1x!tpu.dma_semaphore, #tpu.memory_space<semaphore_mem>>
    %dma_start3A_954 = tpu.memref_squeeze %dma_start3A_953 : memref<1x!tpu.dma_semaphore, #tpu.memory_space<semaphore_mem>> -> memref<!tpu.dma_semaphore, #tpu.memory_space<semaphore_mem>>
    %dma_start3A_955 = arith.constant 0 : i32
    %dma_start3A_956 = arith.constant 0 : i32
    %dma_start3A_957 = tpu.memref_slice %arg12[%arg1, %dma_start3A_951, %dma_start3A_955, %dma_start3A_956] : memref<16x3x256x128xf32, #tpu.memory_space<vmem_shared>> -> memref<1x1x256x128xf32, #tpu.memory_space<vmem_shared>>
    %dma_start3A_958 = tpu.memref_squeeze %dma_start3A_957 : memref<1x1x256x128xf32, #tpu.memory_space<vmem_shared>> -> memref<256x128xf32, #tpu.memory_space<vmem_shared>>
    %dma_start3A_959 = arith.constant 0 : i32
    %dma_start3A_960 = tpu.memref_slice %arg4[%add3A_950, %dma_start3A_959] : memref<65536x128xf32, #tpu.memory_space<hbm>> -> memref<256x128xf32, #tpu.memory_space<hbm>>
    tpu.enqueue_dma source(%dma_start3A_960 : memref<256x128xf32, #tpu.memory_space<hbm>>) target(%dma_start3A_958 : memref<256x128xf32, #tpu.memory_space<vmem_shared>>) target_semaphore(%dma_start3A_954 : memref<!tpu.dma_semaphore, #tpu.memory_space<semaphore_mem>>)
    %dma_wait3A_961 = arith.constant 0 : i32
    %dma_wait3A_962 = arith.constant 0 : i32
    %dma_wait3A_963 = tpu.memref_slice %arg15[%dma_wait3A_962] : memref<3x!tpu.dma_semaphore, #tpu.memory_space<semaphore_mem>> -> memref<1x!tpu.dma_semaphore, #tpu.memory_space<semaphore_mem>>
    %dma_wait3A_964 = tpu.memref_squeeze %dma_wait3A_963 : memref<1x!tpu.dma_semaphore, #tpu.memory_space<semaphore_mem>> -> memref<!tpu.dma_semaphore, #tpu.memory_space<semaphore_mem>>
    %dma_wait3A_965 = arith.constant 0 : i32
    %dma_wait3A_966 = arith.constant 0 : i32
    %dma_wait3A_967 = tpu.memref_slice %arg12[%arg1, %dma_wait3A_961, %dma_wait3A_965, %dma_wait3A_966] : memref<16x3x256x128xf32, #tpu.memory_space<vmem_shared>> -> memref<1x1x256x128xf32, #tpu.memory_space<vmem_shared>>
    %dma_wait3A_968 = tpu.memref_squeeze %dma_wait3A_967 : memref<1x1x256x128xf32, #tpu.memory_space<vmem_shared>> -> memref<256x128xf32, #tpu.memory_space<vmem_shared>>
    %dma_wait3A_969 = arith.constant 0 : i32
    %dma_wait3A_970 = tpu.memref_slice %arg4[%add3A_900, %dma_wait3A_969] : memref<65536x128xf32, #tpu.memory_space<hbm>> -> memref<256x128xf32, #tpu.memory_space<hbm>>
    tpu.wait_dma2 semaphore(%dma_wait3A_964 : memref<!tpu.dma_semaphore, #tpu.memory_space<semaphore_mem>>) src(%dma_wait3A_970 : memref<256x128xf32, #tpu.memory_space<hbm>>) dst(%dma_wait3A_968 : memref<256x128xf32, #tpu.memory_space<vmem_shared>>)
    %add3A_971 = arith.constant 64 : i32
    %add3A_972 = arith.addi %add3A_971, %add3A : i32
    %mul3A_973 = arith.constant 2048 : i32
    %mul3A_974 = arith.muli %add3A_972, %mul3A_973 : i32
    %add3A_975 = arith.constant 512 : i32
    %add3A_976 = arith.addi %mul3A_974, %add3A_975 : i32
    %dma_start3A_977 = arith.constant 0 : i32
    %dma_start3A_978 = arith.constant 0 : i32
    %dma_start3A_979 = tpu.memref_slice %arg16[%dma_start3A_978] : memref<3x!tpu.dma_semaphore, #tpu.memory_space<semaphore_mem>> -> memref<1x!tpu.dma_semaphore, #tpu.memory_space<semaphore_mem>>
    %dma_start3A_980 = tpu.memref_squeeze %dma_start3A_979 : memref<1x!tpu.dma_semaphore, #tpu.memory_space<semaphore_mem>> -> memref<!tpu.dma_semaphore, #tpu.memory_space<semaphore_mem>>
    %dma_start3A_981 = arith.constant 0 : i32
    %dma_start3A_982 = tpu.memref_slice %arg11[%add3A_976, %dma_start3A_981] : memref<262144x128xf32, #tpu.memory_space<hbm>> -> memref<256x128xf32, #tpu.memory_space<hbm>>
    %dma_start3A_983 = arith.constant 0 : i32
    %dma_start3A_984 = arith.constant 0 : i32
    %dma_start3A_985 = tpu.memref_slice %arg12[%arg1, %dma_start3A_977, %dma_start3A_983, %dma_start3A_984] : memref<16x3x256x128xf32, #tpu.memory_space<vmem_shared>> -> memref<1x1x256x128xf32, #tpu.memory_space<vmem_shared>>
    %dma_start3A_986 = tpu.memref_squeeze %dma_start3A_985 : memref<1x1x256x128xf32, #tpu.memory_space<vmem_shared>> -> memref<256x128xf32, #tpu.memory_space<vmem_shared>>
    tpu.enqueue_dma source(%dma_start3A_986 : memref<256x128xf32, #tpu.memory_space<vmem_shared>>) target(%dma_start3A_982 : memref<256x128xf32, #tpu.memory_space<hbm>>) target_semaphore(%dma_start3A_980 : memref<!tpu.dma_semaphore, #tpu.memory_space<semaphore_mem>>)
    %dma_wait3A_987 = arith.constant 2 : i32
    %dma_wait3A_988 = arith.constant 2 : i32
    %dma_wait3A_989 = tpu.memref_slice %arg16[%dma_wait3A_988] : memref<3x!tpu.dma_semaphore, #tpu.memory_space<semaphore_mem>> -> memref<1x!tpu.dma_semaphore, #tpu.memory_space<semaphore_mem>>
    %dma_wait3A_990 = tpu.memref_squeeze %dma_wait3A_989 : memref<1x!tpu.dma_semaphore, #tpu.memory_space<semaphore_mem>> -> memref<!tpu.dma_semaphore, #tpu.memory_space<semaphore_mem>>
    %dma_wait3A_991 = arith.constant 0 : i32
    %dma_wait3A_992 = tpu.memref_slice %arg11[%add3A_926, %dma_wait3A_991] : memref<262144x128xf32, #tpu.memory_space<hbm>> -> memref<256x128xf32, #tpu.memory_space<hbm>>
    %dma_wait3A_993 = arith.constant 0 : i32
    %dma_wait3A_994 = arith.constant 0 : i32
    %dma_wait3A_995 = tpu.memref_slice %arg12[%arg1, %dma_wait3A_987, %dma_wait3A_993, %dma_wait3A_994] : memref<16x3x256x128xf32, #tpu.memory_space<vmem_shared>> -> memref<1x1x256x128xf32, #tpu.memory_space<vmem_shared>>
    %dma_wait3A_996 = tpu.memref_squeeze %dma_wait3A_995 : memref<1x1x256x128xf32, #tpu.memory_space<vmem_shared>> -> memref<256x128xf32, #tpu.memory_space<vmem_shared>>
    tpu.wait_dma2 semaphore(%dma_wait3A_990 : memref<!tpu.dma_semaphore, #tpu.memory_space<semaphore_mem>>) src(%dma_wait3A_996 : memref<256x128xf32, #tpu.memory_space<vmem_shared>>) dst(%dma_wait3A_992 : memref<256x128xf32, #tpu.memory_space<hbm>>)
    %mul3A_997 = arith.constant 2048 : i32
    %mul3A_998 = arith.muli %add3A, %mul3A_997 : i32
    %add3A_999 = arith.constant 1024 : i32
    %add3A_1000 = arith.addi %mul3A_998, %add3A_999 : i32
    %dma_start3A_1001 = arith.constant 2 : i32
    %dma_start3A_1002 = arith.constant 2 : i32
    %dma_start3A_1003 = tpu.memref_slice %arg15[%dma_start3A_1002] : memref<3x!tpu.dma_semaphore, #tpu.memory_space<semaphore_mem>> -> memref<1x!tpu.dma_semaphore, #tpu.memory_space<semaphore_mem>>
    %dma_start3A_1004 = tpu.memref_squeeze %dma_start3A_1003 : memref<1x!tpu.dma_semaphore, #tpu.memory_space<semaphore_mem>> -> memref<!tpu.dma_semaphore, #tpu.memory_space<semaphore_mem>>
    %dma_start3A_1005 = arith.constant 0 : i32
    %dma_start3A_1006 = arith.constant 0 : i32
    %dma_start3A_1007 = tpu.memref_slice %arg12[%arg1, %dma_start3A_1001, %dma_start3A_1005, %dma_start3A_1006] : memref<16x3x256x128xf32, #tpu.memory_space<vmem_shared>> -> memref<1x1x256x128xf32, #tpu.memory_space<vmem_shared>>
    %dma_start3A_1008 = tpu.memref_squeeze %dma_start3A_1007 : memref<1x1x256x128xf32, #tpu.memory_space<vmem_shared>> -> memref<256x128xf32, #tpu.memory_space<vmem_shared>>
    %dma_start3A_1009 = arith.constant 0 : i32
    %dma_start3A_1010 = tpu.memref_slice %arg4[%add3A_1000, %dma_start3A_1009] : memref<65536x128xf32, #tpu.memory_space<hbm>> -> memref<256x128xf32, #tpu.memory_space<hbm>>
    tpu.enqueue_dma source(%dma_start3A_1010 : memref<256x128xf32, #tpu.memory_space<hbm>>) target(%dma_start3A_1008 : memref<256x128xf32, #tpu.memory_space<vmem_shared>>) target_semaphore(%dma_start3A_1004 : memref<!tpu.dma_semaphore, #tpu.memory_space<semaphore_mem>>)
    %dma_wait3A_1011 = arith.constant 1 : i32
    %dma_wait3A_1012 = arith.constant 1 : i32
    %dma_wait3A_1013 = tpu.memref_slice %arg15[%dma_wait3A_1012] : memref<3x!tpu.dma_semaphore, #tpu.memory_space<semaphore_mem>> -> memref<1x!tpu.dma_semaphore, #tpu.memory_space<semaphore_mem>>
    %dma_wait3A_1014 = tpu.memref_squeeze %dma_wait3A_1013 : memref<1x!tpu.dma_semaphore, #tpu.memory_space<semaphore_mem>> -> memref<!tpu.dma_semaphore, #tpu.memory_space<semaphore_mem>>
    %dma_wait3A_1015 = arith.constant 0 : i32
    %dma_wait3A_1016 = arith.constant 0 : i32
    %dma_wait3A_1017 = tpu.memref_slice %arg12[%arg1, %dma_wait3A_1011, %dma_wait3A_1015, %dma_wait3A_1016] : memref<16x3x256x128xf32, #tpu.memory_space<vmem_shared>> -> memref<1x1x256x128xf32, #tpu.memory_space<vmem_shared>>
    %dma_wait3A_1018 = tpu.memref_squeeze %dma_wait3A_1017 : memref<1x1x256x128xf32, #tpu.memory_space<vmem_shared>> -> memref<256x128xf32, #tpu.memory_space<vmem_shared>>
    %dma_wait3A_1019 = arith.constant 0 : i32
    %dma_wait3A_1020 = tpu.memref_slice %arg4[%add3A_950, %dma_wait3A_1019] : memref<65536x128xf32, #tpu.memory_space<hbm>> -> memref<256x128xf32, #tpu.memory_space<hbm>>
    tpu.wait_dma2 semaphore(%dma_wait3A_1014 : memref<!tpu.dma_semaphore, #tpu.memory_space<semaphore_mem>>) src(%dma_wait3A_1020 : memref<256x128xf32, #tpu.memory_space<hbm>>) dst(%dma_wait3A_1018 : memref<256x128xf32, #tpu.memory_space<vmem_shared>>)
    %add3A_1021 = arith.constant 64 : i32
    %add3A_1022 = arith.addi %add3A_1021, %add3A : i32
    %mul3A_1023 = arith.constant 2048 : i32
    %mul3A_1024 = arith.muli %add3A_1022, %mul3A_1023 : i32
    %add3A_1025 = arith.constant 768 : i32
    %add3A_1026 = arith.addi %mul3A_1024, %add3A_1025 : i32
    %dma_start3A_1027 = arith.constant 1 : i32
    %dma_start3A_1028 = arith.constant 1 : i32
    %dma_start3A_1029 = tpu.memref_slice %arg16[%dma_start3A_1028] : memref<3x!tpu.dma_semaphore, #tpu.memory_space<semaphore_mem>> -> memref<1x!tpu.dma_semaphore, #tpu.memory_space<semaphore_mem>>
    %dma_start3A_1030 = tpu.memref_squeeze %dma_start3A_1029 : memref<1x!tpu.dma_semaphore, #tpu.memory_space<semaphore_mem>> -> memref<!tpu.dma_semaphore, #tpu.memory_space<semaphore_mem>>
    %dma_start3A_1031 = arith.constant 0 : i32
    %dma_start3A_1032 = tpu.memref_slice %arg11[%add3A_1026, %dma_start3A_1031] : memref<262144x128xf32, #tpu.memory_space<hbm>> -> memref<256x128xf32, #tpu.memory_space<hbm>>
    %dma_start3A_1033 = arith.constant 0 : i32
    %dma_start3A_1034 = arith.constant 0 : i32
    %dma_start3A_1035 = tpu.memref_slice %arg12[%arg1, %dma_start3A_1027, %dma_start3A_1033, %dma_start3A_1034] : memref<16x3x256x128xf32, #tpu.memory_space<vmem_shared>> -> memref<1x1x256x128xf32, #tpu.memory_space<vmem_shared>>
    %dma_start3A_1036 = tpu.memref_squeeze %dma_start3A_1035 : memref<1x1x256x128xf32, #tpu.memory_space<vmem_shared>> -> memref<256x128xf32, #tpu.memory_space<vmem_shared>>
    tpu.enqueue_dma source(%dma_start3A_1036 : memref<256x128xf32, #tpu.memory_space<vmem_shared>>) target(%dma_start3A_1032 : memref<256x128xf32, #tpu.memory_space<hbm>>) target_semaphore(%dma_start3A_1030 : memref<!tpu.dma_semaphore, #tpu.memory_space<semaphore_mem>>)
    %dma_wait3A_1037 = arith.constant 0 : i32
    %dma_wait3A_1038 = arith.constant 0 : i32
    %dma_wait3A_1039 = tpu.memref_slice %arg16[%dma_wait3A_1038] : memref<3x!tpu.dma_semaphore, #tpu.memory_space<semaphore_mem>> -> memref<1x!tpu.dma_semaphore, #tpu.memory_space<semaphore_mem>>
    %dma_wait3A_1040 = tpu.memref_squeeze %dma_wait3A_1039 : memref<1x!tpu.dma_semaphore, #tpu.memory_space<semaphore_mem>> -> memref<!tpu.dma_semaphore, #tpu.memory_space<semaphore_mem>>
    %dma_wait3A_1041 = arith.constant 0 : i32
    %dma_wait3A_1042 = tpu.memref_slice %arg11[%add3A_976, %dma_wait3A_1041] : memref<262144x128xf32, #tpu.memory_space<hbm>> -> memref<256x128xf32, #tpu.memory_space<hbm>>
    %dma_wait3A_1043 = arith.constant 0 : i32
    %dma_wait3A_1044 = arith.constant 0 : i32
    %dma_wait3A_1045 = tpu.memref_slice %arg12[%arg1, %dma_wait3A_1037, %dma_wait3A_1043, %dma_wait3A_1044] : memref<16x3x256x128xf32, #tpu.memory_space<vmem_shared>> -> memref<1x1x256x128xf32, #tpu.memory_space<vmem_shared>>
    %dma_wait3A_1046 = tpu.memref_squeeze %dma_wait3A_1045 : memref<1x1x256x128xf32, #tpu.memory_space<vmem_shared>> -> memref<256x128xf32, #tpu.memory_space<vmem_shared>>
    tpu.wait_dma2 semaphore(%dma_wait3A_1040 : memref<!tpu.dma_semaphore, #tpu.memory_space<semaphore_mem>>) src(%dma_wait3A_1046 : memref<256x128xf32, #tpu.memory_space<vmem_shared>>) dst(%dma_wait3A_1042 : memref<256x128xf32, #tpu.memory_space<hbm>>)
    %mul3A_1047 = arith.constant 2048 : i32
    %mul3A_1048 = arith.muli %add3A, %mul3A_1047 : i32
    %add3A_1049 = arith.constant 1280 : i32
    %add3A_1050 = arith.addi %mul3A_1048, %add3A_1049 : i32
    %dma_start3A_1051 = arith.constant 0 : i32
    %dma_start3A_1052 = arith.constant 0 : i32
    %dma_start3A_1053 = tpu.memref_slice %arg15[%dma_start3A_1052] : memref<3x!tpu.dma_semaphore, #tpu.memory_space<semaphore_mem>> -> memref<1x!tpu.dma_semaphore, #tpu.memory_space<semaphore_mem>>
    %dma_start3A_1054 = tpu.memref_squeeze %dma_start3A_1053 : memref<1x!tpu.dma_semaphore, #tpu.memory_space<semaphore_mem>> -> memref<!tpu.dma_semaphore, #tpu.memory_space<semaphore_mem>>
    %dma_start3A_1055 = arith.constant 0 : i32
    %dma_start3A_1056 = arith.constant 0 : i32
    %dma_start3A_1057 = tpu.memref_slice %arg12[%arg1, %dma_start3A_1051, %dma_start3A_1055, %dma_start3A_1056] : memref<16x3x256x128xf32, #tpu.memory_space<vmem_shared>> -> memref<1x1x256x128xf32, #tpu.memory_space<vmem_shared>>
    %dma_start3A_1058 = tpu.memref_squeeze %dma_start3A_1057 : memref<1x1x256x128xf32, #tpu.memory_space<vmem_shared>> -> memref<256x128xf32, #tpu.memory_space<vmem_shared>>
    %dma_start3A_1059 = arith.constant 0 : i32
    %dma_start3A_1060 = tpu.memref_slice %arg4[%add3A_1050, %dma_start3A_1059] : memref<65536x128xf32, #tpu.memory_space<hbm>> -> memref<256x128xf32, #tpu.memory_space<hbm>>
    tpu.enqueue_dma source(%dma_start3A_1060 : memref<256x128xf32, #tpu.memory_space<hbm>>) target(%dma_start3A_1058 : memref<256x128xf32, #tpu.memory_space<vmem_shared>>) target_semaphore(%dma_start3A_1054 : memref<!tpu.dma_semaphore, #tpu.memory_space<semaphore_mem>>)
    %dma_wait3A_1061 = arith.constant 2 : i32
    %dma_wait3A_1062 = arith.constant 2 : i32
    %dma_wait3A_1063 = tpu.memref_slice %arg15[%dma_wait3A_1062] : memref<3x!tpu.dma_semaphore, #tpu.memory_space<semaphore_mem>> -> memref<1x!tpu.dma_semaphore, #tpu.memory_space<semaphore_mem>>
    %dma_wait3A_1064 = tpu.memref_squeeze %dma_wait3A_1063 : memref<1x!tpu.dma_semaphore, #tpu.memory_space<semaphore_mem>> -> memref<!tpu.dma_semaphore, #tpu.memory_space<semaphore_mem>>
    %dma_wait3A_1065 = arith.constant 0 : i32
    %dma_wait3A_1066 = arith.constant 0 : i32
    %dma_wait3A_1067 = tpu.memref_slice %arg12[%arg1, %dma_wait3A_1061, %dma_wait3A_1065, %dma_wait3A_1066] : memref<16x3x256x128xf32, #tpu.memory_space<vmem_shared>> -> memref<1x1x256x128xf32, #tpu.memory_space<vmem_shared>>
    %dma_wait3A_1068 = tpu.memref_squeeze %dma_wait3A_1067 : memref<1x1x256x128xf32, #tpu.memory_space<vmem_shared>> -> memref<256x128xf32, #tpu.memory_space<vmem_shared>>
    %dma_wait3A_1069 = arith.constant 0 : i32
    %dma_wait3A_1070 = tpu.memref_slice %arg4[%add3A_1000, %dma_wait3A_1069] : memref<65536x128xf32, #tpu.memory_space<hbm>> -> memref<256x128xf32, #tpu.memory_space<hbm>>
    tpu.wait_dma2 semaphore(%dma_wait3A_1064 : memref<!tpu.dma_semaphore, #tpu.memory_space<semaphore_mem>>) src(%dma_wait3A_1070 : memref<256x128xf32, #tpu.memory_space<hbm>>) dst(%dma_wait3A_1068 : memref<256x128xf32, #tpu.memory_space<vmem_shared>>)
    %add3A_1071 = arith.constant 64 : i32
    %add3A_1072 = arith.addi %add3A_1071, %add3A : i32
    %mul3A_1073 = arith.constant 2048 : i32
    %mul3A_1074 = arith.muli %add3A_1072, %mul3A_1073 : i32
    %add3A_1075 = arith.constant 1024 : i32
    %add3A_1076 = arith.addi %mul3A_1074, %add3A_1075 : i32
    %dma_start3A_1077 = arith.constant 2 : i32
    %dma_start3A_1078 = arith.constant 2 : i32
    %dma_start3A_1079 = tpu.memref_slice %arg16[%dma_start3A_1078] : memref<3x!tpu.dma_semaphore, #tpu.memory_space<semaphore_mem>> -> memref<1x!tpu.dma_semaphore, #tpu.memory_space<semaphore_mem>>
    %dma_start3A_1080 = tpu.memref_squeeze %dma_start3A_1079 : memref<1x!tpu.dma_semaphore, #tpu.memory_space<semaphore_mem>> -> memref<!tpu.dma_semaphore, #tpu.memory_space<semaphore_mem>>
    %dma_start3A_1081 = arith.constant 0 : i32
    %dma_start3A_1082 = tpu.memref_slice %arg11[%add3A_1076, %dma_start3A_1081] : memref<262144x128xf32, #tpu.memory_space<hbm>> -> memref<256x128xf32, #tpu.memory_space<hbm>>
    %dma_start3A_1083 = arith.constant 0 : i32
    %dma_start3A_1084 = arith.constant 0 : i32
    %dma_start3A_1085 = tpu.memref_slice %arg12[%arg1, %dma_start3A_1077, %dma_start3A_1083, %dma_start3A_1084] : memref<16x3x256x128xf32, #tpu.memory_space<vmem_shared>> -> memref<1x1x256x128xf32, #tpu.memory_space<vmem_shared>>
    %dma_start3A_1086 = tpu.memref_squeeze %dma_start3A_1085 : memref<1x1x256x128xf32, #tpu.memory_space<vmem_shared>> -> memref<256x128xf32, #tpu.memory_space<vmem_shared>>
    tpu.enqueue_dma source(%dma_start3A_1086 : memref<256x128xf32, #tpu.memory_space<vmem_shared>>) target(%dma_start3A_1082 : memref<256x128xf32, #tpu.memory_space<hbm>>) target_semaphore(%dma_start3A_1080 : memref<!tpu.dma_semaphore, #tpu.memory_space<semaphore_mem>>)
    %dma_wait3A_1087 = arith.constant 1 : i32
    %dma_wait3A_1088 = arith.constant 1 : i32
    %dma_wait3A_1089 = tpu.memref_slice %arg16[%dma_wait3A_1088] : memref<3x!tpu.dma_semaphore, #tpu.memory_space<semaphore_mem>> -> memref<1x!tpu.dma_semaphore, #tpu.memory_space<semaphore_mem>>
    %dma_wait3A_1090 = tpu.memref_squeeze %dma_wait3A_1089 : memref<1x!tpu.dma_semaphore, #tpu.memory_space<semaphore_mem>> -> memref<!tpu.dma_semaphore, #tpu.memory_space<semaphore_mem>>
    %dma_wait3A_1091 = arith.constant 0 : i32
    %dma_wait3A_1092 = tpu.memref_slice %arg11[%add3A_1026, %dma_wait3A_1091] : memref<262144x128xf32, #tpu.memory_space<hbm>> -> memref<256x128xf32, #tpu.memory_space<hbm>>
    %dma_wait3A_1093 = arith.constant 0 : i32
    %dma_wait3A_1094 = arith.constant 0 : i32
    %dma_wait3A_1095 = tpu.memref_slice %arg12[%arg1, %dma_wait3A_1087, %dma_wait3A_1093, %dma_wait3A_1094] : memref<16x3x256x128xf32, #tpu.memory_space<vmem_shared>> -> memref<1x1x256x128xf32, #tpu.memory_space<vmem_shared>>
    %dma_wait3A_1096 = tpu.memref_squeeze %dma_wait3A_1095 : memref<1x1x256x128xf32, #tpu.memory_space<vmem_shared>> -> memref<256x128xf32, #tpu.memory_space<vmem_shared>>
    tpu.wait_dma2 semaphore(%dma_wait3A_1090 : memref<!tpu.dma_semaphore, #tpu.memory_space<semaphore_mem>>) src(%dma_wait3A_1096 : memref<256x128xf32, #tpu.memory_space<vmem_shared>>) dst(%dma_wait3A_1092 : memref<256x128xf32, #tpu.memory_space<hbm>>)
    %mul3A_1097 = arith.constant 2048 : i32
    %mul3A_1098 = arith.muli %add3A, %mul3A_1097 : i32
    %add3A_1099 = arith.constant 1536 : i32
    %add3A_1100 = arith.addi %mul3A_1098, %add3A_1099 : i32
    %dma_start3A_1101 = arith.constant 1 : i32
    %dma_start3A_1102 = arith.constant 1 : i32
    %dma_start3A_1103 = tpu.memref_slice %arg15[%dma_start3A_1102] : memref<3x!tpu.dma_semaphore, #tpu.memory_space<semaphore_mem>> -> memref<1x!tpu.dma_semaphore, #tpu.memory_space<semaphore_mem>>
    %dma_start3A_1104 = tpu.memref_squeeze %dma_start3A_1103 : memref<1x!tpu.dma_semaphore, #tpu.memory_space<semaphore_mem>> -> memref<!tpu.dma_semaphore, #tpu.memory_space<semaphore_mem>>
    %dma_start3A_1105 = arith.constant 0 : i32
    %dma_start3A_1106 = arith.constant 0 : i32
    %dma_start3A_1107 = tpu.memref_slice %arg12[%arg1, %dma_start3A_1101, %dma_start3A_1105, %dma_start3A_1106] : memref<16x3x256x128xf32, #tpu.memory_space<vmem_shared>> -> memref<1x1x256x128xf32, #tpu.memory_space<vmem_shared>>
    %dma_start3A_1108 = tpu.memref_squeeze %dma_start3A_1107 : memref<1x1x256x128xf32, #tpu.memory_space<vmem_shared>> -> memref<256x128xf32, #tpu.memory_space<vmem_shared>>
    %dma_start3A_1109 = arith.constant 0 : i32
    %dma_start3A_1110 = tpu.memref_slice %arg4[%add3A_1100, %dma_start3A_1109] : memref<65536x128xf32, #tpu.memory_space<hbm>> -> memref<256x128xf32, #tpu.memory_space<hbm>>
    tpu.enqueue_dma source(%dma_start3A_1110 : memref<256x128xf32, #tpu.memory_space<hbm>>) target(%dma_start3A_1108 : memref<256x128xf32, #tpu.memory_space<vmem_shared>>) target_semaphore(%dma_start3A_1104 : memref<!tpu.dma_semaphore, #tpu.memory_space<semaphore_mem>>)
    %dma_wait3A_1111 = arith.constant 0 : i32
    %dma_wait3A_1112 = arith.constant 0 : i32
    %dma_wait3A_1113 = tpu.memref_slice %arg15[%dma_wait3A_1112] : memref<3x!tpu.dma_semaphore, #tpu.memory_space<semaphore_mem>> -> memref<1x!tpu.dma_semaphore, #tpu.memory_space<semaphore_mem>>
    %dma_wait3A_1114 = tpu.memref_squeeze %dma_wait3A_1113 : memref<1x!tpu.dma_semaphore, #tpu.memory_space<semaphore_mem>> -> memref<!tpu.dma_semaphore, #tpu.memory_space<semaphore_mem>>
    %dma_wait3A_1115 = arith.constant 0 : i32
    %dma_wait3A_1116 = arith.constant 0 : i32
    %dma_wait3A_1117 = tpu.memref_slice %arg12[%arg1, %dma_wait3A_1111, %dma_wait3A_1115, %dma_wait3A_1116] : memref<16x3x256x128xf32, #tpu.memory_space<vmem_shared>> -> memref<1x1x256x128xf32, #tpu.memory_space<vmem_shared>>
    %dma_wait3A_1118 = tpu.memref_squeeze %dma_wait3A_1117 : memref<1x1x256x128xf32, #tpu.memory_space<vmem_shared>> -> memref<256x128xf32, #tpu.memory_space<vmem_shared>>
    %dma_wait3A_1119 = arith.constant 0 : i32
    %dma_wait3A_1120 = tpu.memref_slice %arg4[%add3A_1050, %dma_wait3A_1119] : memref<65536x128xf32, #tpu.memory_space<hbm>> -> memref<256x128xf32, #tpu.memory_space<hbm>>
    tpu.wait_dma2 semaphore(%dma_wait3A_1114 : memref<!tpu.dma_semaphore, #tpu.memory_space<semaphore_mem>>) src(%dma_wait3A_1120 : memref<256x128xf32, #tpu.memory_space<hbm>>) dst(%dma_wait3A_1118 : memref<256x128xf32, #tpu.memory_space<vmem_shared>>)
    %add3A_1121 = arith.constant 64 : i32
    %add3A_1122 = arith.addi %add3A_1121, %add3A : i32
    %mul3A_1123 = arith.constant 2048 : i32
    %mul3A_1124 = arith.muli %add3A_1122, %mul3A_1123 : i32
    %add3A_1125 = arith.constant 1280 : i32
    %add3A_1126 = arith.addi %mul3A_1124, %add3A_1125 : i32
    %dma_start3A_1127 = arith.constant 0 : i32
    %dma_start3A_1128 = arith.constant 0 : i32
    %dma_start3A_1129 = tpu.memref_slice %arg16[%dma_start3A_1128] : memref<3x!tpu.dma_semaphore, #tpu.memory_space<semaphore_mem>> -> memref<1x!tpu.dma_semaphore, #tpu.memory_space<semaphore_mem>>
    %dma_start3A_1130 = tpu.memref_squeeze %dma_start3A_1129 : memref<1x!tpu.dma_semaphore, #tpu.memory_space<semaphore_mem>> -> memref<!tpu.dma_semaphore, #tpu.memory_space<semaphore_mem>>
    %dma_start3A_1131 = arith.constant 0 : i32
    %dma_start3A_1132 = tpu.memref_slice %arg11[%add3A_1126, %dma_start3A_1131] : memref<262144x128xf32, #tpu.memory_space<hbm>> -> memref<256x128xf32, #tpu.memory_space<hbm>>
    %dma_start3A_1133 = arith.constant 0 : i32
    %dma_start3A_1134 = arith.constant 0 : i32
    %dma_start3A_1135 = tpu.memref_slice %arg12[%arg1, %dma_start3A_1127, %dma_start3A_1133, %dma_start3A_1134] : memref<16x3x256x128xf32, #tpu.memory_space<vmem_shared>> -> memref<1x1x256x128xf32, #tpu.memory_space<vmem_shared>>
    %dma_start3A_1136 = tpu.memref_squeeze %dma_start3A_1135 : memref<1x1x256x128xf32, #tpu.memory_space<vmem_shared>> -> memref<256x128xf32, #tpu.memory_space<vmem_shared>>
    tpu.enqueue_dma source(%dma_start3A_1136 : memref<256x128xf32, #tpu.memory_space<vmem_shared>>) target(%dma_start3A_1132 : memref<256x128xf32, #tpu.memory_space<hbm>>) target_semaphore(%dma_start3A_1130 : memref<!tpu.dma_semaphore, #tpu.memory_space<semaphore_mem>>)
    %dma_wait3A_1137 = arith.constant 2 : i32
    %dma_wait3A_1138 = arith.constant 2 : i32
    %dma_wait3A_1139 = tpu.memref_slice %arg16[%dma_wait3A_1138] : memref<3x!tpu.dma_semaphore, #tpu.memory_space<semaphore_mem>> -> memref<1x!tpu.dma_semaphore, #tpu.memory_space<semaphore_mem>>
    %dma_wait3A_1140 = tpu.memref_squeeze %dma_wait3A_1139 : memref<1x!tpu.dma_semaphore, #tpu.memory_space<semaphore_mem>> -> memref<!tpu.dma_semaphore, #tpu.memory_space<semaphore_mem>>
    %dma_wait3A_1141 = arith.constant 0 : i32
    %dma_wait3A_1142 = tpu.memref_slice %arg11[%add3A_1076, %dma_wait3A_1141] : memref<262144x128xf32, #tpu.memory_space<hbm>> -> memref<256x128xf32, #tpu.memory_space<hbm>>
    %dma_wait3A_1143 = arith.constant 0 : i32
    %dma_wait3A_1144 = arith.constant 0 : i32
    %dma_wait3A_1145 = tpu.memref_slice %arg12[%arg1, %dma_wait3A_1137, %dma_wait3A_1143, %dma_wait3A_1144] : memref<16x3x256x128xf32, #tpu.memory_space<vmem_shared>> -> memref<1x1x256x128xf32, #tpu.memory_space<vmem_shared>>
    %dma_wait3A_1146 = tpu.memref_squeeze %dma_wait3A_1145 : memref<1x1x256x128xf32, #tpu.memory_space<vmem_shared>> -> memref<256x128xf32, #tpu.memory_space<vmem_shared>>
    tpu.wait_dma2 semaphore(%dma_wait3A_1140 : memref<!tpu.dma_semaphore, #tpu.memory_space<semaphore_mem>>) src(%dma_wait3A_1146 : memref<256x128xf32, #tpu.memory_space<vmem_shared>>) dst(%dma_wait3A_1142 : memref<256x128xf32, #tpu.memory_space<hbm>>)
    %mul3A_1147 = arith.constant 2048 : i32
    %mul3A_1148 = arith.muli %add3A, %mul3A_1147 : i32
    %add3A_1149 = arith.constant 1792 : i32
    %add3A_1150 = arith.addi %mul3A_1148, %add3A_1149 : i32
    %dma_start3A_1151 = arith.constant 2 : i32
    %dma_start3A_1152 = arith.constant 2 : i32
    %dma_start3A_1153 = tpu.memref_slice %arg15[%dma_start3A_1152] : memref<3x!tpu.dma_semaphore, #tpu.memory_space<semaphore_mem>> -> memref<1x!tpu.dma_semaphore, #tpu.memory_space<semaphore_mem>>
    %dma_start3A_1154 = tpu.memref_squeeze %dma_start3A_1153 : memref<1x!tpu.dma_semaphore, #tpu.memory_space<semaphore_mem>> -> memref<!tpu.dma_semaphore, #tpu.memory_space<semaphore_mem>>
    %dma_start3A_1155 = arith.constant 0 : i32
    %dma_start3A_1156 = arith.constant 0 : i32
    %dma_start3A_1157 = tpu.memref_slice %arg12[%arg1, %dma_start3A_1151, %dma_start3A_1155, %dma_start3A_1156] : memref<16x3x256x128xf32, #tpu.memory_space<vmem_shared>> -> memref<1x1x256x128xf32, #tpu.memory_space<vmem_shared>>
    %dma_start3A_1158 = tpu.memref_squeeze %dma_start3A_1157 : memref<1x1x256x128xf32, #tpu.memory_space<vmem_shared>> -> memref<256x128xf32, #tpu.memory_space<vmem_shared>>
    %dma_start3A_1159 = arith.constant 0 : i32
    %dma_start3A_1160 = tpu.memref_slice %arg4[%add3A_1150, %dma_start3A_1159] : memref<65536x128xf32, #tpu.memory_space<hbm>> -> memref<256x128xf32, #tpu.memory_space<hbm>>
    tpu.enqueue_dma source(%dma_start3A_1160 : memref<256x128xf32, #tpu.memory_space<hbm>>) target(%dma_start3A_1158 : memref<256x128xf32, #tpu.memory_space<vmem_shared>>) target_semaphore(%dma_start3A_1154 : memref<!tpu.dma_semaphore, #tpu.memory_space<semaphore_mem>>)
    %dma_wait3A_1161 = arith.constant 1 : i32
    %dma_wait3A_1162 = arith.constant 1 : i32
    %dma_wait3A_1163 = tpu.memref_slice %arg15[%dma_wait3A_1162] : memref<3x!tpu.dma_semaphore, #tpu.memory_space<semaphore_mem>> -> memref<1x!tpu.dma_semaphore, #tpu.memory_space<semaphore_mem>>
    %dma_wait3A_1164 = tpu.memref_squeeze %dma_wait3A_1163 : memref<1x!tpu.dma_semaphore, #tpu.memory_space<semaphore_mem>> -> memref<!tpu.dma_semaphore, #tpu.memory_space<semaphore_mem>>
    %dma_wait3A_1165 = arith.constant 0 : i32
    %dma_wait3A_1166 = arith.constant 0 : i32
    %dma_wait3A_1167 = tpu.memref_slice %arg12[%arg1, %dma_wait3A_1161, %dma_wait3A_1165, %dma_wait3A_1166] : memref<16x3x256x128xf32, #tpu.memory_space<vmem_shared>> -> memref<1x1x256x128xf32, #tpu.memory_space<vmem_shared>>
    %dma_wait3A_1168 = tpu.memref_squeeze %dma_wait3A_1167 : memref<1x1x256x128xf32, #tpu.memory_space<vmem_shared>> -> memref<256x128xf32, #tpu.memory_space<vmem_shared>>
    %dma_wait3A_1169 = arith.constant 0 : i32
    %dma_wait3A_1170 = tpu.memref_slice %arg4[%add3A_1100, %dma_wait3A_1169] : memref<65536x128xf32, #tpu.memory_space<hbm>> -> memref<256x128xf32, #tpu.memory_space<hbm>>
    tpu.wait_dma2 semaphore(%dma_wait3A_1164 : memref<!tpu.dma_semaphore, #tpu.memory_space<semaphore_mem>>) src(%dma_wait3A_1170 : memref<256x128xf32, #tpu.memory_space<hbm>>) dst(%dma_wait3A_1168 : memref<256x128xf32, #tpu.memory_space<vmem_shared>>)
    %add3A_1171 = arith.constant 64 : i32
    %add3A_1172 = arith.addi %add3A_1171, %add3A : i32
    %mul3A_1173 = arith.constant 2048 : i32
    %mul3A_1174 = arith.muli %add3A_1172, %mul3A_1173 : i32
    %add3A_1175 = arith.constant 1536 : i32
    %add3A_1176 = arith.addi %mul3A_1174, %add3A_1175 : i32
    %dma_start3A_1177 = arith.constant 1 : i32
    %dma_start3A_1178 = arith.constant 1 : i32
    %dma_start3A_1179 = tpu.memref_slice %arg16[%dma_start3A_1178] : memref<3x!tpu.dma_semaphore, #tpu.memory_space<semaphore_mem>> -> memref<1x!tpu.dma_semaphore, #tpu.memory_space<semaphore_mem>>
    %dma_start3A_1180 = tpu.memref_squeeze %dma_start3A_1179 : memref<1x!tpu.dma_semaphore, #tpu.memory_space<semaphore_mem>> -> memref<!tpu.dma_semaphore, #tpu.memory_space<semaphore_mem>>
    %dma_start3A_1181 = arith.constant 0 : i32
    %dma_start3A_1182 = tpu.memref_slice %arg11[%add3A_1176, %dma_start3A_1181] : memref<262144x128xf32, #tpu.memory_space<hbm>> -> memref<256x128xf32, #tpu.memory_space<hbm>>
    %dma_start3A_1183 = arith.constant 0 : i32
    %dma_start3A_1184 = arith.constant 0 : i32
    %dma_start3A_1185 = tpu.memref_slice %arg12[%arg1, %dma_start3A_1177, %dma_start3A_1183, %dma_start3A_1184] : memref<16x3x256x128xf32, #tpu.memory_space<vmem_shared>> -> memref<1x1x256x128xf32, #tpu.memory_space<vmem_shared>>
    %dma_start3A_1186 = tpu.memref_squeeze %dma_start3A_1185 : memref<1x1x256x128xf32, #tpu.memory_space<vmem_shared>> -> memref<256x128xf32, #tpu.memory_space<vmem_shared>>
    tpu.enqueue_dma source(%dma_start3A_1186 : memref<256x128xf32, #tpu.memory_space<vmem_shared>>) target(%dma_start3A_1182 : memref<256x128xf32, #tpu.memory_space<hbm>>) target_semaphore(%dma_start3A_1180 : memref<!tpu.dma_semaphore, #tpu.memory_space<semaphore_mem>>)
    %dma_wait3A_1187 = arith.constant 0 : i32
    %dma_wait3A_1188 = arith.constant 0 : i32
    %dma_wait3A_1189 = tpu.memref_slice %arg16[%dma_wait3A_1188] : memref<3x!tpu.dma_semaphore, #tpu.memory_space<semaphore_mem>> -> memref<1x!tpu.dma_semaphore, #tpu.memory_space<semaphore_mem>>
    %dma_wait3A_1190 = tpu.memref_squeeze %dma_wait3A_1189 : memref<1x!tpu.dma_semaphore, #tpu.memory_space<semaphore_mem>> -> memref<!tpu.dma_semaphore, #tpu.memory_space<semaphore_mem>>
    %dma_wait3A_1191 = arith.constant 0 : i32
    %dma_wait3A_1192 = tpu.memref_slice %arg11[%add3A_1126, %dma_wait3A_1191] : memref<262144x128xf32, #tpu.memory_space<hbm>> -> memref<256x128xf32, #tpu.memory_space<hbm>>
    %dma_wait3A_1193 = arith.constant 0 : i32
    %dma_wait3A_1194 = arith.constant 0 : i32
    %dma_wait3A_1195 = tpu.memref_slice %arg12[%arg1, %dma_wait3A_1187, %dma_wait3A_1193, %dma_wait3A_1194] : memref<16x3x256x128xf32, #tpu.memory_space<vmem_shared>> -> memref<1x1x256x128xf32, #tpu.memory_space<vmem_shared>>
    %dma_wait3A_1196 = tpu.memref_squeeze %dma_wait3A_1195 : memref<1x1x256x128xf32, #tpu.memory_space<vmem_shared>> -> memref<256x128xf32, #tpu.memory_space<vmem_shared>>
    tpu.wait_dma2 semaphore(%dma_wait3A_1190 : memref<!tpu.dma_semaphore, #tpu.memory_space<semaphore_mem>>) src(%dma_wait3A_1196 : memref<256x128xf32, #tpu.memory_space<vmem_shared>>) dst(%dma_wait3A_1192 : memref<256x128xf32, #tpu.memory_space<hbm>>)
    %mul3A_1197 = arith.constant 2048 : i32
    %mul3A_1198 = arith.muli %add3A, %mul3A_1197 : i32
    %add3A_1199 = arith.constant 0 : i32
    %add3A_1200 = arith.addi %mul3A_1198, %add3A_1199 : i32
    %dma_start3A_1201 = arith.constant 0 : i32
    %dma_start3A_1202 = arith.constant 0 : i32
    %dma_start3A_1203 = tpu.memref_slice %arg15[%dma_start3A_1202] : memref<3x!tpu.dma_semaphore, #tpu.memory_space<semaphore_mem>> -> memref<1x!tpu.dma_semaphore, #tpu.memory_space<semaphore_mem>>
    %dma_start3A_1204 = tpu.memref_squeeze %dma_start3A_1203 : memref<1x!tpu.dma_semaphore, #tpu.memory_space<semaphore_mem>> -> memref<!tpu.dma_semaphore, #tpu.memory_space<semaphore_mem>>
    %dma_start3A_1205 = arith.constant 0 : i32
    %dma_start3A_1206 = arith.constant 0 : i32
    %dma_start3A_1207 = tpu.memref_slice %arg12[%arg1, %dma_start3A_1201, %dma_start3A_1205, %dma_start3A_1206] : memref<16x3x256x128xf32, #tpu.memory_space<vmem_shared>> -> memref<1x1x256x128xf32, #tpu.memory_space<vmem_shared>>
    %dma_start3A_1208 = tpu.memref_squeeze %dma_start3A_1207 : memref<1x1x256x128xf32, #tpu.memory_space<vmem_shared>> -> memref<256x128xf32, #tpu.memory_space<vmem_shared>>
    %dma_start3A_1209 = arith.constant 0 : i32
    %dma_start3A_1210 = tpu.memref_slice %arg5[%add3A_1200, %dma_start3A_1209] : memref<65536x128xf32, #tpu.memory_space<hbm>> -> memref<256x128xf32, #tpu.memory_space<hbm>>
    tpu.enqueue_dma source(%dma_start3A_1210 : memref<256x128xf32, #tpu.memory_space<hbm>>) target(%dma_start3A_1208 : memref<256x128xf32, #tpu.memory_space<vmem_shared>>) target_semaphore(%dma_start3A_1204 : memref<!tpu.dma_semaphore, #tpu.memory_space<semaphore_mem>>)
    %dma_wait3A_1211 = arith.constant 2 : i32
    %dma_wait3A_1212 = arith.constant 2 : i32
    %dma_wait3A_1213 = tpu.memref_slice %arg15[%dma_wait3A_1212] : memref<3x!tpu.dma_semaphore, #tpu.memory_space<semaphore_mem>> -> memref<1x!tpu.dma_semaphore, #tpu.memory_space<semaphore_mem>>
    %dma_wait3A_1214 = tpu.memref_squeeze %dma_wait3A_1213 : memref<1x!tpu.dma_semaphore, #tpu.memory_space<semaphore_mem>> -> memref<!tpu.dma_semaphore, #tpu.memory_space<semaphore_mem>>
    %dma_wait3A_1215 = arith.constant 0 : i32
    %dma_wait3A_1216 = arith.constant 0 : i32
    %dma_wait3A_1217 = tpu.memref_slice %arg12[%arg1, %dma_wait3A_1211, %dma_wait3A_1215, %dma_wait3A_1216] : memref<16x3x256x128xf32, #tpu.memory_space<vmem_shared>> -> memref<1x1x256x128xf32, #tpu.memory_space<vmem_shared>>
    %dma_wait3A_1218 = tpu.memref_squeeze %dma_wait3A_1217 : memref<1x1x256x128xf32, #tpu.memory_space<vmem_shared>> -> memref<256x128xf32, #tpu.memory_space<vmem_shared>>
    %dma_wait3A_1219 = arith.constant 0 : i32
    %dma_wait3A_1220 = tpu.memref_slice %arg4[%add3A_1150, %dma_wait3A_1219] : memref<65536x128xf32, #tpu.memory_space<hbm>> -> memref<256x128xf32, #tpu.memory_space<hbm>>
    tpu.wait_dma2 semaphore(%dma_wait3A_1214 : memref<!tpu.dma_semaphore, #tpu.memory_space<semaphore_mem>>) src(%dma_wait3A_1220 : memref<256x128xf32, #tpu.memory_space<hbm>>) dst(%dma_wait3A_1218 : memref<256x128xf32, #tpu.memory_space<vmem_shared>>)
    %add3A_1221 = arith.constant 64 : i32
    %add3A_1222 = arith.addi %add3A_1221, %add3A : i32
    %mul3A_1223 = arith.constant 2048 : i32
    %mul3A_1224 = arith.muli %add3A_1222, %mul3A_1223 : i32
    %add3A_1225 = arith.constant 1792 : i32
    %add3A_1226 = arith.addi %mul3A_1224, %add3A_1225 : i32
    %dma_start3A_1227 = arith.constant 2 : i32
    %dma_start3A_1228 = arith.constant 2 : i32
    %dma_start3A_1229 = tpu.memref_slice %arg16[%dma_start3A_1228] : memref<3x!tpu.dma_semaphore, #tpu.memory_space<semaphore_mem>> -> memref<1x!tpu.dma_semaphore, #tpu.memory_space<semaphore_mem>>
    %dma_start3A_1230 = tpu.memref_squeeze %dma_start3A_1229 : memref<1x!tpu.dma_semaphore, #tpu.memory_space<semaphore_mem>> -> memref<!tpu.dma_semaphore, #tpu.memory_space<semaphore_mem>>
    %dma_start3A_1231 = arith.constant 0 : i32
    %dma_start3A_1232 = tpu.memref_slice %arg11[%add3A_1226, %dma_start3A_1231] : memref<262144x128xf32, #tpu.memory_space<hbm>> -> memref<256x128xf32, #tpu.memory_space<hbm>>
    %dma_start3A_1233 = arith.constant 0 : i32
    %dma_start3A_1234 = arith.constant 0 : i32
    %dma_start3A_1235 = tpu.memref_slice %arg12[%arg1, %dma_start3A_1227, %dma_start3A_1233, %dma_start3A_1234] : memref<16x3x256x128xf32, #tpu.memory_space<vmem_shared>> -> memref<1x1x256x128xf32, #tpu.memory_space<vmem_shared>>
    %dma_start3A_1236 = tpu.memref_squeeze %dma_start3A_1235 : memref<1x1x256x128xf32, #tpu.memory_space<vmem_shared>> -> memref<256x128xf32, #tpu.memory_space<vmem_shared>>
    tpu.enqueue_dma source(%dma_start3A_1236 : memref<256x128xf32, #tpu.memory_space<vmem_shared>>) target(%dma_start3A_1232 : memref<256x128xf32, #tpu.memory_space<hbm>>) target_semaphore(%dma_start3A_1230 : memref<!tpu.dma_semaphore, #tpu.memory_space<semaphore_mem>>)
    %dma_wait3A_1237 = arith.constant 1 : i32
    %dma_wait3A_1238 = arith.constant 1 : i32
    %dma_wait3A_1239 = tpu.memref_slice %arg16[%dma_wait3A_1238] : memref<3x!tpu.dma_semaphore, #tpu.memory_space<semaphore_mem>> -> memref<1x!tpu.dma_semaphore, #tpu.memory_space<semaphore_mem>>
    %dma_wait3A_1240 = tpu.memref_squeeze %dma_wait3A_1239 : memref<1x!tpu.dma_semaphore, #tpu.memory_space<semaphore_mem>> -> memref<!tpu.dma_semaphore, #tpu.memory_space<semaphore_mem>>
    %dma_wait3A_1241 = arith.constant 0 : i32
    %dma_wait3A_1242 = tpu.memref_slice %arg11[%add3A_1176, %dma_wait3A_1241] : memref<262144x128xf32, #tpu.memory_space<hbm>> -> memref<256x128xf32, #tpu.memory_space<hbm>>
    %dma_wait3A_1243 = arith.constant 0 : i32
    %dma_wait3A_1244 = arith.constant 0 : i32
    %dma_wait3A_1245 = tpu.memref_slice %arg12[%arg1, %dma_wait3A_1237, %dma_wait3A_1243, %dma_wait3A_1244] : memref<16x3x256x128xf32, #tpu.memory_space<vmem_shared>> -> memref<1x1x256x128xf32, #tpu.memory_space<vmem_shared>>
    %dma_wait3A_1246 = tpu.memref_squeeze %dma_wait3A_1245 : memref<1x1x256x128xf32, #tpu.memory_space<vmem_shared>> -> memref<256x128xf32, #tpu.memory_space<vmem_shared>>
    tpu.wait_dma2 semaphore(%dma_wait3A_1240 : memref<!tpu.dma_semaphore, #tpu.memory_space<semaphore_mem>>) src(%dma_wait3A_1246 : memref<256x128xf32, #tpu.memory_space<vmem_shared>>) dst(%dma_wait3A_1242 : memref<256x128xf32, #tpu.memory_space<hbm>>)
    %mul3A_1247 = arith.constant 2048 : i32
    %mul3A_1248 = arith.muli %add3A, %mul3A_1247 : i32
    %add3A_1249 = arith.constant 256 : i32
    %add3A_1250 = arith.addi %mul3A_1248, %add3A_1249 : i32
    %dma_start3A_1251 = arith.constant 1 : i32
    %dma_start3A_1252 = arith.constant 1 : i32
    %dma_start3A_1253 = tpu.memref_slice %arg15[%dma_start3A_1252] : memref<3x!tpu.dma_semaphore, #tpu.memory_space<semaphore_mem>> -> memref<1x!tpu.dma_semaphore, #tpu.memory_space<semaphore_mem>>
    %dma_start3A_1254 = tpu.memref_squeeze %dma_start3A_1253 : memref<1x!tpu.dma_semaphore, #tpu.memory_space<semaphore_mem>> -> memref<!tpu.dma_semaphore, #tpu.memory_space<semaphore_mem>>
    %dma_start3A_1255 = arith.constant 0 : i32
    %dma_start3A_1256 = arith.constant 0 : i32
    %dma_start3A_1257 = tpu.memref_slice %arg12[%arg1, %dma_start3A_1251, %dma_start3A_1255, %dma_start3A_1256] : memref<16x3x256x128xf32, #tpu.memory_space<vmem_shared>> -> memref<1x1x256x128xf32, #tpu.memory_space<vmem_shared>>
    %dma_start3A_1258 = tpu.memref_squeeze %dma_start3A_1257 : memref<1x1x256x128xf32, #tpu.memory_space<vmem_shared>> -> memref<256x128xf32, #tpu.memory_space<vmem_shared>>
    %dma_start3A_1259 = arith.constant 0 : i32
    %dma_start3A_1260 = tpu.memref_slice %arg5[%add3A_1250, %dma_start3A_1259] : memref<65536x128xf32, #tpu.memory_space<hbm>> -> memref<256x128xf32, #tpu.memory_space<hbm>>
    tpu.enqueue_dma source(%dma_start3A_1260 : memref<256x128xf32, #tpu.memory_space<hbm>>) target(%dma_start3A_1258 : memref<256x128xf32, #tpu.memory_space<vmem_shared>>) target_semaphore(%dma_start3A_1254 : memref<!tpu.dma_semaphore, #tpu.memory_space<semaphore_mem>>)
    %dma_wait3A_1261 = arith.constant 0 : i32
    %dma_wait3A_1262 = arith.constant 0 : i32
    %dma_wait3A_1263 = tpu.memref_slice %arg15[%dma_wait3A_1262] : memref<3x!tpu.dma_semaphore, #tpu.memory_space<semaphore_mem>> -> memref<1x!tpu.dma_semaphore, #tpu.memory_space<semaphore_mem>>
    %dma_wait3A_1264 = tpu.memref_squeeze %dma_wait3A_1263 : memref<1x!tpu.dma_semaphore, #tpu.memory_space<semaphore_mem>> -> memref<!tpu.dma_semaphore, #tpu.memory_space<semaphore_mem>>
    %dma_wait3A_1265 = arith.constant 0 : i32
    %dma_wait3A_1266 = arith.constant 0 : i32
    %dma_wait3A_1267 = tpu.memref_slice %arg12[%arg1, %dma_wait3A_1261, %dma_wait3A_1265, %dma_wait3A_1266] : memref<16x3x256x128xf32, #tpu.memory_space<vmem_shared>> -> memref<1x1x256x128xf32, #tpu.memory_space<vmem_shared>>
    %dma_wait3A_1268 = tpu.memref_squeeze %dma_wait3A_1267 : memref<1x1x256x128xf32, #tpu.memory_space<vmem_shared>> -> memref<256x128xf32, #tpu.memory_space<vmem_shared>>
    %dma_wait3A_1269 = arith.constant 0 : i32
    %dma_wait3A_1270 = tpu.memref_slice %arg5[%add3A_1200, %dma_wait3A_1269] : memref<65536x128xf32, #tpu.memory_space<hbm>> -> memref<256x128xf32, #tpu.memory_space<hbm>>
    tpu.wait_dma2 semaphore(%dma_wait3A_1264 : memref<!tpu.dma_semaphore, #tpu.memory_space<semaphore_mem>>) src(%dma_wait3A_1270 : memref<256x128xf32, #tpu.memory_space<hbm>>) dst(%dma_wait3A_1268 : memref<256x128xf32, #tpu.memory_space<vmem_shared>>)
    %add3A_1271 = arith.constant 96 : i32
    %add3A_1272 = arith.addi %add3A_1271, %add3A : i32
    %mul3A_1273 = arith.constant 2048 : i32
    %mul3A_1274 = arith.muli %add3A_1272, %mul3A_1273 : i32
    %add3A_1275 = arith.constant 0 : i32
    %add3A_1276 = arith.addi %mul3A_1274, %add3A_1275 : i32
    %dma_start3A_1277 = arith.constant 0 : i32
    %dma_start3A_1278 = arith.constant 0 : i32
    %dma_start3A_1279 = tpu.memref_slice %arg16[%dma_start3A_1278] : memref<3x!tpu.dma_semaphore, #tpu.memory_space<semaphore_mem>> -> memref<1x!tpu.dma_semaphore, #tpu.memory_space<semaphore_mem>>
    %dma_start3A_1280 = tpu.memref_squeeze %dma_start3A_1279 : memref<1x!tpu.dma_semaphore, #tpu.memory_space<semaphore_mem>> -> memref<!tpu.dma_semaphore, #tpu.memory_space<semaphore_mem>>
    %dma_start3A_1281 = arith.constant 0 : i32
    %dma_start3A_1282 = tpu.memref_slice %arg11[%add3A_1276, %dma_start3A_1281] : memref<262144x128xf32, #tpu.memory_space<hbm>> -> memref<256x128xf32, #tpu.memory_space<hbm>>
    %dma_start3A_1283 = arith.constant 0 : i32
    %dma_start3A_1284 = arith.constant 0 : i32
    %dma_start3A_1285 = tpu.memref_slice %arg12[%arg1, %dma_start3A_1277, %dma_start3A_1283, %dma_start3A_1284] : memref<16x3x256x128xf32, #tpu.memory_space<vmem_shared>> -> memref<1x1x256x128xf32, #tpu.memory_space<vmem_shared>>
    %dma_start3A_1286 = tpu.memref_squeeze %dma_start3A_1285 : memref<1x1x256x128xf32, #tpu.memory_space<vmem_shared>> -> memref<256x128xf32, #tpu.memory_space<vmem_shared>>
    tpu.enqueue_dma source(%dma_start3A_1286 : memref<256x128xf32, #tpu.memory_space<vmem_shared>>) target(%dma_start3A_1282 : memref<256x128xf32, #tpu.memory_space<hbm>>) target_semaphore(%dma_start3A_1280 : memref<!tpu.dma_semaphore, #tpu.memory_space<semaphore_mem>>)
    %dma_wait3A_1287 = arith.constant 2 : i32
    %dma_wait3A_1288 = arith.constant 2 : i32
    %dma_wait3A_1289 = tpu.memref_slice %arg16[%dma_wait3A_1288] : memref<3x!tpu.dma_semaphore, #tpu.memory_space<semaphore_mem>> -> memref<1x!tpu.dma_semaphore, #tpu.memory_space<semaphore_mem>>
    %dma_wait3A_1290 = tpu.memref_squeeze %dma_wait3A_1289 : memref<1x!tpu.dma_semaphore, #tpu.memory_space<semaphore_mem>> -> memref<!tpu.dma_semaphore, #tpu.memory_space<semaphore_mem>>
    %dma_wait3A_1291 = arith.constant 0 : i32
    %dma_wait3A_1292 = tpu.memref_slice %arg11[%add3A_1226, %dma_wait3A_1291] : memref<262144x128xf32, #tpu.memory_space<hbm>> -> memref<256x128xf32, #tpu.memory_space<hbm>>
    %dma_wait3A_1293 = arith.constant 0 : i32
    %dma_wait3A_1294 = arith.constant 0 : i32
    %dma_wait3A_1295 = tpu.memref_slice %arg12[%arg1, %dma_wait3A_1287, %dma_wait3A_1293, %dma_wait3A_1294] : memref<16x3x256x128xf32, #tpu.memory_space<vmem_shared>> -> memref<1x1x256x128xf32, #tpu.memory_space<vmem_shared>>
    %dma_wait3A_1296 = tpu.memref_squeeze %dma_wait3A_1295 : memref<1x1x256x128xf32, #tpu.memory_space<vmem_shared>> -> memref<256x128xf32, #tpu.memory_space<vmem_shared>>
    tpu.wait_dma2 semaphore(%dma_wait3A_1290 : memref<!tpu.dma_semaphore, #tpu.memory_space<semaphore_mem>>) src(%dma_wait3A_1296 : memref<256x128xf32, #tpu.memory_space<vmem_shared>>) dst(%dma_wait3A_1292 : memref<256x128xf32, #tpu.memory_space<hbm>>)
    %mul3A_1297 = arith.constant 2048 : i32
    %mul3A_1298 = arith.muli %add3A, %mul3A_1297 : i32
    %add3A_1299 = arith.constant 512 : i32
    %add3A_1300 = arith.addi %mul3A_1298, %add3A_1299 : i32
    %dma_start3A_1301 = arith.constant 2 : i32
    %dma_start3A_1302 = arith.constant 2 : i32
    %dma_start3A_1303 = tpu.memref_slice %arg15[%dma_start3A_1302] : memref<3x!tpu.dma_semaphore, #tpu.memory_space<semaphore_mem>> -> memref<1x!tpu.dma_semaphore, #tpu.memory_space<semaphore_mem>>
    %dma_start3A_1304 = tpu.memref_squeeze %dma_start3A_1303 : memref<1x!tpu.dma_semaphore, #tpu.memory_space<semaphore_mem>> -> memref<!tpu.dma_semaphore, #tpu.memory_space<semaphore_mem>>
    %dma_start3A_1305 = arith.constant 0 : i32
    %dma_start3A_1306 = arith.constant 0 : i32
    %dma_start3A_1307 = tpu.memref_slice %arg12[%arg1, %dma_start3A_1301, %dma_start3A_1305, %dma_start3A_1306] : memref<16x3x256x128xf32, #tpu.memory_space<vmem_shared>> -> memref<1x1x256x128xf32, #tpu.memory_space<vmem_shared>>
    %dma_start3A_1308 = tpu.memref_squeeze %dma_start3A_1307 : memref<1x1x256x128xf32, #tpu.memory_space<vmem_shared>> -> memref<256x128xf32, #tpu.memory_space<vmem_shared>>
    %dma_start3A_1309 = arith.constant 0 : i32
    %dma_start3A_1310 = tpu.memref_slice %arg5[%add3A_1300, %dma_start3A_1309] : memref<65536x128xf32, #tpu.memory_space<hbm>> -> memref<256x128xf32, #tpu.memory_space<hbm>>
    tpu.enqueue_dma source(%dma_start3A_1310 : memref<256x128xf32, #tpu.memory_space<hbm>>) target(%dma_start3A_1308 : memref<256x128xf32, #tpu.memory_space<vmem_shared>>) target_semaphore(%dma_start3A_1304 : memref<!tpu.dma_semaphore, #tpu.memory_space<semaphore_mem>>)
    %dma_wait3A_1311 = arith.constant 1 : i32
    %dma_wait3A_1312 = arith.constant 1 : i32
    %dma_wait3A_1313 = tpu.memref_slice %arg15[%dma_wait3A_1312] : memref<3x!tpu.dma_semaphore, #tpu.memory_space<semaphore_mem>> -> memref<1x!tpu.dma_semaphore, #tpu.memory_space<semaphore_mem>>
    %dma_wait3A_1314 = tpu.memref_squeeze %dma_wait3A_1313 : memref<1x!tpu.dma_semaphore, #tpu.memory_space<semaphore_mem>> -> memref<!tpu.dma_semaphore, #tpu.memory_space<semaphore_mem>>
    %dma_wait3A_1315 = arith.constant 0 : i32
    %dma_wait3A_1316 = arith.constant 0 : i32
    %dma_wait3A_1317 = tpu.memref_slice %arg12[%arg1, %dma_wait3A_1311, %dma_wait3A_1315, %dma_wait3A_1316] : memref<16x3x256x128xf32, #tpu.memory_space<vmem_shared>> -> memref<1x1x256x128xf32, #tpu.memory_space<vmem_shared>>
    %dma_wait3A_1318 = tpu.memref_squeeze %dma_wait3A_1317 : memref<1x1x256x128xf32, #tpu.memory_space<vmem_shared>> -> memref<256x128xf32, #tpu.memory_space<vmem_shared>>
    %dma_wait3A_1319 = arith.constant 0 : i32
    %dma_wait3A_1320 = tpu.memref_slice %arg5[%add3A_1250, %dma_wait3A_1319] : memref<65536x128xf32, #tpu.memory_space<hbm>> -> memref<256x128xf32, #tpu.memory_space<hbm>>
    tpu.wait_dma2 semaphore(%dma_wait3A_1314 : memref<!tpu.dma_semaphore, #tpu.memory_space<semaphore_mem>>) src(%dma_wait3A_1320 : memref<256x128xf32, #tpu.memory_space<hbm>>) dst(%dma_wait3A_1318 : memref<256x128xf32, #tpu.memory_space<vmem_shared>>)
    %add3A_1321 = arith.constant 96 : i32
    %add3A_1322 = arith.addi %add3A_1321, %add3A : i32
    %mul3A_1323 = arith.constant 2048 : i32
    %mul3A_1324 = arith.muli %add3A_1322, %mul3A_1323 : i32
    %add3A_1325 = arith.constant 256 : i32
    %add3A_1326 = arith.addi %mul3A_1324, %add3A_1325 : i32
    %dma_start3A_1327 = arith.constant 1 : i32
    %dma_start3A_1328 = arith.constant 1 : i32
    %dma_start3A_1329 = tpu.memref_slice %arg16[%dma_start3A_1328] : memref<3x!tpu.dma_semaphore, #tpu.memory_space<semaphore_mem>> -> memref<1x!tpu.dma_semaphore, #tpu.memory_space<semaphore_mem>>
    %dma_start3A_1330 = tpu.memref_squeeze %dma_start3A_1329 : memref<1x!tpu.dma_semaphore, #tpu.memory_space<semaphore_mem>> -> memref<!tpu.dma_semaphore, #tpu.memory_space<semaphore_mem>>
    %dma_start3A_1331 = arith.constant 0 : i32
    %dma_start3A_1332 = tpu.memref_slice %arg11[%add3A_1326, %dma_start3A_1331] : memref<262144x128xf32, #tpu.memory_space<hbm>> -> memref<256x128xf32, #tpu.memory_space<hbm>>
    %dma_start3A_1333 = arith.constant 0 : i32
    %dma_start3A_1334 = arith.constant 0 : i32
    %dma_start3A_1335 = tpu.memref_slice %arg12[%arg1, %dma_start3A_1327, %dma_start3A_1333, %dma_start3A_1334] : memref<16x3x256x128xf32, #tpu.memory_space<vmem_shared>> -> memref<1x1x256x128xf32, #tpu.memory_space<vmem_shared>>
    %dma_start3A_1336 = tpu.memref_squeeze %dma_start3A_1335 : memref<1x1x256x128xf32, #tpu.memory_space<vmem_shared>> -> memref<256x128xf32, #tpu.memory_space<vmem_shared>>
    tpu.enqueue_dma source(%dma_start3A_1336 : memref<256x128xf32, #tpu.memory_space<vmem_shared>>) target(%dma_start3A_1332 : memref<256x128xf32, #tpu.memory_space<hbm>>) target_semaphore(%dma_start3A_1330 : memref<!tpu.dma_semaphore, #tpu.memory_space<semaphore_mem>>)
    %dma_wait3A_1337 = arith.constant 0 : i32
    %dma_wait3A_1338 = arith.constant 0 : i32
    %dma_wait3A_1339 = tpu.memref_slice %arg16[%dma_wait3A_1338] : memref<3x!tpu.dma_semaphore, #tpu.memory_space<semaphore_mem>> -> memref<1x!tpu.dma_semaphore, #tpu.memory_space<semaphore_mem>>
    %dma_wait3A_1340 = tpu.memref_squeeze %dma_wait3A_1339 : memref<1x!tpu.dma_semaphore, #tpu.memory_space<semaphore_mem>> -> memref<!tpu.dma_semaphore, #tpu.memory_space<semaphore_mem>>
    %dma_wait3A_1341 = arith.constant 0 : i32
    %dma_wait3A_1342 = tpu.memref_slice %arg11[%add3A_1276, %dma_wait3A_1341] : memref<262144x128xf32, #tpu.memory_space<hbm>> -> memref<256x128xf32, #tpu.memory_space<hbm>>
    %dma_wait3A_1343 = arith.constant 0 : i32
    %dma_wait3A_1344 = arith.constant 0 : i32
    %dma_wait3A_1345 = tpu.memref_slice %arg12[%arg1, %dma_wait3A_1337, %dma_wait3A_1343, %dma_wait3A_1344] : memref<16x3x256x128xf32, #tpu.memory_space<vmem_shared>> -> memref<1x1x256x128xf32, #tpu.memory_space<vmem_shared>>
    %dma_wait3A_1346 = tpu.memref_squeeze %dma_wait3A_1345 : memref<1x1x256x128xf32, #tpu.memory_space<vmem_shared>> -> memref<256x128xf32, #tpu.memory_space<vmem_shared>>
    tpu.wait_dma2 semaphore(%dma_wait3A_1340 : memref<!tpu.dma_semaphore, #tpu.memory_space<semaphore_mem>>) src(%dma_wait3A_1346 : memref<256x128xf32, #tpu.memory_space<vmem_shared>>) dst(%dma_wait3A_1342 : memref<256x128xf32, #tpu.memory_space<hbm>>)
    %mul3A_1347 = arith.constant 2048 : i32
    %mul3A_1348 = arith.muli %add3A, %mul3A_1347 : i32
    %add3A_1349 = arith.constant 768 : i32
    %add3A_1350 = arith.addi %mul3A_1348, %add3A_1349 : i32
    %dma_start3A_1351 = arith.constant 0 : i32
    %dma_start3A_1352 = arith.constant 0 : i32
    %dma_start3A_1353 = tpu.memref_slice %arg15[%dma_start3A_1352] : memref<3x!tpu.dma_semaphore, #tpu.memory_space<semaphore_mem>> -> memref<1x!tpu.dma_semaphore, #tpu.memory_space<semaphore_mem>>
    %dma_start3A_1354 = tpu.memref_squeeze %dma_start3A_1353 : memref<1x!tpu.dma_semaphore, #tpu.memory_space<semaphore_mem>> -> memref<!tpu.dma_semaphore, #tpu.memory_space<semaphore_mem>>
    %dma_start3A_1355 = arith.constant 0 : i32
    %dma_start3A_1356 = arith.constant 0 : i32
    %dma_start3A_1357 = tpu.memref_slice %arg12[%arg1, %dma_start3A_1351, %dma_start3A_1355, %dma_start3A_1356] : memref<16x3x256x128xf32, #tpu.memory_space<vmem_shared>> -> memref<1x1x256x128xf32, #tpu.memory_space<vmem_shared>>
    %dma_start3A_1358 = tpu.memref_squeeze %dma_start3A_1357 : memref<1x1x256x128xf32, #tpu.memory_space<vmem_shared>> -> memref<256x128xf32, #tpu.memory_space<vmem_shared>>
    %dma_start3A_1359 = arith.constant 0 : i32
    %dma_start3A_1360 = tpu.memref_slice %arg5[%add3A_1350, %dma_start3A_1359] : memref<65536x128xf32, #tpu.memory_space<hbm>> -> memref<256x128xf32, #tpu.memory_space<hbm>>
    tpu.enqueue_dma source(%dma_start3A_1360 : memref<256x128xf32, #tpu.memory_space<hbm>>) target(%dma_start3A_1358 : memref<256x128xf32, #tpu.memory_space<vmem_shared>>) target_semaphore(%dma_start3A_1354 : memref<!tpu.dma_semaphore, #tpu.memory_space<semaphore_mem>>)
    %dma_wait3A_1361 = arith.constant 2 : i32
    %dma_wait3A_1362 = arith.constant 2 : i32
    %dma_wait3A_1363 = tpu.memref_slice %arg15[%dma_wait3A_1362] : memref<3x!tpu.dma_semaphore, #tpu.memory_space<semaphore_mem>> -> memref<1x!tpu.dma_semaphore, #tpu.memory_space<semaphore_mem>>
    %dma_wait3A_1364 = tpu.memref_squeeze %dma_wait3A_1363 : memref<1x!tpu.dma_semaphore, #tpu.memory_space<semaphore_mem>> -> memref<!tpu.dma_semaphore, #tpu.memory_space<semaphore_mem>>
    %dma_wait3A_1365 = arith.constant 0 : i32
    %dma_wait3A_1366 = arith.constant 0 : i32
    %dma_wait3A_1367 = tpu.memref_slice %arg12[%arg1, %dma_wait3A_1361, %dma_wait3A_1365, %dma_wait3A_1366] : memref<16x3x256x128xf32, #tpu.memory_space<vmem_shared>> -> memref<1x1x256x128xf32, #tpu.memory_space<vmem_shared>>
    %dma_wait3A_1368 = tpu.memref_squeeze %dma_wait3A_1367 : memref<1x1x256x128xf32, #tpu.memory_space<vmem_shared>> -> memref<256x128xf32, #tpu.memory_space<vmem_shared>>
    %dma_wait3A_1369 = arith.constant 0 : i32
    %dma_wait3A_1370 = tpu.memref_slice %arg5[%add3A_1300, %dma_wait3A_1369] : memref<65536x128xf32, #tpu.memory_space<hbm>> -> memref<256x128xf32, #tpu.memory_space<hbm>>
    tpu.wait_dma2 semaphore(%dma_wait3A_1364 : memref<!tpu.dma_semaphore, #tpu.memory_space<semaphore_mem>>) src(%dma_wait3A_1370 : memref<256x128xf32, #tpu.memory_space<hbm>>) dst(%dma_wait3A_1368 : memref<256x128xf32, #tpu.memory_space<vmem_shared>>)
    %add3A_1371 = arith.constant 96 : i32
    %add3A_1372 = arith.addi %add3A_1371, %add3A : i32
    %mul3A_1373 = arith.constant 2048 : i32
    %mul3A_1374 = arith.muli %add3A_1372, %mul3A_1373 : i32
    %add3A_1375 = arith.constant 512 : i32
    %add3A_1376 = arith.addi %mul3A_1374, %add3A_1375 : i32
    %dma_start3A_1377 = arith.constant 2 : i32
    %dma_start3A_1378 = arith.constant 2 : i32
    %dma_start3A_1379 = tpu.memref_slice %arg16[%dma_start3A_1378] : memref<3x!tpu.dma_semaphore, #tpu.memory_space<semaphore_mem>> -> memref<1x!tpu.dma_semaphore, #tpu.memory_space<semaphore_mem>>
    %dma_start3A_1380 = tpu.memref_squeeze %dma_start3A_1379 : memref<1x!tpu.dma_semaphore, #tpu.memory_space<semaphore_mem>> -> memref<!tpu.dma_semaphore, #tpu.memory_space<semaphore_mem>>
    %dma_start3A_1381 = arith.constant 0 : i32
    %dma_start3A_1382 = tpu.memref_slice %arg11[%add3A_1376, %dma_start3A_1381] : memref<262144x128xf32, #tpu.memory_space<hbm>> -> memref<256x128xf32, #tpu.memory_space<hbm>>
    %dma_start3A_1383 = arith.constant 0 : i32
    %dma_start3A_1384 = arith.constant 0 : i32
    %dma_start3A_1385 = tpu.memref_slice %arg12[%arg1, %dma_start3A_1377, %dma_start3A_1383, %dma_start3A_1384] : memref<16x3x256x128xf32, #tpu.memory_space<vmem_shared>> -> memref<1x1x256x128xf32, #tpu.memory_space<vmem_shared>>
    %dma_start3A_1386 = tpu.memref_squeeze %dma_start3A_1385 : memref<1x1x256x128xf32, #tpu.memory_space<vmem_shared>> -> memref<256x128xf32, #tpu.memory_space<vmem_shared>>
    tpu.enqueue_dma source(%dma_start3A_1386 : memref<256x128xf32, #tpu.memory_space<vmem_shared>>) target(%dma_start3A_1382 : memref<256x128xf32, #tpu.memory_space<hbm>>) target_semaphore(%dma_start3A_1380 : memref<!tpu.dma_semaphore, #tpu.memory_space<semaphore_mem>>)
    %dma_wait3A_1387 = arith.constant 1 : i32
    %dma_wait3A_1388 = arith.constant 1 : i32
    %dma_wait3A_1389 = tpu.memref_slice %arg16[%dma_wait3A_1388] : memref<3x!tpu.dma_semaphore, #tpu.memory_space<semaphore_mem>> -> memref<1x!tpu.dma_semaphore, #tpu.memory_space<semaphore_mem>>
    %dma_wait3A_1390 = tpu.memref_squeeze %dma_wait3A_1389 : memref<1x!tpu.dma_semaphore, #tpu.memory_space<semaphore_mem>> -> memref<!tpu.dma_semaphore, #tpu.memory_space<semaphore_mem>>
    %dma_wait3A_1391 = arith.constant 0 : i32
    %dma_wait3A_1392 = tpu.memref_slice %arg11[%add3A_1326, %dma_wait3A_1391] : memref<262144x128xf32, #tpu.memory_space<hbm>> -> memref<256x128xf32, #tpu.memory_space<hbm>>
    %dma_wait3A_1393 = arith.constant 0 : i32
    %dma_wait3A_1394 = arith.constant 0 : i32
    %dma_wait3A_1395 = tpu.memref_slice %arg12[%arg1, %dma_wait3A_1387, %dma_wait3A_1393, %dma_wait3A_1394] : memref<16x3x256x128xf32, #tpu.memory_space<vmem_shared>> -> memref<1x1x256x128xf32, #tpu.memory_space<vmem_shared>>
    %dma_wait3A_1396 = tpu.memref_squeeze %dma_wait3A_1395 : memref<1x1x256x128xf32, #tpu.memory_space<vmem_shared>> -> memref<256x128xf32, #tpu.memory_space<vmem_shared>>
    tpu.wait_dma2 semaphore(%dma_wait3A_1390 : memref<!tpu.dma_semaphore, #tpu.memory_space<semaphore_mem>>) src(%dma_wait3A_1396 : memref<256x128xf32, #tpu.memory_space<vmem_shared>>) dst(%dma_wait3A_1392 : memref<256x128xf32, #tpu.memory_space<hbm>>)
    %mul3A_1397 = arith.constant 2048 : i32
    %mul3A_1398 = arith.muli %add3A, %mul3A_1397 : i32
    %add3A_1399 = arith.constant 1024 : i32
    %add3A_1400 = arith.addi %mul3A_1398, %add3A_1399 : i32
    %dma_start3A_1401 = arith.constant 1 : i32
    %dma_start3A_1402 = arith.constant 1 : i32
    %dma_start3A_1403 = tpu.memref_slice %arg15[%dma_start3A_1402] : memref<3x!tpu.dma_semaphore, #tpu.memory_space<semaphore_mem>> -> memref<1x!tpu.dma_semaphore, #tpu.memory_space<semaphore_mem>>
    %dma_start3A_1404 = tpu.memref_squeeze %dma_start3A_1403 : memref<1x!tpu.dma_semaphore, #tpu.memory_space<semaphore_mem>> -> memref<!tpu.dma_semaphore, #tpu.memory_space<semaphore_mem>>
    %dma_start3A_1405 = arith.constant 0 : i32
    %dma_start3A_1406 = arith.constant 0 : i32
    %dma_start3A_1407 = tpu.memref_slice %arg12[%arg1, %dma_start3A_1401, %dma_start3A_1405, %dma_start3A_1406] : memref<16x3x256x128xf32, #tpu.memory_space<vmem_shared>> -> memref<1x1x256x128xf32, #tpu.memory_space<vmem_shared>>
    %dma_start3A_1408 = tpu.memref_squeeze %dma_start3A_1407 : memref<1x1x256x128xf32, #tpu.memory_space<vmem_shared>> -> memref<256x128xf32, #tpu.memory_space<vmem_shared>>
    %dma_start3A_1409 = arith.constant 0 : i32
    %dma_start3A_1410 = tpu.memref_slice %arg5[%add3A_1400, %dma_start3A_1409] : memref<65536x128xf32, #tpu.memory_space<hbm>> -> memref<256x128xf32, #tpu.memory_space<hbm>>
    tpu.enqueue_dma source(%dma_start3A_1410 : memref<256x128xf32, #tpu.memory_space<hbm>>) target(%dma_start3A_1408 : memref<256x128xf32, #tpu.memory_space<vmem_shared>>) target_semaphore(%dma_start3A_1404 : memref<!tpu.dma_semaphore, #tpu.memory_space<semaphore_mem>>)
    %dma_wait3A_1411 = arith.constant 0 : i32
    %dma_wait3A_1412 = arith.constant 0 : i32
    %dma_wait3A_1413 = tpu.memref_slice %arg15[%dma_wait3A_1412] : memref<3x!tpu.dma_semaphore, #tpu.memory_space<semaphore_mem>> -> memref<1x!tpu.dma_semaphore, #tpu.memory_space<semaphore_mem>>
    %dma_wait3A_1414 = tpu.memref_squeeze %dma_wait3A_1413 : memref<1x!tpu.dma_semaphore, #tpu.memory_space<semaphore_mem>> -> memref<!tpu.dma_semaphore, #tpu.memory_space<semaphore_mem>>
    %dma_wait3A_1415 = arith.constant 0 : i32
    %dma_wait3A_1416 = arith.constant 0 : i32
    %dma_wait3A_1417 = tpu.memref_slice %arg12[%arg1, %dma_wait3A_1411, %dma_wait3A_1415, %dma_wait3A_1416] : memref<16x3x256x128xf32, #tpu.memory_space<vmem_shared>> -> memref<1x1x256x128xf32, #tpu.memory_space<vmem_shared>>
    %dma_wait3A_1418 = tpu.memref_squeeze %dma_wait3A_1417 : memref<1x1x256x128xf32, #tpu.memory_space<vmem_shared>> -> memref<256x128xf32, #tpu.memory_space<vmem_shared>>
    %dma_wait3A_1419 = arith.constant 0 : i32
    %dma_wait3A_1420 = tpu.memref_slice %arg5[%add3A_1350, %dma_wait3A_1419] : memref<65536x128xf32, #tpu.memory_space<hbm>> -> memref<256x128xf32, #tpu.memory_space<hbm>>
    tpu.wait_dma2 semaphore(%dma_wait3A_1414 : memref<!tpu.dma_semaphore, #tpu.memory_space<semaphore_mem>>) src(%dma_wait3A_1420 : memref<256x128xf32, #tpu.memory_space<hbm>>) dst(%dma_wait3A_1418 : memref<256x128xf32, #tpu.memory_space<vmem_shared>>)
    %add3A_1421 = arith.constant 96 : i32
    %add3A_1422 = arith.addi %add3A_1421, %add3A : i32
    %mul3A_1423 = arith.constant 2048 : i32
    %mul3A_1424 = arith.muli %add3A_1422, %mul3A_1423 : i32
    %add3A_1425 = arith.constant 768 : i32
    %add3A_1426 = arith.addi %mul3A_1424, %add3A_1425 : i32
    %dma_start3A_1427 = arith.constant 0 : i32
    %dma_start3A_1428 = arith.constant 0 : i32
    %dma_start3A_1429 = tpu.memref_slice %arg16[%dma_start3A_1428] : memref<3x!tpu.dma_semaphore, #tpu.memory_space<semaphore_mem>> -> memref<1x!tpu.dma_semaphore, #tpu.memory_space<semaphore_mem>>
    %dma_start3A_1430 = tpu.memref_squeeze %dma_start3A_1429 : memref<1x!tpu.dma_semaphore, #tpu.memory_space<semaphore_mem>> -> memref<!tpu.dma_semaphore, #tpu.memory_space<semaphore_mem>>
    %dma_start3A_1431 = arith.constant 0 : i32
    %dma_start3A_1432 = tpu.memref_slice %arg11[%add3A_1426, %dma_start3A_1431] : memref<262144x128xf32, #tpu.memory_space<hbm>> -> memref<256x128xf32, #tpu.memory_space<hbm>>
    %dma_start3A_1433 = arith.constant 0 : i32
    %dma_start3A_1434 = arith.constant 0 : i32
    %dma_start3A_1435 = tpu.memref_slice %arg12[%arg1, %dma_start3A_1427, %dma_start3A_1433, %dma_start3A_1434] : memref<16x3x256x128xf32, #tpu.memory_space<vmem_shared>> -> memref<1x1x256x128xf32, #tpu.memory_space<vmem_shared>>
    %dma_start3A_1436 = tpu.memref_squeeze %dma_start3A_1435 : memref<1x1x256x128xf32, #tpu.memory_space<vmem_shared>> -> memref<256x128xf32, #tpu.memory_space<vmem_shared>>
    tpu.enqueue_dma source(%dma_start3A_1436 : memref<256x128xf32, #tpu.memory_space<vmem_shared>>) target(%dma_start3A_1432 : memref<256x128xf32, #tpu.memory_space<hbm>>) target_semaphore(%dma_start3A_1430 : memref<!tpu.dma_semaphore, #tpu.memory_space<semaphore_mem>>)
    %dma_wait3A_1437 = arith.constant 2 : i32
    %dma_wait3A_1438 = arith.constant 2 : i32
    %dma_wait3A_1439 = tpu.memref_slice %arg16[%dma_wait3A_1438] : memref<3x!tpu.dma_semaphore, #tpu.memory_space<semaphore_mem>> -> memref<1x!tpu.dma_semaphore, #tpu.memory_space<semaphore_mem>>
    %dma_wait3A_1440 = tpu.memref_squeeze %dma_wait3A_1439 : memref<1x!tpu.dma_semaphore, #tpu.memory_space<semaphore_mem>> -> memref<!tpu.dma_semaphore, #tpu.memory_space<semaphore_mem>>
    %dma_wait3A_1441 = arith.constant 0 : i32
    %dma_wait3A_1442 = tpu.memref_slice %arg11[%add3A_1376, %dma_wait3A_1441] : memref<262144x128xf32, #tpu.memory_space<hbm>> -> memref<256x128xf32, #tpu.memory_space<hbm>>
    %dma_wait3A_1443 = arith.constant 0 : i32
    %dma_wait3A_1444 = arith.constant 0 : i32
    %dma_wait3A_1445 = tpu.memref_slice %arg12[%arg1, %dma_wait3A_1437, %dma_wait3A_1443, %dma_wait3A_1444] : memref<16x3x256x128xf32, #tpu.memory_space<vmem_shared>> -> memref<1x1x256x128xf32, #tpu.memory_space<vmem_shared>>
    %dma_wait3A_1446 = tpu.memref_squeeze %dma_wait3A_1445 : memref<1x1x256x128xf32, #tpu.memory_space<vmem_shared>> -> memref<256x128xf32, #tpu.memory_space<vmem_shared>>
    tpu.wait_dma2 semaphore(%dma_wait3A_1440 : memref<!tpu.dma_semaphore, #tpu.memory_space<semaphore_mem>>) src(%dma_wait3A_1446 : memref<256x128xf32, #tpu.memory_space<vmem_shared>>) dst(%dma_wait3A_1442 : memref<256x128xf32, #tpu.memory_space<hbm>>)
    %mul3A_1447 = arith.constant 2048 : i32
    %mul3A_1448 = arith.muli %add3A, %mul3A_1447 : i32
    %add3A_1449 = arith.constant 1280 : i32
    %add3A_1450 = arith.addi %mul3A_1448, %add3A_1449 : i32
    %dma_start3A_1451 = arith.constant 2 : i32
    %dma_start3A_1452 = arith.constant 2 : i32
    %dma_start3A_1453 = tpu.memref_slice %arg15[%dma_start3A_1452] : memref<3x!tpu.dma_semaphore, #tpu.memory_space<semaphore_mem>> -> memref<1x!tpu.dma_semaphore, #tpu.memory_space<semaphore_mem>>
    %dma_start3A_1454 = tpu.memref_squeeze %dma_start3A_1453 : memref<1x!tpu.dma_semaphore, #tpu.memory_space<semaphore_mem>> -> memref<!tpu.dma_semaphore, #tpu.memory_space<semaphore_mem>>
    %dma_start3A_1455 = arith.constant 0 : i32
    %dma_start3A_1456 = arith.constant 0 : i32
    %dma_start3A_1457 = tpu.memref_slice %arg12[%arg1, %dma_start3A_1451, %dma_start3A_1455, %dma_start3A_1456] : memref<16x3x256x128xf32, #tpu.memory_space<vmem_shared>> -> memref<1x1x256x128xf32, #tpu.memory_space<vmem_shared>>
    %dma_start3A_1458 = tpu.memref_squeeze %dma_start3A_1457 : memref<1x1x256x128xf32, #tpu.memory_space<vmem_shared>> -> memref<256x128xf32, #tpu.memory_space<vmem_shared>>
    %dma_start3A_1459 = arith.constant 0 : i32
    %dma_start3A_1460 = tpu.memref_slice %arg5[%add3A_1450, %dma_start3A_1459] : memref<65536x128xf32, #tpu.memory_space<hbm>> -> memref<256x128xf32, #tpu.memory_space<hbm>>
    tpu.enqueue_dma source(%dma_start3A_1460 : memref<256x128xf32, #tpu.memory_space<hbm>>) target(%dma_start3A_1458 : memref<256x128xf32, #tpu.memory_space<vmem_shared>>) target_semaphore(%dma_start3A_1454 : memref<!tpu.dma_semaphore, #tpu.memory_space<semaphore_mem>>)
    %dma_wait3A_1461 = arith.constant 1 : i32
    %dma_wait3A_1462 = arith.constant 1 : i32
    %dma_wait3A_1463 = tpu.memref_slice %arg15[%dma_wait3A_1462] : memref<3x!tpu.dma_semaphore, #tpu.memory_space<semaphore_mem>> -> memref<1x!tpu.dma_semaphore, #tpu.memory_space<semaphore_mem>>
    %dma_wait3A_1464 = tpu.memref_squeeze %dma_wait3A_1463 : memref<1x!tpu.dma_semaphore, #tpu.memory_space<semaphore_mem>> -> memref<!tpu.dma_semaphore, #tpu.memory_space<semaphore_mem>>
    %dma_wait3A_1465 = arith.constant 0 : i32
    %dma_wait3A_1466 = arith.constant 0 : i32
    %dma_wait3A_1467 = tpu.memref_slice %arg12[%arg1, %dma_wait3A_1461, %dma_wait3A_1465, %dma_wait3A_1466] : memref<16x3x256x128xf32, #tpu.memory_space<vmem_shared>> -> memref<1x1x256x128xf32, #tpu.memory_space<vmem_shared>>
    %dma_wait3A_1468 = tpu.memref_squeeze %dma_wait3A_1467 : memref<1x1x256x128xf32, #tpu.memory_space<vmem_shared>> -> memref<256x128xf32, #tpu.memory_space<vmem_shared>>
    %dma_wait3A_1469 = arith.constant 0 : i32
    %dma_wait3A_1470 = tpu.memref_slice %arg5[%add3A_1400, %dma_wait3A_1469] : memref<65536x128xf32, #tpu.memory_space<hbm>> -> memref<256x128xf32, #tpu.memory_space<hbm>>
    tpu.wait_dma2 semaphore(%dma_wait3A_1464 : memref<!tpu.dma_semaphore, #tpu.memory_space<semaphore_mem>>) src(%dma_wait3A_1470 : memref<256x128xf32, #tpu.memory_space<hbm>>) dst(%dma_wait3A_1468 : memref<256x128xf32, #tpu.memory_space<vmem_shared>>)
    %add3A_1471 = arith.constant 96 : i32
    %add3A_1472 = arith.addi %add3A_1471, %add3A : i32
    %mul3A_1473 = arith.constant 2048 : i32
    %mul3A_1474 = arith.muli %add3A_1472, %mul3A_1473 : i32
    %add3A_1475 = arith.constant 1024 : i32
    %add3A_1476 = arith.addi %mul3A_1474, %add3A_1475 : i32
    %dma_start3A_1477 = arith.constant 1 : i32
    %dma_start3A_1478 = arith.constant 1 : i32
    %dma_start3A_1479 = tpu.memref_slice %arg16[%dma_start3A_1478] : memref<3x!tpu.dma_semaphore, #tpu.memory_space<semaphore_mem>> -> memref<1x!tpu.dma_semaphore, #tpu.memory_space<semaphore_mem>>
    %dma_start3A_1480 = tpu.memref_squeeze %dma_start3A_1479 : memref<1x!tpu.dma_semaphore, #tpu.memory_space<semaphore_mem>> -> memref<!tpu.dma_semaphore, #tpu.memory_space<semaphore_mem>>
    %dma_start3A_1481 = arith.constant 0 : i32
    %dma_start3A_1482 = tpu.memref_slice %arg11[%add3A_1476, %dma_start3A_1481] : memref<262144x128xf32, #tpu.memory_space<hbm>> -> memref<256x128xf32, #tpu.memory_space<hbm>>
    %dma_start3A_1483 = arith.constant 0 : i32
    %dma_start3A_1484 = arith.constant 0 : i32
    %dma_start3A_1485 = tpu.memref_slice %arg12[%arg1, %dma_start3A_1477, %dma_start3A_1483, %dma_start3A_1484] : memref<16x3x256x128xf32, #tpu.memory_space<vmem_shared>> -> memref<1x1x256x128xf32, #tpu.memory_space<vmem_shared>>
    %dma_start3A_1486 = tpu.memref_squeeze %dma_start3A_1485 : memref<1x1x256x128xf32, #tpu.memory_space<vmem_shared>> -> memref<256x128xf32, #tpu.memory_space<vmem_shared>>
    tpu.enqueue_dma source(%dma_start3A_1486 : memref<256x128xf32, #tpu.memory_space<vmem_shared>>) target(%dma_start3A_1482 : memref<256x128xf32, #tpu.memory_space<hbm>>) target_semaphore(%dma_start3A_1480 : memref<!tpu.dma_semaphore, #tpu.memory_space<semaphore_mem>>)
    %dma_wait3A_1487 = arith.constant 0 : i32
    %dma_wait3A_1488 = arith.constant 0 : i32
    %dma_wait3A_1489 = tpu.memref_slice %arg16[%dma_wait3A_1488] : memref<3x!tpu.dma_semaphore, #tpu.memory_space<semaphore_mem>> -> memref<1x!tpu.dma_semaphore, #tpu.memory_space<semaphore_mem>>
    %dma_wait3A_1490 = tpu.memref_squeeze %dma_wait3A_1489 : memref<1x!tpu.dma_semaphore, #tpu.memory_space<semaphore_mem>> -> memref<!tpu.dma_semaphore, #tpu.memory_space<semaphore_mem>>
    %dma_wait3A_1491 = arith.constant 0 : i32
    %dma_wait3A_1492 = tpu.memref_slice %arg11[%add3A_1426, %dma_wait3A_1491] : memref<262144x128xf32, #tpu.memory_space<hbm>> -> memref<256x128xf32, #tpu.memory_space<hbm>>
    %dma_wait3A_1493 = arith.constant 0 : i32
    %dma_wait3A_1494 = arith.constant 0 : i32
    %dma_wait3A_1495 = tpu.memref_slice %arg12[%arg1, %dma_wait3A_1487, %dma_wait3A_1493, %dma_wait3A_1494] : memref<16x3x256x128xf32, #tpu.memory_space<vmem_shared>> -> memref<1x1x256x128xf32, #tpu.memory_space<vmem_shared>>
    %dma_wait3A_1496 = tpu.memref_squeeze %dma_wait3A_1495 : memref<1x1x256x128xf32, #tpu.memory_space<vmem_shared>> -> memref<256x128xf32, #tpu.memory_space<vmem_shared>>
    tpu.wait_dma2 semaphore(%dma_wait3A_1490 : memref<!tpu.dma_semaphore, #tpu.memory_space<semaphore_mem>>) src(%dma_wait3A_1496 : memref<256x128xf32, #tpu.memory_space<vmem_shared>>) dst(%dma_wait3A_1492 : memref<256x128xf32, #tpu.memory_space<hbm>>)
    %mul3A_1497 = arith.constant 2048 : i32
    %mul3A_1498 = arith.muli %add3A, %mul3A_1497 : i32
    %add3A_1499 = arith.constant 1536 : i32
    %add3A_1500 = arith.addi %mul3A_1498, %add3A_1499 : i32
    %dma_start3A_1501 = arith.constant 0 : i32
    %dma_start3A_1502 = arith.constant 0 : i32
    %dma_start3A_1503 = tpu.memref_slice %arg15[%dma_start3A_1502] : memref<3x!tpu.dma_semaphore, #tpu.memory_space<semaphore_mem>> -> memref<1x!tpu.dma_semaphore, #tpu.memory_space<semaphore_mem>>
    %dma_start3A_1504 = tpu.memref_squeeze %dma_start3A_1503 : memref<1x!tpu.dma_semaphore, #tpu.memory_space<semaphore_mem>> -> memref<!tpu.dma_semaphore, #tpu.memory_space<semaphore_mem>>
    %dma_start3A_1505 = arith.constant 0 : i32
    %dma_start3A_1506 = arith.constant 0 : i32
    %dma_start3A_1507 = tpu.memref_slice %arg12[%arg1, %dma_start3A_1501, %dma_start3A_1505, %dma_start3A_1506] : memref<16x3x256x128xf32, #tpu.memory_space<vmem_shared>> -> memref<1x1x256x128xf32, #tpu.memory_space<vmem_shared>>
    %dma_start3A_1508 = tpu.memref_squeeze %dma_start3A_1507 : memref<1x1x256x128xf32, #tpu.memory_space<vmem_shared>> -> memref<256x128xf32, #tpu.memory_space<vmem_shared>>
    %dma_start3A_1509 = arith.constant 0 : i32
    %dma_start3A_1510 = tpu.memref_slice %arg5[%add3A_1500, %dma_start3A_1509] : memref<65536x128xf32, #tpu.memory_space<hbm>> -> memref<256x128xf32, #tpu.memory_space<hbm>>
    tpu.enqueue_dma source(%dma_start3A_1510 : memref<256x128xf32, #tpu.memory_space<hbm>>) target(%dma_start3A_1508 : memref<256x128xf32, #tpu.memory_space<vmem_shared>>) target_semaphore(%dma_start3A_1504 : memref<!tpu.dma_semaphore, #tpu.memory_space<semaphore_mem>>)
    %dma_wait3A_1511 = arith.constant 2 : i32
    %dma_wait3A_1512 = arith.constant 2 : i32
    %dma_wait3A_1513 = tpu.memref_slice %arg15[%dma_wait3A_1512] : memref<3x!tpu.dma_semaphore, #tpu.memory_space<semaphore_mem>> -> memref<1x!tpu.dma_semaphore, #tpu.memory_space<semaphore_mem>>
    %dma_wait3A_1514 = tpu.memref_squeeze %dma_wait3A_1513 : memref<1x!tpu.dma_semaphore, #tpu.memory_space<semaphore_mem>> -> memref<!tpu.dma_semaphore, #tpu.memory_space<semaphore_mem>>
    %dma_wait3A_1515 = arith.constant 0 : i32
    %dma_wait3A_1516 = arith.constant 0 : i32
    %dma_wait3A_1517 = tpu.memref_slice %arg12[%arg1, %dma_wait3A_1511, %dma_wait3A_1515, %dma_wait3A_1516] : memref<16x3x256x128xf32, #tpu.memory_space<vmem_shared>> -> memref<1x1x256x128xf32, #tpu.memory_space<vmem_shared>>
    %dma_wait3A_1518 = tpu.memref_squeeze %dma_wait3A_1517 : memref<1x1x256x128xf32, #tpu.memory_space<vmem_shared>> -> memref<256x128xf32, #tpu.memory_space<vmem_shared>>
    %dma_wait3A_1519 = arith.constant 0 : i32
    %dma_wait3A_1520 = tpu.memref_slice %arg5[%add3A_1450, %dma_wait3A_1519] : memref<65536x128xf32, #tpu.memory_space<hbm>> -> memref<256x128xf32, #tpu.memory_space<hbm>>
    tpu.wait_dma2 semaphore(%dma_wait3A_1514 : memref<!tpu.dma_semaphore, #tpu.memory_space<semaphore_mem>>) src(%dma_wait3A_1520 : memref<256x128xf32, #tpu.memory_space<hbm>>) dst(%dma_wait3A_1518 : memref<256x128xf32, #tpu.memory_space<vmem_shared>>)
    %add3A_1521 = arith.constant 96 : i32
    %add3A_1522 = arith.addi %add3A_1521, %add3A : i32
    %mul3A_1523 = arith.constant 2048 : i32
    %mul3A_1524 = arith.muli %add3A_1522, %mul3A_1523 : i32
    %add3A_1525 = arith.constant 1280 : i32
    %add3A_1526 = arith.addi %mul3A_1524, %add3A_1525 : i32
    %dma_start3A_1527 = arith.constant 2 : i32
    %dma_start3A_1528 = arith.constant 2 : i32
    %dma_start3A_1529 = tpu.memref_slice %arg16[%dma_start3A_1528] : memref<3x!tpu.dma_semaphore, #tpu.memory_space<semaphore_mem>> -> memref<1x!tpu.dma_semaphore, #tpu.memory_space<semaphore_mem>>
    %dma_start3A_1530 = tpu.memref_squeeze %dma_start3A_1529 : memref<1x!tpu.dma_semaphore, #tpu.memory_space<semaphore_mem>> -> memref<!tpu.dma_semaphore, #tpu.memory_space<semaphore_mem>>
    %dma_start3A_1531 = arith.constant 0 : i32
    %dma_start3A_1532 = tpu.memref_slice %arg11[%add3A_1526, %dma_start3A_1531] : memref<262144x128xf32, #tpu.memory_space<hbm>> -> memref<256x128xf32, #tpu.memory_space<hbm>>
    %dma_start3A_1533 = arith.constant 0 : i32
    %dma_start3A_1534 = arith.constant 0 : i32
    %dma_start3A_1535 = tpu.memref_slice %arg12[%arg1, %dma_start3A_1527, %dma_start3A_1533, %dma_start3A_1534] : memref<16x3x256x128xf32, #tpu.memory_space<vmem_shared>> -> memref<1x1x256x128xf32, #tpu.memory_space<vmem_shared>>
    %dma_start3A_1536 = tpu.memref_squeeze %dma_start3A_1535 : memref<1x1x256x128xf32, #tpu.memory_space<vmem_shared>> -> memref<256x128xf32, #tpu.memory_space<vmem_shared>>
    tpu.enqueue_dma source(%dma_start3A_1536 : memref<256x128xf32, #tpu.memory_space<vmem_shared>>) target(%dma_start3A_1532 : memref<256x128xf32, #tpu.memory_space<hbm>>) target_semaphore(%dma_start3A_1530 : memref<!tpu.dma_semaphore, #tpu.memory_space<semaphore_mem>>)
    %dma_wait3A_1537 = arith.constant 1 : i32
    %dma_wait3A_1538 = arith.constant 1 : i32
    %dma_wait3A_1539 = tpu.memref_slice %arg16[%dma_wait3A_1538] : memref<3x!tpu.dma_semaphore, #tpu.memory_space<semaphore_mem>> -> memref<1x!tpu.dma_semaphore, #tpu.memory_space<semaphore_mem>>
    %dma_wait3A_1540 = tpu.memref_squeeze %dma_wait3A_1539 : memref<1x!tpu.dma_semaphore, #tpu.memory_space<semaphore_mem>> -> memref<!tpu.dma_semaphore, #tpu.memory_space<semaphore_mem>>
    %dma_wait3A_1541 = arith.constant 0 : i32
    %dma_wait3A_1542 = tpu.memref_slice %arg11[%add3A_1476, %dma_wait3A_1541] : memref<262144x128xf32, #tpu.memory_space<hbm>> -> memref<256x128xf32, #tpu.memory_space<hbm>>
    %dma_wait3A_1543 = arith.constant 0 : i32
    %dma_wait3A_1544 = arith.constant 0 : i32
    %dma_wait3A_1545 = tpu.memref_slice %arg12[%arg1, %dma_wait3A_1537, %dma_wait3A_1543, %dma_wait3A_1544] : memref<16x3x256x128xf32, #tpu.memory_space<vmem_shared>> -> memref<1x1x256x128xf32, #tpu.memory_space<vmem_shared>>
    %dma_wait3A_1546 = tpu.memref_squeeze %dma_wait3A_1545 : memref<1x1x256x128xf32, #tpu.memory_space<vmem_shared>> -> memref<256x128xf32, #tpu.memory_space<vmem_shared>>
    tpu.wait_dma2 semaphore(%dma_wait3A_1540 : memref<!tpu.dma_semaphore, #tpu.memory_space<semaphore_mem>>) src(%dma_wait3A_1546 : memref<256x128xf32, #tpu.memory_space<vmem_shared>>) dst(%dma_wait3A_1542 : memref<256x128xf32, #tpu.memory_space<hbm>>)
    %mul3A_1547 = arith.constant 2048 : i32
    %mul3A_1548 = arith.muli %add3A, %mul3A_1547 : i32
    %add3A_1549 = arith.constant 1792 : i32
    %add3A_1550 = arith.addi %mul3A_1548, %add3A_1549 : i32
    %dma_start3A_1551 = arith.constant 1 : i32
    %dma_start3A_1552 = arith.constant 1 : i32
    %dma_start3A_1553 = tpu.memref_slice %arg15[%dma_start3A_1552] : memref<3x!tpu.dma_semaphore, #tpu.memory_space<semaphore_mem>> -> memref<1x!tpu.dma_semaphore, #tpu.memory_space<semaphore_mem>>
    %dma_start3A_1554 = tpu.memref_squeeze %dma_start3A_1553 : memref<1x!tpu.dma_semaphore, #tpu.memory_space<semaphore_mem>> -> memref<!tpu.dma_semaphore, #tpu.memory_space<semaphore_mem>>
    %dma_start3A_1555 = arith.constant 0 : i32
    %dma_start3A_1556 = arith.constant 0 : i32
    %dma_start3A_1557 = tpu.memref_slice %arg12[%arg1, %dma_start3A_1551, %dma_start3A_1555, %dma_start3A_1556] : memref<16x3x256x128xf32, #tpu.memory_space<vmem_shared>> -> memref<1x1x256x128xf32, #tpu.memory_space<vmem_shared>>
    %dma_start3A_1558 = tpu.memref_squeeze %dma_start3A_1557 : memref<1x1x256x128xf32, #tpu.memory_space<vmem_shared>> -> memref<256x128xf32, #tpu.memory_space<vmem_shared>>
    %dma_start3A_1559 = arith.constant 0 : i32
    %dma_start3A_1560 = tpu.memref_slice %arg5[%add3A_1550, %dma_start3A_1559] : memref<65536x128xf32, #tpu.memory_space<hbm>> -> memref<256x128xf32, #tpu.memory_space<hbm>>
    tpu.enqueue_dma source(%dma_start3A_1560 : memref<256x128xf32, #tpu.memory_space<hbm>>) target(%dma_start3A_1558 : memref<256x128xf32, #tpu.memory_space<vmem_shared>>) target_semaphore(%dma_start3A_1554 : memref<!tpu.dma_semaphore, #tpu.memory_space<semaphore_mem>>)
    %dma_wait3A_1561 = arith.constant 0 : i32
    %dma_wait3A_1562 = arith.constant 0 : i32
    %dma_wait3A_1563 = tpu.memref_slice %arg15[%dma_wait3A_1562] : memref<3x!tpu.dma_semaphore, #tpu.memory_space<semaphore_mem>> -> memref<1x!tpu.dma_semaphore, #tpu.memory_space<semaphore_mem>>
    %dma_wait3A_1564 = tpu.memref_squeeze %dma_wait3A_1563 : memref<1x!tpu.dma_semaphore, #tpu.memory_space<semaphore_mem>> -> memref<!tpu.dma_semaphore, #tpu.memory_space<semaphore_mem>>
    %dma_wait3A_1565 = arith.constant 0 : i32
    %dma_wait3A_1566 = arith.constant 0 : i32
    %dma_wait3A_1567 = tpu.memref_slice %arg12[%arg1, %dma_wait3A_1561, %dma_wait3A_1565, %dma_wait3A_1566] : memref<16x3x256x128xf32, #tpu.memory_space<vmem_shared>> -> memref<1x1x256x128xf32, #tpu.memory_space<vmem_shared>>
    %dma_wait3A_1568 = tpu.memref_squeeze %dma_wait3A_1567 : memref<1x1x256x128xf32, #tpu.memory_space<vmem_shared>> -> memref<256x128xf32, #tpu.memory_space<vmem_shared>>
    %dma_wait3A_1569 = arith.constant 0 : i32
    %dma_wait3A_1570 = tpu.memref_slice %arg5[%add3A_1500, %dma_wait3A_1569] : memref<65536x128xf32, #tpu.memory_space<hbm>> -> memref<256x128xf32, #tpu.memory_space<hbm>>
    tpu.wait_dma2 semaphore(%dma_wait3A_1564 : memref<!tpu.dma_semaphore, #tpu.memory_space<semaphore_mem>>) src(%dma_wait3A_1570 : memref<256x128xf32, #tpu.memory_space<hbm>>) dst(%dma_wait3A_1568 : memref<256x128xf32, #tpu.memory_space<vmem_shared>>)
    %add3A_1571 = arith.constant 96 : i32
    %add3A_1572 = arith.addi %add3A_1571, %add3A : i32
    %mul3A_1573 = arith.constant 2048 : i32
    %mul3A_1574 = arith.muli %add3A_1572, %mul3A_1573 : i32
    %add3A_1575 = arith.constant 1536 : i32
    %add3A_1576 = arith.addi %mul3A_1574, %add3A_1575 : i32
    %dma_start3A_1577 = arith.constant 0 : i32
    %dma_start3A_1578 = arith.constant 0 : i32
    %dma_start3A_1579 = tpu.memref_slice %arg16[%dma_start3A_1578] : memref<3x!tpu.dma_semaphore, #tpu.memory_space<semaphore_mem>> -> memref<1x!tpu.dma_semaphore, #tpu.memory_space<semaphore_mem>>
    %dma_start3A_1580 = tpu.memref_squeeze %dma_start3A_1579 : memref<1x!tpu.dma_semaphore, #tpu.memory_space<semaphore_mem>> -> memref<!tpu.dma_semaphore, #tpu.memory_space<semaphore_mem>>
    %dma_start3A_1581 = arith.constant 0 : i32
    %dma_start3A_1582 = tpu.memref_slice %arg11[%add3A_1576, %dma_start3A_1581] : memref<262144x128xf32, #tpu.memory_space<hbm>> -> memref<256x128xf32, #tpu.memory_space<hbm>>
    %dma_start3A_1583 = arith.constant 0 : i32
    %dma_start3A_1584 = arith.constant 0 : i32
    %dma_start3A_1585 = tpu.memref_slice %arg12[%arg1, %dma_start3A_1577, %dma_start3A_1583, %dma_start3A_1584] : memref<16x3x256x128xf32, #tpu.memory_space<vmem_shared>> -> memref<1x1x256x128xf32, #tpu.memory_space<vmem_shared>>
    %dma_start3A_1586 = tpu.memref_squeeze %dma_start3A_1585 : memref<1x1x256x128xf32, #tpu.memory_space<vmem_shared>> -> memref<256x128xf32, #tpu.memory_space<vmem_shared>>
    tpu.enqueue_dma source(%dma_start3A_1586 : memref<256x128xf32, #tpu.memory_space<vmem_shared>>) target(%dma_start3A_1582 : memref<256x128xf32, #tpu.memory_space<hbm>>) target_semaphore(%dma_start3A_1580 : memref<!tpu.dma_semaphore, #tpu.memory_space<semaphore_mem>>)
    %dma_wait3A_1587 = arith.constant 1 : i32
    %dma_wait3A_1588 = arith.constant 1 : i32
    %dma_wait3A_1589 = tpu.memref_slice %arg15[%dma_wait3A_1588] : memref<3x!tpu.dma_semaphore, #tpu.memory_space<semaphore_mem>> -> memref<1x!tpu.dma_semaphore, #tpu.memory_space<semaphore_mem>>
    %dma_wait3A_1590 = tpu.memref_squeeze %dma_wait3A_1589 : memref<1x!tpu.dma_semaphore, #tpu.memory_space<semaphore_mem>> -> memref<!tpu.dma_semaphore, #tpu.memory_space<semaphore_mem>>
    %dma_wait3A_1591 = arith.constant 0 : i32
    %dma_wait3A_1592 = arith.constant 0 : i32
    %dma_wait3A_1593 = tpu.memref_slice %arg12[%arg1, %dma_wait3A_1587, %dma_wait3A_1591, %dma_wait3A_1592] : memref<16x3x256x128xf32, #tpu.memory_space<vmem_shared>> -> memref<1x1x256x128xf32, #tpu.memory_space<vmem_shared>>
    %dma_wait3A_1594 = tpu.memref_squeeze %dma_wait3A_1593 : memref<1x1x256x128xf32, #tpu.memory_space<vmem_shared>> -> memref<256x128xf32, #tpu.memory_space<vmem_shared>>
    %dma_wait3A_1595 = arith.constant 0 : i32
    %dma_wait3A_1596 = tpu.memref_slice %arg5[%add3A_1550, %dma_wait3A_1595] : memref<65536x128xf32, #tpu.memory_space<hbm>> -> memref<256x128xf32, #tpu.memory_space<hbm>>
    tpu.wait_dma2 semaphore(%dma_wait3A_1590 : memref<!tpu.dma_semaphore, #tpu.memory_space<semaphore_mem>>) src(%dma_wait3A_1596 : memref<256x128xf32, #tpu.memory_space<hbm>>) dst(%dma_wait3A_1594 : memref<256x128xf32, #tpu.memory_space<vmem_shared>>)
    %add3A_1597 = arith.constant 96 : i32
    %add3A_1598 = arith.addi %add3A_1597, %add3A : i32
    %mul3A_1599 = arith.constant 2048 : i32
    %mul3A_1600 = arith.muli %add3A_1598, %mul3A_1599 : i32
    %add3A_1601 = arith.constant 1792 : i32
    %add3A_1602 = arith.addi %mul3A_1600, %add3A_1601 : i32
    %dma_start3A_1603 = arith.constant 1 : i32
    %dma_start3A_1604 = arith.constant 1 : i32
    %dma_start3A_1605 = tpu.memref_slice %arg16[%dma_start3A_1604] : memref<3x!tpu.dma_semaphore, #tpu.memory_space<semaphore_mem>> -> memref<1x!tpu.dma_semaphore, #tpu.memory_space<semaphore_mem>>
    %dma_start3A_1606 = tpu.memref_squeeze %dma_start3A_1605 : memref<1x!tpu.dma_semaphore, #tpu.memory_space<semaphore_mem>> -> memref<!tpu.dma_semaphore, #tpu.memory_space<semaphore_mem>>
    %dma_start3A_1607 = arith.constant 0 : i32
    %dma_start3A_1608 = tpu.memref_slice %arg11[%add3A_1602, %dma_start3A_1607] : memref<262144x128xf32, #tpu.memory_space<hbm>> -> memref<256x128xf32, #tpu.memory_space<hbm>>
    %dma_start3A_1609 = arith.constant 0 : i32
    %dma_start3A_1610 = arith.constant 0 : i32
    %dma_start3A_1611 = tpu.memref_slice %arg12[%arg1, %dma_start3A_1603, %dma_start3A_1609, %dma_start3A_1610] : memref<16x3x256x128xf32, #tpu.memory_space<vmem_shared>> -> memref<1x1x256x128xf32, #tpu.memory_space<vmem_shared>>
    %dma_start3A_1612 = tpu.memref_squeeze %dma_start3A_1611 : memref<1x1x256x128xf32, #tpu.memory_space<vmem_shared>> -> memref<256x128xf32, #tpu.memory_space<vmem_shared>>
    tpu.enqueue_dma source(%dma_start3A_1612 : memref<256x128xf32, #tpu.memory_space<vmem_shared>>) target(%dma_start3A_1608 : memref<256x128xf32, #tpu.memory_space<hbm>>) target_semaphore(%dma_start3A_1606 : memref<!tpu.dma_semaphore, #tpu.memory_space<semaphore_mem>>)
    %dma_wait3A_1613 = arith.constant 2 : i32
    %dma_wait3A_1614 = arith.constant 2 : i32
    %dma_wait3A_1615 = tpu.memref_slice %arg16[%dma_wait3A_1614] : memref<3x!tpu.dma_semaphore, #tpu.memory_space<semaphore_mem>> -> memref<1x!tpu.dma_semaphore, #tpu.memory_space<semaphore_mem>>
    %dma_wait3A_1616 = tpu.memref_squeeze %dma_wait3A_1615 : memref<1x!tpu.dma_semaphore, #tpu.memory_space<semaphore_mem>> -> memref<!tpu.dma_semaphore, #tpu.memory_space<semaphore_mem>>
    %dma_wait3A_1617 = arith.constant 0 : i32
    %dma_wait3A_1618 = tpu.memref_slice %arg11[%add3A_1526, %dma_wait3A_1617] : memref<262144x128xf32, #tpu.memory_space<hbm>> -> memref<256x128xf32, #tpu.memory_space<hbm>>
    %dma_wait3A_1619 = arith.constant 0 : i32
    %dma_wait3A_1620 = arith.constant 0 : i32
    %dma_wait3A_1621 = tpu.memref_slice %arg12[%arg1, %dma_wait3A_1613, %dma_wait3A_1619, %dma_wait3A_1620] : memref<16x3x256x128xf32, #tpu.memory_space<vmem_shared>> -> memref<1x1x256x128xf32, #tpu.memory_space<vmem_shared>>
    %dma_wait3A_1622 = tpu.memref_squeeze %dma_wait3A_1621 : memref<1x1x256x128xf32, #tpu.memory_space<vmem_shared>> -> memref<256x128xf32, #tpu.memory_space<vmem_shared>>
    tpu.wait_dma2 semaphore(%dma_wait3A_1616 : memref<!tpu.dma_semaphore, #tpu.memory_space<semaphore_mem>>) src(%dma_wait3A_1622 : memref<256x128xf32, #tpu.memory_space<vmem_shared>>) dst(%dma_wait3A_1618 : memref<256x128xf32, #tpu.memory_space<hbm>>)
    %dma_wait3A_1623 = arith.constant 0 : i32
    %dma_wait3A_1624 = arith.constant 0 : i32
    %dma_wait3A_1625 = tpu.memref_slice %arg16[%dma_wait3A_1624] : memref<3x!tpu.dma_semaphore, #tpu.memory_space<semaphore_mem>> -> memref<1x!tpu.dma_semaphore, #tpu.memory_space<semaphore_mem>>
    %dma_wait3A_1626 = tpu.memref_squeeze %dma_wait3A_1625 : memref<1x!tpu.dma_semaphore, #tpu.memory_space<semaphore_mem>> -> memref<!tpu.dma_semaphore, #tpu.memory_space<semaphore_mem>>
    %dma_wait3A_1627 = arith.constant 0 : i32
    %dma_wait3A_1628 = tpu.memref_slice %arg11[%add3A_1576, %dma_wait3A_1627] : memref<262144x128xf32, #tpu.memory_space<hbm>> -> memref<256x128xf32, #tpu.memory_space<hbm>>
    %dma_wait3A_1629 = arith.constant 0 : i32
    %dma_wait3A_1630 = arith.constant 0 : i32
    %dma_wait3A_1631 = tpu.memref_slice %arg12[%arg1, %dma_wait3A_1623, %dma_wait3A_1629, %dma_wait3A_1630] : memref<16x3x256x128xf32, #tpu.memory_space<vmem_shared>> -> memref<1x1x256x128xf32, #tpu.memory_space<vmem_shared>>
    %dma_wait3A_1632 = tpu.memref_squeeze %dma_wait3A_1631 : memref<1x1x256x128xf32, #tpu.memory_space<vmem_shared>> -> memref<256x128xf32, #tpu.memory_space<vmem_shared>>
    tpu.wait_dma2 semaphore(%dma_wait3A_1626 : memref<!tpu.dma_semaphore, #tpu.memory_space<semaphore_mem>>) src(%dma_wait3A_1632 : memref<256x128xf32, #tpu.memory_space<vmem_shared>>) dst(%dma_wait3A_1628 : memref<256x128xf32, #tpu.memory_space<hbm>>)
    %dma_wait3A_1633 = arith.constant 1 : i32
    %dma_wait3A_1634 = arith.constant 1 : i32
    %dma_wait3A_1635 = tpu.memref_slice %arg16[%dma_wait3A_1634] : memref<3x!tpu.dma_semaphore, #tpu.memory_space<semaphore_mem>> -> memref<1x!tpu.dma_semaphore, #tpu.memory_space<semaphore_mem>>
    %dma_wait3A_1636 = tpu.memref_squeeze %dma_wait3A_1635 : memref<1x!tpu.dma_semaphore, #tpu.memory_space<semaphore_mem>> -> memref<!tpu.dma_semaphore, #tpu.memory_space<semaphore_mem>>
    %dma_wait3A_1637 = arith.constant 0 : i32
    %dma_wait3A_1638 = tpu.memref_slice %arg11[%add3A_1602, %dma_wait3A_1637] : memref<262144x128xf32, #tpu.memory_space<hbm>> -> memref<256x128xf32, #tpu.memory_space<hbm>>
    %dma_wait3A_1639 = arith.constant 0 : i32
    %dma_wait3A_1640 = arith.constant 0 : i32
    %dma_wait3A_1641 = tpu.memref_slice %arg12[%arg1, %dma_wait3A_1633, %dma_wait3A_1639, %dma_wait3A_1640] : memref<16x3x256x128xf32, #tpu.memory_space<vmem_shared>> -> memref<1x1x256x128xf32, #tpu.memory_space<vmem_shared>>
    %dma_wait3A_1642 = tpu.memref_squeeze %dma_wait3A_1641 : memref<1x1x256x128xf32, #tpu.memory_space<vmem_shared>> -> memref<256x128xf32, #tpu.memory_space<vmem_shared>>
    tpu.wait_dma2 semaphore(%dma_wait3A_1636 : memref<!tpu.dma_semaphore, #tpu.memory_space<semaphore_mem>>) src(%dma_wait3A_1642 : memref<256x128xf32, #tpu.memory_space<vmem_shared>>) dst(%dma_wait3A_1638 : memref<256x128xf32, #tpu.memory_space<hbm>>)
    %dma_wait3A_1643 = tpu.memref_slice %arg10[%mul3A_2] : memref<256xi32, #tpu.memory_space<hbm>> -> memref<4xi32, #tpu.memory_space<hbm>>
    %dma_wait3A_1644 = tpu.memref_slice %arg10[%mul3A_2] : memref<256xi32, #tpu.memory_space<hbm>> -> memref<4xi32, #tpu.memory_space<hbm>>
    tpu.wait_dma2 semaphore(%arg18 : memref<!tpu.dma_semaphore, #tpu.memory_space<semaphore_mem>>) src(%dma_wait3A_1644 : memref<4xi32, #tpu.memory_space<hbm>>) dst(%arg13 : memref<4xi32, #tpu.memory_space<vmem>>)
    %dma_wait3A_1645 = arith.constant 0 : i32
    %dma_wait3A_1646 = arith.constant 0 : i32
    %dma_wait3A_1647 = tpu.memref_slice %arg14[%dma_wait3A_1645, %dma_wait3A_1646] : memref<4x128xf32, #tpu.memory_space<vmem>> -> memref<1x128xf32, #tpu.memory_space<vmem>>
    %dma_wait3A_1648 = arith.constant 0 : i32
    %dma_wait3A_1649 = tpu.memref_slice %arg6[%add3A, %dma_wait3A_1648] : memref<32x128xf32, #tpu.memory_space<hbm>> -> memref<1x128xf32, #tpu.memory_space<hbm>>
    %dma_wait3A_1650 = arith.constant 0 : i32
    %dma_wait3A_1651 = arith.constant 0 : i32
    %dma_wait3A_1652 = tpu.memref_slice %arg14[%dma_wait3A_1650, %dma_wait3A_1651] : memref<4x128xf32, #tpu.memory_space<vmem>> -> memref<1x128xf32, #tpu.memory_space<vmem>>
    %dma_wait3A_1653 = arith.constant 0 : i32
    %dma_wait3A_1654 = tpu.memref_slice %arg6[%add3A, %dma_wait3A_1653] : memref<32x128xf32, #tpu.memory_space<hbm>> -> memref<1x128xf32, #tpu.memory_space<hbm>>
    tpu.wait_dma2 semaphore(%arg18 : memref<!tpu.dma_semaphore, #tpu.memory_space<semaphore_mem>>) src(%dma_wait3A_1654 : memref<1x128xf32, #tpu.memory_space<hbm>>) dst(%dma_wait3A_1652 : memref<1x128xf32, #tpu.memory_space<vmem>>)
    %dma_wait3A_1655 = arith.constant 1 : i32
    %dma_wait3A_1656 = arith.constant 0 : i32
    %dma_wait3A_1657 = tpu.memref_slice %arg14[%dma_wait3A_1655, %dma_wait3A_1656] : memref<4x128xf32, #tpu.memory_space<vmem>> -> memref<1x128xf32, #tpu.memory_space<vmem>>
    %dma_wait3A_1658 = arith.constant 0 : i32
    %dma_wait3A_1659 = tpu.memref_slice %arg7[%add3A, %dma_wait3A_1658] : memref<32x128xf32, #tpu.memory_space<hbm>> -> memref<1x128xf32, #tpu.memory_space<hbm>>
    %dma_wait3A_1660 = arith.constant 1 : i32
    %dma_wait3A_1661 = arith.constant 0 : i32
    %dma_wait3A_1662 = tpu.memref_slice %arg14[%dma_wait3A_1660, %dma_wait3A_1661] : memref<4x128xf32, #tpu.memory_space<vmem>> -> memref<1x128xf32, #tpu.memory_space<vmem>>
    %dma_wait3A_1663 = arith.constant 0 : i32
    %dma_wait3A_1664 = tpu.memref_slice %arg7[%add3A, %dma_wait3A_1663] : memref<32x128xf32, #tpu.memory_space<hbm>> -> memref<1x128xf32, #tpu.memory_space<hbm>>
    tpu.wait_dma2 semaphore(%arg18 : memref<!tpu.dma_semaphore, #tpu.memory_space<semaphore_mem>>) src(%dma_wait3A_1664 : memref<1x128xf32, #tpu.memory_space<hbm>>) dst(%dma_wait3A_1662 : memref<1x128xf32, #tpu.memory_space<vmem>>)
    %dma_wait3A_1665 = arith.constant 2 : i32
    %dma_wait3A_1666 = arith.constant 0 : i32
    %dma_wait3A_1667 = tpu.memref_slice %arg14[%dma_wait3A_1665, %dma_wait3A_1666] : memref<4x128xf32, #tpu.memory_space<vmem>> -> memref<1x128xf32, #tpu.memory_space<vmem>>
    %dma_wait3A_1668 = arith.constant 0 : i32
    %dma_wait3A_1669 = tpu.memref_slice %arg8[%add3A, %dma_wait3A_1668] : memref<32x128xf32, #tpu.memory_space<hbm>> -> memref<1x128xf32, #tpu.memory_space<hbm>>
    %dma_wait3A_1670 = arith.constant 2 : i32
    %dma_wait3A_1671 = arith.constant 0 : i32
    %dma_wait3A_1672 = tpu.memref_slice %arg14[%dma_wait3A_1670, %dma_wait3A_1671] : memref<4x128xf32, #tpu.memory_space<vmem>> -> memref<1x128xf32, #tpu.memory_space<vmem>>
    %dma_wait3A_1673 = arith.constant 0 : i32
    %dma_wait3A_1674 = tpu.memref_slice %arg8[%add3A, %dma_wait3A_1673] : memref<32x128xf32, #tpu.memory_space<hbm>> -> memref<1x128xf32, #tpu.memory_space<hbm>>
    tpu.wait_dma2 semaphore(%arg18 : memref<!tpu.dma_semaphore, #tpu.memory_space<semaphore_mem>>) src(%dma_wait3A_1674 : memref<1x128xf32, #tpu.memory_space<hbm>>) dst(%dma_wait3A_1672 : memref<1x128xf32, #tpu.memory_space<vmem>>)
    %dma_wait3A_1675 = arith.constant 3 : i32
    %dma_wait3A_1676 = arith.constant 0 : i32
    %dma_wait3A_1677 = tpu.memref_slice %arg14[%dma_wait3A_1675, %dma_wait3A_1676] : memref<4x128xf32, #tpu.memory_space<vmem>> -> memref<1x128xf32, #tpu.memory_space<vmem>>
    %dma_wait3A_1678 = arith.constant 0 : i32
    %dma_wait3A_1679 = tpu.memref_slice %arg9[%add3A, %dma_wait3A_1678] : memref<32x128xf32, #tpu.memory_space<hbm>> -> memref<1x128xf32, #tpu.memory_space<hbm>>
    %dma_wait3A_1680 = arith.constant 3 : i32
    %dma_wait3A_1681 = arith.constant 0 : i32
    %dma_wait3A_1682 = tpu.memref_slice %arg14[%dma_wait3A_1680, %dma_wait3A_1681] : memref<4x128xf32, #tpu.memory_space<vmem>> -> memref<1x128xf32, #tpu.memory_space<vmem>>
    %dma_wait3A_1683 = arith.constant 0 : i32
    %dma_wait3A_1684 = tpu.memref_slice %arg9[%add3A, %dma_wait3A_1683] : memref<32x128xf32, #tpu.memory_space<hbm>> -> memref<1x128xf32, #tpu.memory_space<hbm>>
    tpu.wait_dma2 semaphore(%arg18 : memref<!tpu.dma_semaphore, #tpu.memory_space<semaphore_mem>>) src(%dma_wait3A_1684 : memref<1x128xf32, #tpu.memory_space<hbm>>) dst(%dma_wait3A_1682 : memref<1x128xf32, #tpu.memory_space<vmem>>)
    %dma_start3A_1685 = arith.constant 0 : i32
    %dma_start3A_1686 = arith.constant 0 : i32
    %dma_start3A_1687 = tpu.memref_slice %arg11[%dma_start3A_1685, %dma_start3A_1686] : memref<262144x128xf32, #tpu.memory_space<hbm>> -> memref<262144x128xf32, #tpu.memory_space<hbm>>
    tpu.enqueue_indirect_dma source(%arg14 : memref<4x128xf32, #tpu.memory_space<vmem>>) target(%dma_start3A_1687 : memref<262144x128xf32, #tpu.memory_space<hbm>>) offsets(%arg13 : memref<4xi32, #tpu.memory_space<vmem>>) semaphore(%arg17 : memref<!tpu.dma_semaphore, #tpu.memory_space<semaphore_mem>>)
    %dma_wait3A_1688 = arith.constant 0 : i32
    %dma_wait3A_1689 = arith.constant 0 : i32
    %dma_wait3A_1690 = tpu.memref_slice %arg11[%dma_wait3A_1688, %dma_wait3A_1689] : memref<262144x128xf32, #tpu.memory_space<hbm>> -> memref<262144x128xf32, #tpu.memory_space<hbm>>
    tpu.wait_indirect_dma semaphore(%arg17 : memref<!tpu.dma_semaphore, #tpu.memory_space<semaphore_mem>>) src(%arg14 : memref<4x128xf32, #tpu.memory_space<vmem>>) dst(%dma_wait3A_1690 : memref<262144x128xf32, #tpu.memory_space<hbm>>)
    return
  }
}

</mosaic_0001>

<sc_bundles>
// kernel: kernel.3.cloned.1.call-start
scs
__scs_entry_jumppad:
0x0: {  	(pc) =	sbr.rel $0x88, $3  }
0x1: {  	(tag) =	ssettag $0x0;
	lr =	simm.s32 $0x1  }
0x2: {  	[smem:$0x3F98] =	sst lr;
	_ =	strace $0xD0000000  }
0x3: {  	_ = 	snop  }
0x4: {  	_ = 	snop  }
0x5: {  	_ = 	snop  }
0x6: {  	_ = 	snop  }
0x7: {  	_ = 	snop  }
__scs_overlays_trampoline_lowered:
0x8: {  	[smem:$0x3FA7] =	sst s0  }
0x9: {  	[smem:$0x3FA8] =	sst s1  }
0xa: {  	[smem:$0x3FA9] =	sst s2  }
0xb: {  	[smem:$0x3FAA] =	sst s3  }
0xc: {  	[smem:$0x3FAB] =	sst s4  }
0xd: {  	[smem:$0x3FAC] =	sst s5  }
0xe: {  	[smem:$0x3FAD] =	sst s6  }
0xf: {  	[smem:$0x3FAE] =	sst s7  }
0x10: {  	[smem:$0x3FAF] =	sst s8  }
0x11: {  	[smem:$0x3FB0] =	sst s9;
	s0 =	simm.s32 @!p0 $0x0  }
0x12: {  	s1 =	sld [smem:$0x3F96];
	s0 =	simm.s32 @p0 $0x1  }
0x13: {  	[smem:$0x3FB1] =	sst s0;
	s0 =	simm.s32 @!p1 $0x0  }
0x14: {  	s2 =	sld [smem:$0x3F95];
	s0 =	simm.s32 @p1 $0x1  }
0x15: {  	[smem:$0x3FB2] =	sst s0;
	s0 =	simm.s32 @!p2 $0x0  }
0x16: {  	s3 =	sld [smem:$0x3FDB];
	s0 =	simm.s32 @p2 $0x1  }
0x17: {  	s4 =	simm.s32 $0x1BF5;
	[smem:$0x3FB4] =	sst s0  }
0x18: {  	s0 =	sld [smem:$0x3F97];
	_ =	swait.ge [sflag:s4], $0x0  }
0x19: {  	s7 =	sld [smem:$0x3F98]  }
0x1a: {  	s8 =	sadd.s32 $0xFFFFE003, lr  }
0x1b: {  	s9 =	sadd.s32 $0xFFFFFEF7, lr;
	s5 =	simm.s32 $0xFFFFFFFF;
	p2 =	slt.u32 s8, $0xFFFFF086  }
0x1c: {  	p1 =	slt.u32 s9, $0xF7A;
	s5 =	simm.s32 @!p2 $0x0  }
0x1d: {  	s5 =	simm.s32 @p1 $0x1;
	p0 =	seq.s32 s7, s2  }
0x1e: {  	s7 =	smul.u32 @!p0 $0xF7A, s2;
	p2 =	seq.s32 @!p0 s5, $0x0  }
0x1f: {  	s9 =	smul.u32 $0xF7A, s1;
	s8 =	simm.s32 @!p0 $0x1BF5;
	p2 =	por !p2, p0  }
0x20: {  	[sflag:s8] =	ssyncset.s32 @!p0 $0xFFFFF086;
	s6 =	sadd.s32 @!p0 s3, s7;
	s7 =	simm.s32 @!p0 $0x108  }
0x21: {  	s3 =	sadd.s32 s3, s9;
	s6 =	sadd.s32 @!p0 $0x88, s6;
	s7 =	simm.s32 @p2 $0x1082  }
0x22: {  	[simem:s7], [sflag:s8] =	dma.local @!p0 [hbm:s6], $0xF7A  }
0x23: {  	s9 =	sor.u32 $0xD0000000, s2;
	s6 =	simm.s32 $0x108;
	_ =	swait.ge @!p0 [sflag:s8], $0x0  }
0x24: {  	s3 =	sadd.s32 $0x88, s3;
	s6 =	simm.s32 @!p1 $0x1082;
	[sflag:s4] =	ssyncset.s32 $0xFFFFF086  }
0x25: {  	[simem:s6], [sflag:s4] =	dma.local [hbm:s3], $0xF7A  }
0x26: {  	[smem:$0x3F98] =	sst s1;
	(tag) =	ssettag s2;
	_ =	strace s9  }
0x27: {  	s1 =	sld [smem:$0x3FA8]  }
0x28: {  	s2 =	sld [smem:$0x3FA9]  }
0x29: {  	s4 =	sld [smem:$0x3FAB]  }
0x2a: {  	p0 =	seq.s32 s5, $0x0;
	s5 =	sld [smem:$0x3FAC]  }
0x2b: {  	s6 =	sld [smem:$0x3FAD]  }
0x2c: {  	s7 =	sld [smem:$0x3FAE]  }
0x2d: {  	s3 =	simm.s32 $0x108;
	s8 =	sld [smem:$0x3FAF]  }
0x2e: {  	s3 =	simm.s32 @!p0 $0x1082;
	s9 =	sld [smem:$0x3FB0]  }
0x2f: {  	lr =	sadd.s32 s0, s3;
	s0 =	sld [smem:$0x3FA7]  }
0x30: {  	s3 =	sld [smem:$0x3FAA]  }
0x31: {  	[smem:$0x3FB3] =	sst s10  }
0x32: {  	s10 =	sld [smem:$0x3FB1];
	_ =	sdelay $0x3  }
0x33: {  	p0 =	seq.s32 s10, $0x1;
	s10 =	sld [smem:$0x3FB3];
	_ =	sdelay $0x3  }
0x34: {  	[smem:$0x3FB3] =	sst s10  }
0x35: {  	s10 =	sld [smem:$0x3FB2];
	_ =	sdelay $0x3  }
0x36: {  	p1 =	seq.s32 s10, $0x1;
	s10 =	sld [smem:$0x3FB3];
	_ =	sdelay $0x3  }
0x37: {  	[smem:$0x3FB3] =	sst s10  }
0x38: {  	s10 =	sld [smem:$0x3FB4]  }
0x39: {  	_ = 	snop;
	(pc) =	sbr.ind lr, $3  }
0x3a: {  	_ = 	snop  }
0x3b: {  	_ = 	snop  }
0x3c: {  	p2 =	seq.s32 s10, $0x1;
	s10 =	sld [smem:$0x3FB3]  }
0x3d: {  	_ =	shalt  }
0x3e: {  	_ =	shalt  }
0x3f: {  	_ =	shalt  }
0x40: {  	_ =	shalt  }
0x41: {  	_ =	shalt  }
0x42: {  	_ =	shalt  }
0x43: {  	_ =	shalt  }
0x44: {  	_ =	shalt  }
0x45: {  	_ =	shalt  }
0x46: {  	_ =	shalt  }
0x47: {  	_ =	shalt  }
0x48: {  	_ =	shalt  }
0x49: {  	_ =	shalt  }
0x4a: {  	_ =	shalt  }
0x4b: {  	_ =	shalt  }
0x4c: {  	_ =	shalt  }
0x4d: {  	_ =	shalt  }
0x4e: {  	_ =	shalt  }
0x4f: {  	_ =	shalt  }
0x50: {  	_ =	shalt  }
0x51: {  	_ =	shalt  }
0x52: {  	_ =	shalt  }
0x53: {  	_ =	shalt  }
0x54: {  	_ =	shalt  }
0x55: {  	_ =	shalt  }
0x56: {  	_ =	shalt  }
0x57: {  	_ =	shalt  }
0x58: {  	_ =	shalt  }
0x59: {  	_ =	shalt  }
0x5a: {  	_ =	shalt  }
0x5b: {  	_ =	shalt  }
0x5c: {  	_ =	shalt  }
0x5d: {  	_ =	shalt  }
0x5e: {  	_ =	shalt  }
0x5f: {  	_ =	shalt  }
0x60: {  	_ =	shalt  }
0x61: {  	_ =	shalt  }
0x62: {  	_ =	shalt  }
0x63: {  	_ =	shalt  }
0x64: {  	_ =	shalt  }
0x65: {  	_ =	shalt  }
0x66: {  	_ =	shalt  }
0x67: {  	_ =	shalt  }
0x68: {  	_ =	shalt  }
0x69: {  	_ =	shalt  }
0x6a: {  	_ =	shalt  }
0x6b: {  	_ =	shalt  }
0x6c: {  	_ =	shalt  }
0x6d: {  	_ =	shalt  }
0x6e: {  	_ =	shalt  }
0x6f: {  	_ =	shalt  }
0x70: {  	_ =	shalt  }
0x71: {  	_ =	shalt  }
0x72: {  	_ =	shalt  }
0x73: {  	_ =	shalt  }
0x74: {  	_ =	shalt  }
0x75: {  	_ =	shalt  }
0x76: {  	_ =	shalt  }
0x77: {  	_ =	shalt  }
0x78: {  	_ =	shalt  }
0x79: {  	_ =	shalt  }
0x7a: {  	_ =	shalt  }
0x7b: {  	_ =	shalt  }
0x7c: {  	_ =	shalt  }
0x7d: {  	_ =	shalt  }
0x7e: {  	_ =	shalt  }
0x7f: {  	_ =	shalt  }
0x80: {  	_ =	shalt  }
0x81: {  	_ =	shalt  }
0x82: {  	_ =	shalt  }
0x83: {  	_ =	shalt  }
0x84: {  	_ =	shalt  }
0x85: {  	_ =	shalt  }
0x86: {  	_ =	shalt  }
0x87: {  	_ =	shalt  }
.Lfunc_end0:
.L_simem_size_0:
called_computation_lowered:
.L_overlay_start_0:
0x88: {  	s2 =	sld [smem:$0x3FD9]  }
0x89: {  	s3 =	sld [smem:$0x3FFE];
	_ =	sdelay $0x1  }
0x8a: {  	s1 =	srdreg.scid  }
0x8b: {  	s0 =	sand.u32 $0x1, s1  }
0x8c: {  	s17 =	sshll.u32 s0, $0xA;
	s2 =	sadd.s32 s3, s2  }
0x8d: {  	s2 =	sadd.s32 s2, s17  }
0x8e: {  	[smem:$0x3FBF] =	sst s2  }
0x8f: {  	_ = 	snop  }
0x90: {  	s2 =	sld [smem:$0x3FC9]  }
0x91: {  	s18 =	sld [smem:$0x3FC8]  }
0x92: {  	s4 =	sld [smem:$0x3FC7]  }
0x93: {  	s5 =	sld [smem:$0x3FC6]  }
0x94: {  	s6 =	sld [smem:$0x3FC5]  }
0x95: {  	s7 =	sld [smem:$0x3FC4]  }
0x96: {  	s8 =	sld [smem:$0x3FC3]  }
0x97: {  	s9 =	sld [smem:$0x3FC2]  }
0x98: {  	s10 =	sld [smem:$0x3FD0];
	(tm) =	ssettm $0x1  }
0x99: {  	s11 =	sld [smem:$0x3FFB];
	_ =	sdelay $0x3  }
0x9a: {  	_ =	strace s11  }
0x9b: {  	s11 =	sld [smem:$0x3FFC];
	_ =	sdelay $0x3  }
0x9c: {  	_ =	strace s11  }
0x9d: {  	s11 =	sld [smem:$0x3FFD];
	_ =	sdelay $0x3  }
0x9e: {  	_ =	strace s11  }
0x9f: {  	_ =	strace $0x8FFFFFFF  }
0xa0: {  	s19 =	sld [smem:$0x3FDB];
	_ =	sdelay $0x1  }
0xa1: {  	s12 =	simm.s32 $_scs_section_size  }
0xa2: {  	s13 =	simm.s32 $_size__tile_overlayer_lowered;
	s14 =	simm.s32 $_tile_overlayer_lowered  }
0xa3: {  	s22 =	simm.s32 $0x1BFF;
	s21 =	sshll.u32 s14, $0x1;
	s11 =	sadd.s32 s12, s19  }
0xa4: {  	s15 =	simm.s32 $0x0;
	s20 =	sshll.u32 s13, $0x1;
	s13 =	sadd.s32 s21, s11  }
0xa5: {  	[timem:s15], [sflag:s22] =	dma.local [hbm:s13], s20  }
0xa6: {  	_ =	swait.ge [sflag:s22], s20  }
0xa7: {  	s12 =	ssub.s32 $0x0, s20;
	[sflag:s22] =	ssyncset.done $0x0  }
0xa8: {  	[sflag:s22] =	ssyncadd.s32 s12;
	_ =	sdelay $0x1  }
0xa9: {  	s23 =	simm.s32 $0x1B8B  }
0xaa: {  	_ =	swait.ge [sflag:s23], $0x1  }
0xab: {  	[sflag:s23] =	ssyncset.done $0x0  }
0xac: {  	s25 =	simm.s32 $0x1B8E;
	s24 =	sld [smem:$0x3FFE];
	[sflag:s23] =	ssyncadd.s32 $0xFFFFFFFF  }
0xad: {  	s26 =	simm.s32 $execute0_lowered;
	[smem:$0x3FD2] =	sst s25  }
0xae: {  	s13 =	sshll.u32 s26, $0x1;
	_ =	strace $0x80000046;
	[dreg:$0x1] =	wrdreg $0xFFFFFFFF  }
0xaf: {  	s28 =	simm.s32 $_size_execute0_lowered;
	s11 =	sadd.s32 s11, s13;
	[dreg:$0x0] =	wrdreg $0x0  }
0xb0: {  	s13 =	sshll.u32 s28, $0x1;
	[dreg:$0x2] =	wrdreg s11  }
0xb1: {  	[dreg:$0x3] =	wrdreg s13  }
0xb2: {  	[dreg:$0x4] =	wrdreg $0xC0  }
0xb3: {  	_ =	task [dreg:s15], $0x5FFFF  }
0xb4: {  	[dreg:$0x1] =	wrdreg $0xFFFFFFFF  }
0xb5: {  	[dreg:$0x0] =	wrdreg $0x60  }
0xb6: {  	[dreg:$0x2] =	wrdreg s2  }
0xb7: {  	[dreg:$0x3] =	wrdreg s18  }
0xb8: {  	[dreg:$0x4] =	wrdreg s4  }
0xb9: {  	[dreg:$0x5] =	wrdreg s5  }
0xba: {  	[dreg:$0x6] =	wrdreg s6  }
0xbb: {  	[dreg:$0x7] =	wrdreg s7  }
0xbc: {  	[dreg:$0x8] =	wrdreg s8  }
0xbd: {  	[dreg:$0x9] =	wrdreg s9  }
0xbe: {  	[dreg:$0xa] =	wrdreg s24  }
0xbf: {  	[dreg:$0xb] =	wrdreg s10  }
0xc0: {  	[dreg:$0xc] =	wrdreg $0x0  }
0xc1: {  	[dreg:$0xd] =	wrdreg $0x9  }
0xc2: {  	_ =	task.clear_ibuf [dreg:s15], $0xEFFFF;
	_ =	strace $0x90000046  }
0xc3: {  	s29 =	simm.s32 $0x9;
	_ =	strace $0x80000048  }
0xc4: {  	_ =	swait.ge [sflag:s29], $0x1  }
0xc5: {  	[sflag:s29] =	ssyncadd.s32 $0xFFFFFFFF  }
0xc6: {  	_ =	strace $0x90000048  }
0xc7: {  	_ =	sfence  }
0xc8: {  	s30 =	sld [smem:$0x0];
	_ =	sdelay $0x2  }
0xc9: {  	s31 =	sshll.u32 s1, $0xD;
	s1 =	sshrl.u32 s1, $0x2  }
0xca: {  	s3 =	sand.u32 $0x4000, s31;
	s1 =	sadd.s32 s1, s30  }
0xcb: {  	s0 =	sor.u32 s3, s0;
	s1 =	sshll.u32 s1, $0x11  }
0xcc: {  	s0 =	sor.u32 s1, s0  }
0xcd: {  	s0 =	sadd.s32 $0x8F2B, s0  }
0xce: {  	[sflag:s0] =	ssyncadd.remote.s32 $0x1  }
0xcf: {  	_ =	sfence.sel $0xFFFF  }
0xd0: {  	[dreg:$0x0] =	wrdreg $0xFFFFFFFF;
	(pc) =	sbr.abs _section_cstart, $3  }
0xd1: {  	[dreg:$0x1] =	wrdreg $0xFFFFFFFF  }
0xd2: {  	_ =	task.clear_ibuf [dreg:s15], $0x2FFFF;
	_ =	strace $0x9FFFFFFF  }
0xd3: {  	(tm) =	ssettm $0x7FFFFFFF  }
tec
execute0_lowered:
.L_overlay_start_1:
0x0: {  	(tag) =	ssettag $0x1  }
0x1: {  	s14 =	rddreg [dreg:$0x0]  }
0x2: {  	s13 =	rddreg [dreg:$0x1]  }
0x3: {  	s3 =	rddreg [dreg:$0x2]  }
0x4: {  	s0 =	rddreg [dreg:$0x3]  }
0x5: {  	s5 =	rddreg [dreg:$0x4]  }
0x6: {  	s6 =	rddreg [dreg:$0x5]  }
0x7: {  	s7 =	rddreg [dreg:$0x6]  }
0x8: {  	s8 =	rddreg [dreg:$0x7]  }
0x9: {  	s9 =	rddreg [dreg:$0x8]  }
0xa: {  	s4 =	srdreg.scid;
	s26 =	stileid.u32  }
0xb: {  	s2 =	rddreg [dreg:$0x9];
	s4 =	sand.u32 $0x1, s4;
	s10 =	sshll.u32 s26, $0x1  }
0xc: {  	s1 =	rddreg [dreg:$0xa];
	s10 =	sor.u32 s4, s10  }
0xd: {  	s28 =	rddreg [dreg:$0xb];
	s19 =	simm.s32 $0x0;
	s9 =	sadd.s32 s10, s9  }
0xe: {  	[smem:$0x7FF] =	sst s19;
	s11 =	sshll.u32 s10, $0x4;
	s9 =	sadd.s32 $0x800, s9  }
0xf: {  	_ =	strace $0x80000047;
	s5 =	sadd.s32 s5, s11;
	[dreg:$0xc] =	wrdreg s9  }
0x10: {  	s18 =	sadd.s32 s6, s11;
	[dreg:$0xd] =	wrdreg s5  }
0x11: {  	s20 =	sadd.s32 s7, s11;
	[dreg:$0xe] =	wrdreg s18  }
0x12: {  	s12 =	sshll.u32 s10, $0xF;
	s21 =	sadd.s32 s8, s11;
	[dreg:$0xf] =	wrdreg s20  }
0x13: {  	s22 =	sadd.s32 s14, s12;
	s11 =	sor.u32 $0x1000, s12;
	[dreg:$0x10] =	wrdreg s21  }
0x14: {  	s10 =	sor.u32 $0x2000, s12;
	[dreg:$0x11] =	wrdreg s22;
	s23 =	sadd.s32 s14, s11  }
0x15: {  	s24 =	sadd.s32 s14, s10;
	[dreg:$0x12] =	wrdreg s23  }
0x16: {  	s25 =	sadd.s32 s2, s11;
	[dreg:$0x13] =	wrdreg s24  }
0x17: {  	s8 =	sor.u32 $0x4000, s12;
	s6 =	sadd.s32 s2, s10;
	[dreg:$0x14] =	wrdreg s25  }
0x18: {  	s7 =	sadd.s32 s14, s8;
	[dreg:$0x16] =	wrdreg s6  }
0x19: {  	s17 =	sadd.s32 s2, s8;
	[dreg:$0x17] =	wrdreg s7  }
0x1a: {  	s9 =	sor.u32 $0x3000, s12;
	s21 =	sadd.s32 s13, s12;
	[dreg:$0x1a] =	wrdreg s17  }
0x1b: {  	s31 =	sadd.s32 s14, s9;
	[dreg:$0x1f] =	wrdreg s21  }
0x1c: {  	s5 =	sor.u32 $0x6000, s12;
	s15 =	sadd.s32 s2, s9;
	[dreg:$0x15] =	wrdreg s31  }
0x1d: {  	s18 =	sadd.s32 s14, s5;
	[dreg:$0x18] =	wrdreg s15  }
0x1e: {  	s20 =	sadd.s32 s2, s5;
	[dreg:$0x1b] =	wrdreg s18  }
0x1f: {  	s23 =	sadd.s32 s13, s11;
	[dreg:$0x1e] =	wrdreg s20  }
0x20: {  	s25 =	sadd.s32 s13, s10;
	[smem:$0x7D2] =	sst s23  }
0x21: {  	s7 =	sor.u32 $0x5000, s12;
	s17 =	sadd.s32 s13, s8;
	[smem:$0x7D4] =	sst s25  }
0x22: {  	s16 =	sadd.s32 s14, s7;
	[smem:$0x7D8] =	sst s17  }
0x23: {  	s6 =	sor.u32 $0x7000, s12;
	s15 =	sadd.s32 s2, s7;
	[dreg:$0x19] =	wrdreg s16  }
0x24: {  	s14 =	sadd.s32 s14, s6;
	[dreg:$0x1c] =	wrdreg s15  }
0x25: {  	s22 =	sadd.s32 s2, s6;
	[dreg:$0x1d] =	wrdreg s14  }
0x26: {  	s21 =	sadd.s32 s13, s7;
	[smem:$0x7D1] =	sst s22  }
0x27: {  	s23 =	sadd.s32 s13, s5;
	[smem:$0x7DA] =	sst s21  }
0x28: {  	s20 =	sadd.s32 s2, s12;
	s17 =	sadd.s32 s3, s10;
	[smem:$0x7DC] =	sst s23  }
0x29: {  	s24 =	sadd.s32 $0x100000, s20;
	[smem:$0x7E4] =	sst s17  }
0x2a: {  	s31 =	sadd.s32 $0x101000, s20;
	[smem:$0x7D3] =	sst s24  }
0x2b: {  	s15 =	sadd.s32 s13, s9;
	[smem:$0x7D5] =	sst s31  }
0x2c: {  	s16 =	sadd.s32 $0x102000, s20;
	[smem:$0x7D6] =	sst s15  }
0x2d: {  	s18 =	sadd.s32 $0x103000, s20;
	[smem:$0x7D7] =	sst s16  }
0x2e: {  	s22 =	sadd.s32 $0x104000, s20;
	[smem:$0x7D9] =	sst s18  }
0x2f: {  	s13 =	sadd.s32 s13, s6;
	[smem:$0x7DB] =	sst s22  }
0x30: {  	s25 =	sadd.s32 $0x106000, s20;
	[smem:$0x7DE] =	sst s13  }
0x31: {  	s14 =	sadd.s32 $0x107000, s20;
	[smem:$0x7DF] =	sst s25  }
0x32: {  	s21 =	sadd.s32 s3, s9;
	[smem:$0x7E1] =	sst s14  }
0x33: {  	s23 =	sadd.s32 s3, s8;
	[smem:$0x7E6] =	sst s21  }
0x34: {  	s17 =	sadd.s32 s0, s12;
	[smem:$0x7E8] =	sst s23  }
0x35: {  	s9 =	sadd.s32 s0, s9;
	[smem:$0x7F0] =	sst s17  }
0x36: {  	s24 =	sadd.s32 $0x105000, s20;
	[smem:$0x7F6] =	sst s9  }
0x37: {  	s31 =	sadd.s32 s3, s12;
	[smem:$0x7DD] =	sst s24  }
0x38: {  	s15 =	sadd.s32 s3, s11;
	[smem:$0x7E0] =	sst s31  }
0x39: {  	s16 =	sadd.s32 $0x200000, s20;
	[smem:$0x7E2] =	sst s15  }
0x3a: {  	s18 =	sadd.s32 $0x201000, s20;
	[smem:$0x7E3] =	sst s16  }
0x3b: {  	s22 =	sadd.s32 $0x202000, s20;
	[smem:$0x7E5] =	sst s18  }
0x3c: {  	s25 =	sadd.s32 s3, s7;
	[smem:$0x7E7] =	sst s22  }
0x3d: {  	s14 =	sadd.s32 s3, s5;
	[smem:$0x7EA] =	sst s25  }
0x3e: {  	s3 =	sadd.s32 s3, s6;
	[smem:$0x7EC] =	sst s14  }
0x3f: {  	s21 =	sadd.s32 s0, s11;
	[smem:$0x7EE] =	sst s3  }
0x40: {  	s23 =	sadd.s32 s0, s10;
	[smem:$0x7F2] =	sst s21  }
0x41: {  	s30 =	simm.s32 $0x18180;
	s12 =	sadd.s32 $0x302000, s20;
	[smem:$0x7F4] =	sst s23  }
0x42: {  	p0 =	por $0x0, $0x0;
	s17 =	sadd.s32 $0x304000, s20;
	[smem:$0x7F7] =	sst s12  }
0x43: {  	s4 =	ssub.s32 $0x2, s4;
	s24 =	sadd.s32 $0x203000, s20;
	[smem:$0x7FB] =	sst s17  }
0x44: {  	s9 =	sadd.s32 $0x306000, s20;
	s31 =	sadd.s32 $0x204000, s20;
	[smem:$0x7E9] =	sst s24  }
0x45: {  	s10 =	simm.s32 $0x5;
	s15 =	sadd.s32 $0x205000, s20;
	[smem:$0x7EB] =	sst s31  }
0x46: {  	s16 =	sadd.s32 $0x206000, s20;
	s18 =	sadd.s32 $0x207000, s20;
	[smem:$0x7ED] =	sst s15  }
0x47: {  	s22 =	sadd.s32 $0x300000, s20;
	s25 =	sadd.s32 $0x301000, s20;
	[smem:$0x7EF] =	sst s16  }
0x48: {  	s14 =	sadd.s32 s0, s8;
	s21 =	sshll.u32 s26, $0x6;
	[smem:$0x7F1] =	sst s18  }
0x49: {  	s12 =	sadd.s32 s0, s6;
	s8 =	sadd.s32 $0x307000, s20;
	[smem:$0x7F3] =	sst s22  }
0x4a: {  	s3 =	simm.s32 $0x18000;
	s6 =	simm.s32 $0x8;
	[smem:$0x7F5] =	sst s25  }
0x4b: {  	s24 =	sshrl.u32 s4, $0x1;
	s31 =	smul.u32 $0x60000, s26;
	[smem:$0x7F8] =	sst s14  }
0x4c: {  	s15 =	sadd.s32 $0x303000, s20;
	s16 =	sadd.s32 s0, s7;
	s11 =	sor.u32 $0x1C01, s21  }
0x4d: {  	s22 =	sadd.s32 s0, s5;
	s25 =	sadd.s32 $0x305000, s20;
	s14 =	simm.s32 $0x2  }
0x4e: {  	s5 =	simm.s32 $0x4;
	s4 =	ssub.s32 s4, s24;
	[smem:$0x7F9] =	sst s15  }
0x4f: {  	[smem:$0x7FA] =	sst s16;
	s13 =	sshrl.u32 s31, $0x2;
	s31 =	smax.u32 s4, $0x1  }
0x50: {  	s7 =	simm.s32 $0x7;
	[smem:$0x7FC] =	sst s22;
	p1 =	sne.s32 s31, $0x1  }
.Ltmp0:
0x51: {  	[smem:$0x7FD] =	sst s25;
	s25 =	simm.s32 $0x18100;
	(pc) =	sbr.rel @!p1 .LBB2_1-.Ltmp0, $4  }
0x52: {  	s24 =	simm.s32 $0x18200;
	s16 =	simm.s32 $0x1;
	s15 =	simm.s32 $0x6  }
0x53: {  	s22 =	rddreg [dreg:$0xc];
	s4 =	simm.s32 $0x18080;
	s29 =	sadd.s32 s13, s1  }
0x54: {  	s0 =	sadd.s32 $0xFFFFFFFF, s31;
	s18 =	sadd.s32 $0x8000, s29;
	s23 =	sadd.s32 $0x10000, s29  }
0x55: {  	s13 =	sshrl.u32 s18, $0x3;
	s17 =	sshrl.u32 s23, $0x3;
	s18 =	simm.s32 $0x3  }
0x56: {  	s1 =	rddreg [dreg:$0x11]  }
0x57: {  	s26 =	rddreg [dreg:$0xd]  }
0x58: {  	[tilespmem:s3], [sflag:$0x8] =	stream.linear.gather [hbm4b:s22+s19], $0x4, $0x38;
	[tilespmem:$0x18280] =	vst v63  }
0x59: {  	s22 =	rddreg [dreg:$0xe]  }
0x5a: {  	[tilespmem:s4], [sflag:$0x8] =	stream.linear.gather [hbm4b:s26+s19], $0x80, $0x38;
	[tilespmem:$0x18280] =	vst v63  }
0x5b: {  	s23 =	rddreg [dreg:$0xf]  }
0x5c: {  	[tilespmem:s25], [sflag:$0x8] =	stream.linear.gather [hbm4b:s22+s19], $0x80, $0x38;
	[tilespmem:$0x18280] =	vst v63  }
0x5d: {  	[smem:$0x7CF] =	sst s29  }
0x5e: {  	[tilespmem:s30], [sflag:$0x8] =	stream.linear.gather [hbm4b:s23+s19], $0x80, $0x38;
	[tilespmem:$0x18280] =	vst v63  }
0x5f: {  	s26 =	sshrl.u32 s29, $0x3;
	s25 =	rddreg [dreg:$0x10]  }
0x60: {  	[tilespmem:s24], [sflag:$0x8] =	stream.linear.gather [hbm4b:s25+s19], $0x80, $0x38;
	[tilespmem:$0x18280] =	vst v63  }
0x61: {  	[spmem:s26], [sflag:s11] =	dma.local [hbm:s1], $0x1000  }
0x62: {  	s28 =	sor.u32 $0x1C02, s21;
	s1 =	rddreg [dreg:$0x12]  }
0x63: {  	[spmem:s13], [sflag:s28] =	dma.local [hbm:s1], $0x1000  }
0x64: {  	_ =	swait.ge [sflag:s16], $0x1000  }
0x65: {  	[sflag:s16] =	ssyncset.done $0x0  }
0x66: {  	s29 =	sor.u32 $0x1C04, s21;
	[sflag:s16] =	ssyncadd.s32 $0xFFFFF000  }
0x67: {  	[hbm:s20], [sflag:s29] =	dma.local [spmem:s26], $0x1000  }
0x68: {  	s30 =	sor.u32 $0x1C03, s21;
	s22 =	rddreg [dreg:$0x13]  }
0x69: {  	[spmem:s17], [sflag:s30] =	dma.local [hbm:s22], $0x1000  }
0x6a: {  	_ =	swait.ge [sflag:s14], $0x1000  }
0x6b: {  	[sflag:s14] =	ssyncset.done $0x0  }
0x6c: {  	s31 =	sor.u32 $0x1C05, s21;
	s23 =	rddreg [dreg:$0x14];
	[sflag:s14] =	ssyncadd.s32 $0xFFFFF000  }
0x6d: {  	[hbm:s23], [sflag:s31] =	dma.local [spmem:s13], $0x1000  }
0x6e: {  	_ =	swait.ge [sflag:s5], $0x1000  }
0x6f: {  	[sflag:s5] =	ssyncset.done $0x0  }
0x70: {  	s22 =	rddreg [dreg:$0x15];
	[sflag:s5] =	ssyncadd.s32 $0xFFFFF000  }
0x71: {  	[spmem:s26], [sflag:s11] =	dma.local [hbm:s22], $0x1000  }
0x72: {  	_ =	swait.ge [sflag:s18], $0x1000  }
0x73: {  	s23 =	rddreg [dreg:$0x16];
	[sflag:s18] =	ssyncset.done $0x0  }
0x74: {  	s1 =	sor.u32 $0x1C06, s21;
	[smem:$0x7D0] =	sst s21;
	[sflag:s18] =	ssyncadd.s32 $0xFFFFF000  }
0x75: {  	[hbm:s23], [sflag:s1] =	dma.local [spmem:s17], $0x1000  }
0x76: {  	_ =	swait.ge [sflag:s10], $0x1000  }
0x77: {  	[sflag:s10] =	ssyncset.done $0x0  }
0x78: {  	s21 =	rddreg [dreg:$0x17];
	[sflag:s10] =	ssyncadd.s32 $0xFFFFF000  }
0x79: {  	[spmem:s13], [sflag:s28] =	dma.local [hbm:s21], $0x1000  }
0x7a: {  	_ =	swait.ge [sflag:s16], $0x1000  }
0x7b: {  	[sflag:s16] =	ssyncset.done $0x0  }
0x7c: {  	s23 =	rddreg [dreg:$0x18];
	[sflag:s16] =	ssyncadd.s32 $0xFFFFF000  }
0x7d: {  	[hbm:s23], [sflag:s29] =	dma.local [spmem:s26], $0x1000  }
0x7e: {  	_ =	swait.ge [sflag:s15], $0x1000  }
0x7f: {  	[sflag:s15] =	ssyncset.done $0x0  }
0x80: {  	s21 =	rddreg [dreg:$0x19];
	[sflag:s15] =	ssyncadd.s32 $0xFFFFF000  }
0x81: {  	[spmem:s17], [sflag:s30] =	dma.local [hbm:s21], $0x1000  }
0x82: {  	_ =	swait.ge [sflag:s14], $0x1000  }
0x83: {  	[sflag:s14] =	ssyncset.done $0x0  }
0x84: {  	s23 =	rddreg [dreg:$0x1a];
	[sflag:s14] =	ssyncadd.s32 $0xFFFFF000  }
0x85: {  	[hbm:s23], [sflag:s31] =	dma.local [spmem:s13], $0x1000  }
0x86: {  	_ =	swait.ge [sflag:s5], $0x1000  }
0x87: {  	[sflag:s5] =	ssyncset.done $0x0  }
0x88: {  	s21 =	rddreg [dreg:$0x1b];
	[sflag:s5] =	ssyncadd.s32 $0xFFFFF000  }
0x89: {  	[spmem:s26], [sflag:s11] =	dma.local [hbm:s21], $0x1000  }
0x8a: {  	_ =	swait.ge [sflag:s18], $0x1000  }
0x8b: {  	[sflag:s18] =	ssyncset.done $0x0  }
0x8c: {  	s23 =	rddreg [dreg:$0x1c];
	[sflag:s18] =	ssyncadd.s32 $0xFFFFF000  }
0x8d: {  	[hbm:s23], [sflag:s1] =	dma.local [spmem:s17], $0x1000  }
0x8e: {  	_ =	swait.ge [sflag:s10], $0x1000  }
0x8f: {  	[sflag:s10] =	ssyncset.done $0x0  }
0x90: {  	s21 =	rddreg [dreg:$0x1d];
	[sflag:s10] =	ssyncadd.s32 $0xFFFFF000  }
0x91: {  	[spmem:s13], [sflag:s28] =	dma.local [hbm:s21], $0x1000  }
0x92: {  	_ =	swait.ge [sflag:s16], $0x1000  }
0x93: {  	[sflag:s16] =	ssyncset.done $0x0  }
0x94: {  	s23 =	rddreg [dreg:$0x1e];
	[sflag:s16] =	ssyncadd.s32 $0xFFFFF000  }
0x95: {  	[hbm:s23], [sflag:s29] =	dma.local [spmem:s26], $0x1000  }
0x96: {  	_ =	swait.ge [sflag:s15], $0x1000  }
0x97: {  	[sflag:s15] =	ssyncset.done $0x0  }
0x98: {  	s21 =	rddreg [dreg:$0x1f];
	[sflag:s15] =	ssyncadd.s32 $0xFFFFF000  }
0x99: {  	[spmem:s17], [sflag:s30] =	dma.local [hbm:s21], $0x1000  }
0x9a: {  	_ =	swait.ge [sflag:s14], $0x1000  }
0x9b: {  	s23 =	sld [smem:$0x7D1]  }
0x9c: {  	[sflag:s14] =	ssyncset.done $0x0  }
0x9d: {  	[sflag:s14] =	ssyncadd.s32 $0xFFFFF000  }
0x9e: {  	[hbm:s23], [sflag:s31] =	dma.local [spmem:s13], $0x1000  }
0x9f: {  	_ =	swait.ge [sflag:s5], $0x1000  }
0xa0: {  	s21 =	sld [smem:$0x7D2]  }
0xa1: {  	[sflag:s5] =	ssyncset.done $0x0  }
0xa2: {  	[sflag:s5] =	ssyncadd.s32 $0xFFFFF000  }
0xa3: {  	[spmem:s26], [sflag:s11] =	dma.local [hbm:s21], $0x1000  }
0xa4: {  	_ =	swait.ge [sflag:s18], $0x1000  }
0xa5: {  	s23 =	sld [smem:$0x7D3]  }
0xa6: {  	[sflag:s18] =	ssyncset.done $0x0  }
0xa7: {  	[sflag:s18] =	ssyncadd.s32 $0xFFFFF000  }
0xa8: {  	[hbm:s23], [sflag:s1] =	dma.local [spmem:s17], $0x1000  }
0xa9: {  	_ =	swait.ge [sflag:s10], $0x1000  }
0xaa: {  	s21 =	sld [smem:$0x7D4]  }
0xab: {  	[sflag:s10] =	ssyncset.done $0x0  }
0xac: {  	[sflag:s10] =	ssyncadd.s32 $0xFFFFF000  }
0xad: {  	[spmem:s13], [sflag:s28] =	dma.local [hbm:s21], $0x1000  }
0xae: {  	_ =	swait.ge [sflag:s16], $0x1000  }
0xaf: {  	s23 =	sld [smem:$0x7D5]  }
0xb0: {  	[sflag:s16] =	ssyncset.done $0x0  }
0xb1: {  	[sflag:s16] =	ssyncadd.s32 $0xFFFFF000  }
0xb2: {  	[hbm:s23], [sflag:s29] =	dma.local [spmem:s26], $0x1000  }
0xb3: {  	_ =	swait.ge [sflag:s15], $0x1000  }
0xb4: {  	s21 =	sld [smem:$0x7D6]  }
0xb5: {  	[sflag:s15] =	ssyncset.done $0x0  }
0xb6: {  	[sflag:s15] =	ssyncadd.s32 $0xFFFFF000  }
0xb7: {  	[spmem:s17], [sflag:s30] =	dma.local [hbm:s21], $0x1000  }
0xb8: {  	_ =	swait.ge [sflag:s14], $0x1000  }
0xb9: {  	s23 =	sld [smem:$0x7D7]  }
0xba: {  	[sflag:s14] =	ssyncset.done $0x0  }
0xbb: {  	[sflag:s14] =	ssyncadd.s32 $0xFFFFF000  }
0xbc: {  	[hbm:s23], [sflag:s31] =	dma.local [spmem:s13], $0x1000  }
0xbd: {  	_ =	swait.ge [sflag:s5], $0x1000  }
0xbe: {  	s21 =	sld [smem:$0x7D8]  }
0xbf: {  	[sflag:s5] =	ssyncset.done $0x0  }
0xc0: {  	[sflag:s5] =	ssyncadd.s32 $0xFFFFF000  }
0xc1: {  	[spmem:s26], [sflag:s11] =	dma.local [hbm:s21], $0x1000  }
0xc2: {  	_ =	swait.ge [sflag:s18], $0x1000  }
0xc3: {  	s23 =	sld [smem:$0x7D9]  }
0xc4: {  	[sflag:s18] =	ssyncset.done $0x0  }
0xc5: {  	[sflag:s18] =	ssyncadd.s32 $0xFFFFF000  }
0xc6: {  	[hbm:s23], [sflag:s1] =	dma.local [spmem:s17], $0x1000  }
0xc7: {  	_ =	swait.ge [sflag:s10], $0x1000  }
0xc8: {  	s21 =	sld [smem:$0x7DA]  }
0xc9: {  	[sflag:s10] =	ssyncset.done $0x0  }
0xca: {  	[sflag:s10] =	ssyncadd.s32 $0xFFFFF000  }
0xcb: {  	[spmem:s13], [sflag:s28] =	dma.local [hbm:s21], $0x1000  }
0xcc: {  	_ =	swait.ge [sflag:s16], $0x1000  }
0xcd: {  	s23 =	sld [smem:$0x7DB]  }
0xce: {  	[sflag:s16] =	ssyncset.done $0x0  }
0xcf: {  	[sflag:s16] =	ssyncadd.s32 $0xFFFFF000  }
0xd0: {  	[hbm:s23], [sflag:s29] =	dma.local [spmem:s26], $0x1000  }
0xd1: {  	_ =	swait.ge [sflag:s15], $0x1000  }
0xd2: {  	s21 =	sld [smem:$0x7DC]  }
0xd3: {  	[sflag:s15] =	ssyncset.done $0x0  }
0xd4: {  	[sflag:s15] =	ssyncadd.s32 $0xFFFFF000  }
0xd5: {  	[spmem:s17], [sflag:s30] =	dma.local [hbm:s21], $0x1000  }
0xd6: {  	_ =	swait.ge [sflag:s14], $0x1000  }
0xd7: {  	s23 =	sld [smem:$0x7DD]  }
0xd8: {  	[sflag:s14] =	ssyncset.done $0x0  }
0xd9: {  	[sflag:s14] =	ssyncadd.s32 $0xFFFFF000  }
0xda: {  	[hbm:s23], [sflag:s31] =	dma.local [spmem:s13], $0x1000  }
0xdb: {  	_ =	swait.ge [sflag:s5], $0x1000  }
0xdc: {  	s21 =	sld [smem:$0x7DE]  }
0xdd: {  	[sflag:s5] =	ssyncset.done $0x0  }
0xde: {  	[sflag:s5] =	ssyncadd.s32 $0xFFFFF000  }
0xdf: {  	[spmem:s26], [sflag:s11] =	dma.local [hbm:s21], $0x1000  }
0xe0: {  	_ =	swait.ge [sflag:s18], $0x1000  }
0xe1: {  	s23 =	sld [smem:$0x7DF]  }
0xe2: {  	[sflag:s18] =	ssyncset.done $0x0  }
0xe3: {  	[sflag:s18] =	ssyncadd.s32 $0xFFFFF000  }
0xe4: {  	[hbm:s23], [sflag:s1] =	dma.local [spmem:s17], $0x1000  }
0xe5: {  	_ =	swait.ge [sflag:s10], $0x1000  }
0xe6: {  	s21 =	sld [smem:$0x7E0]  }
0xe7: {  	[sflag:s10] =	ssyncset.done $0x0  }
0xe8: {  	[sflag:s10] =	ssyncadd.s32 $0xFFFFF000  }
0xe9: {  	[spmem:s13], [sflag:s28] =	dma.local [hbm:s21], $0x1000  }
0xea: {  	_ =	swait.ge [sflag:s16], $0x1000  }
0xeb: {  	s23 =	sld [smem:$0x7E1]  }
0xec: {  	[sflag:s16] =	ssyncset.done $0x0  }
0xed: {  	[sflag:s16] =	ssyncadd.s32 $0xFFFFF000  }
0xee: {  	[hbm:s23], [sflag:s29] =	dma.local [spmem:s26], $0x1000  }
0xef: {  	_ =	swait.ge [sflag:s15], $0x1000  }
0xf0: {  	s21 =	sld [smem:$0x7E2]  }
0xf1: {  	[sflag:s15] =	ssyncset.done $0x0  }
0xf2: {  	[sflag:s15] =	ssyncadd.s32 $0xFFFFF000  }
0xf3: {  	[spmem:s17], [sflag:s30] =	dma.local [hbm:s21], $0x1000  }
0xf4: {  	_ =	swait.ge [sflag:s14], $0x1000  }
0xf5: {  	s23 =	sld [smem:$0x7E3]  }
0xf6: {  	[sflag:s14] =	ssyncset.done $0x0  }
0xf7: {  	[sflag:s14] =	ssyncadd.s32 $0xFFFFF000  }
0xf8: {  	[hbm:s23], [sflag:s31] =	dma.local [spmem:s13], $0x1000  }
0xf9: {  	_ =	swait.ge [sflag:s5], $0x1000  }
0xfa: {  	s21 =	sld [smem:$0x7E4]  }
0xfb: {  	[sflag:s5] =	ssyncset.done $0x0  }
0xfc: {  	[sflag:s5] =	ssyncadd.s32 $0xFFFFF000  }
0xfd: {  	[spmem:s26], [sflag:s11] =	dma.local [hbm:s21], $0x1000  }
0xfe: {  	_ =	swait.ge [sflag:s18], $0x1000  }
0xff: {  	s23 =	sld [smem:$0x7E5]  }
0x100: {  	[sflag:s18] =	ssyncset.done $0x0  }
0x101: {  	[sflag:s18] =	ssyncadd.s32 $0xFFFFF000  }
0x102: {  	[hbm:s23], [sflag:s1] =	dma.local [spmem:s17], $0x1000  }
0x103: {  	_ =	swait.ge [sflag:s10], $0x1000  }
0x104: {  	s21 =	sld [smem:$0x7E6]  }
0x105: {  	[sflag:s10] =	ssyncset.done $0x0  }
0x106: {  	[sflag:s10] =	ssyncadd.s32 $0xFFFFF000  }
0x107: {  	[spmem:s13], [sflag:s28] =	dma.local [hbm:s21], $0x1000  }
0x108: {  	_ =	swait.ge [sflag:s16], $0x1000  }
0x109: {  	s23 =	sld [smem:$0x7E7]  }
0x10a: {  	[sflag:s16] =	ssyncset.done $0x0  }
0x10b: {  	[sflag:s16] =	ssyncadd.s32 $0xFFFFF000  }
0x10c: {  	[hbm:s23], [sflag:s29] =	dma.local [spmem:s26], $0x1000  }
0x10d: {  	_ =	swait.ge [sflag:s15], $0x1000  }
0x10e: {  	s21 =	sld [smem:$0x7E8]  }
0x10f: {  	[sflag:s15] =	ssyncset.done $0x0  }
0x110: {  	[sflag:s15] =	ssyncadd.s32 $0xFFFFF000  }
0x111: {  	[spmem:s17], [sflag:s30] =	dma.local [hbm:s21], $0x1000  }
0x112: {  	_ =	swait.ge [sflag:s14], $0x1000  }
0x113: {  	s23 =	sld [smem:$0x7E9]  }
0x114: {  	[sflag:s14] =	ssyncset.done $0x0  }
0x115: {  	[sflag:s14] =	ssyncadd.s32 $0xFFFFF000  }
0x116: {  	[hbm:s23], [sflag:s31] =	dma.local [spmem:s13], $0x1000  }
0x117: {  	_ =	swait.ge [sflag:s5], $0x1000  }
0x118: {  	s21 =	sld [smem:$0x7EA]  }
0x119: {  	[sflag:s5] =	ssyncset.done $0x0  }
0x11a: {  	[sflag:s5] =	ssyncadd.s32 $0xFFFFF000  }
0x11b: {  	[spmem:s26], [sflag:s11] =	dma.local [hbm:s21], $0x1000  }
0x11c: {  	_ =	swait.ge [sflag:s18], $0x1000  }
0x11d: {  	s23 =	sld [smem:$0x7EB]  }
0x11e: {  	[sflag:s18] =	ssyncset.done $0x0  }
0x11f: {  	[sflag:s18] =	ssyncadd.s32 $0xFFFFF000  }
0x120: {  	[hbm:s23], [sflag:s1] =	dma.local [spmem:s17], $0x1000  }
0x121: {  	_ =	swait.ge [sflag:s10], $0x1000  }
0x122: {  	s21 =	sld [smem:$0x7EC]  }
0x123: {  	[sflag:s10] =	ssyncset.done $0x0  }
0x124: {  	[sflag:s10] =	ssyncadd.s32 $0xFFFFF000  }
0x125: {  	[spmem:s13], [sflag:s28] =	dma.local [hbm:s21], $0x1000  }
0x126: {  	_ =	swait.ge [sflag:s16], $0x1000  }
0x127: {  	s23 =	sld [smem:$0x7ED]  }
0x128: {  	[sflag:s16] =	ssyncset.done $0x0  }
0x129: {  	[sflag:s16] =	ssyncadd.s32 $0xFFFFF000  }
0x12a: {  	[hbm:s23], [sflag:s29] =	dma.local [spmem:s26], $0x1000  }
0x12b: {  	_ =	swait.ge [sflag:s15], $0x1000  }
0x12c: {  	s21 =	sld [smem:$0x7EE]  }
0x12d: {  	[sflag:s15] =	ssyncset.done $0x0  }
0x12e: {  	[sflag:s15] =	ssyncadd.s32 $0xFFFFF000  }
0x12f: {  	[spmem:s17], [sflag:s30] =	dma.local [hbm:s21], $0x1000  }
0x130: {  	_ =	swait.ge [sflag:s14], $0x1000  }
0x131: {  	s23 =	sld [smem:$0x7EF]  }
0x132: {  	[sflag:s14] =	ssyncset.done $0x0  }
0x133: {  	[sflag:s14] =	ssyncadd.s32 $0xFFFFF000  }
0x134: {  	[hbm:s23], [sflag:s31] =	dma.local [spmem:s13], $0x1000  }
0x135: {  	_ =	swait.ge [sflag:s5], $0x1000  }
0x136: {  	s21 =	sld [smem:$0x7F0]  }
0x137: {  	[sflag:s5] =	ssyncset.done $0x0  }
0x138: {  	[sflag:s5] =	ssyncadd.s32 $0xFFFFF000  }
0x139: {  	[spmem:s26], [sflag:s11] =	dma.local [hbm:s21], $0x1000  }
0x13a: {  	_ =	swait.ge [sflag:s18], $0x1000  }
0x13b: {  	s23 =	sld [smem:$0x7F1]  }
0x13c: {  	[sflag:s18] =	ssyncset.done $0x0  }
0x13d: {  	[sflag:s18] =	ssyncadd.s32 $0xFFFFF000  }
0x13e: {  	[hbm:s23], [sflag:s1] =	dma.local [spmem:s17], $0x1000  }
0x13f: {  	_ =	swait.ge [sflag:s10], $0x1000  }
0x140: {  	s21 =	sld [smem:$0x7F2]  }
0x141: {  	[sflag:s10] =	ssyncset.done $0x0  }
0x142: {  	[sflag:s10] =	ssyncadd.s32 $0xFFFFF000  }
0x143: {  	[spmem:s13], [sflag:s28] =	dma.local [hbm:s21], $0x1000  }
0x144: {  	_ =	swait.ge [sflag:s16], $0x1000  }
0x145: {  	s23 =	sld [smem:$0x7F3]  }
0x146: {  	[sflag:s16] =	ssyncset.done $0x0  }
0x147: {  	[sflag:s16] =	ssyncadd.s32 $0xFFFFF000  }
0x148: {  	[hbm:s23], [sflag:s29] =	dma.local [spmem:s26], $0x1000  }
0x149: {  	_ =	swait.ge [sflag:s15], $0x1000  }
0x14a: {  	s21 =	sld [smem:$0x7F4]  }
0x14b: {  	[sflag:s15] =	ssyncset.done $0x0  }
0x14c: {  	[sflag:s15] =	ssyncadd.s32 $0xFFFFF000  }
0x14d: {  	[spmem:s17], [sflag:s30] =	dma.local [hbm:s21], $0x1000  }
0x14e: {  	_ =	swait.ge [sflag:s14], $0x1000  }
0x14f: {  	s23 =	sld [smem:$0x7F5]  }
0x150: {  	[sflag:s14] =	ssyncset.done $0x0  }
0x151: {  	[sflag:s14] =	ssyncadd.s32 $0xFFFFF000  }
0x152: {  	[hbm:s23], [sflag:s31] =	dma.local [spmem:s13], $0x1000  }
0x153: {  	_ =	swait.ge [sflag:s5], $0x1000  }
0x154: {  	s21 =	sld [smem:$0x7F6]  }
0x155: {  	[sflag:s5] =	ssyncset.done $0x0  }
0x156: {  	[sflag:s5] =	ssyncadd.s32 $0xFFFFF000  }
0x157: {  	[spmem:s26], [sflag:s11] =	dma.local [hbm:s21], $0x1000  }
0x158: {  	_ =	swait.ge [sflag:s18], $0x1000  }
0x159: {  	s23 =	sld [smem:$0x7F7]  }
0x15a: {  	[sflag:s18] =	ssyncset.done $0x0  }
0x15b: {  	[sflag:s18] =	ssyncadd.s32 $0xFFFFF000  }
0x15c: {  	[hbm:s23], [sflag:s1] =	dma.local [spmem:s17], $0x1000  }
0x15d: {  	_ =	swait.ge [sflag:s10], $0x1000  }
0x15e: {  	s21 =	sld [smem:$0x7F8]  }
0x15f: {  	[sflag:s10] =	ssyncset.done $0x0  }
0x160: {  	[sflag:s10] =	ssyncadd.s32 $0xFFFFF000  }
0x161: {  	[spmem:s13], [sflag:s28] =	dma.local [hbm:s21], $0x1000  }
0x162: {  	_ =	swait.ge [sflag:s16], $0x1000  }
0x163: {  	s23 =	sld [smem:$0x7F9]  }
0x164: {  	[sflag:s16] =	ssyncset.done $0x0  }
0x165: {  	[sflag:s16] =	ssyncadd.s32 $0xFFFFF000  }
0x166: {  	[hbm:s23], [sflag:s29] =	dma.local [spmem:s26], $0x1000  }
0x167: {  	_ =	swait.ge [sflag:s15], $0x1000  }
0x168: {  	s21 =	sld [smem:$0x7FA]  }
0x169: {  	[sflag:s15] =	ssyncset.done $0x0  }
0x16a: {  	[sflag:s15] =	ssyncadd.s32 $0xFFFFF000  }
0x16b: {  	[spmem:s17], [sflag:s30] =	dma.local [hbm:s21], $0x1000  }
0x16c: {  	_ =	swait.ge [sflag:s14], $0x1000  }
0x16d: {  	s23 =	sld [smem:$0x7FB]  }
0x16e: {  	[sflag:s14] =	ssyncset.done $0x0  }
0x16f: {  	[sflag:s14] =	ssyncadd.s32 $0xFFFFF000  }
0x170: {  	[hbm:s23], [sflag:s31] =	dma.local [spmem:s13], $0x1000  }
0x171: {  	_ =	swait.ge [sflag:s5], $0x1000  }
0x172: {  	s21 =	sld [smem:$0x7FC]  }
0x173: {  	[sflag:s5] =	ssyncset.done $0x0  }
0x174: {  	[sflag:s5] =	ssyncadd.s32 $0xFFFFF000  }
0x175: {  	[spmem:s26], [sflag:s11] =	dma.local [hbm:s21], $0x1000  }
0x176: {  	_ =	swait.ge [sflag:s18], $0x1000  }
0x177: {  	s23 =	sld [smem:$0x7FD]  }
0x178: {  	[sflag:s18] =	ssyncset.done $0x0  }
0x179: {  	[sflag:s18] =	ssyncadd.s32 $0xFFFFF000  }
0x17a: {  	[hbm:s23], [sflag:s1] =	dma.local [spmem:s17], $0x1000  }
0x17b: {  	_ =	swait.ge [sflag:s10], $0x1000  }
0x17c: {  	[sflag:s10] =	ssyncset.done $0x0  }
0x17d: {  	[sflag:s10] =	ssyncadd.s32 $0xFFFFF000  }
0x17e: {  	[spmem:s13], [sflag:s28] =	dma.local [hbm:s12], $0x1000  }
0x17f: {  	_ =	swait.ge [sflag:s16], $0x1000  }
0x180: {  	[sflag:s16] =	ssyncset.done $0x0  }
0x181: {  	[sflag:s16] =	ssyncadd.s32 $0xFFFFF000  }
0x182: {  	[hbm:s9], [sflag:s29] =	dma.local [spmem:s26], $0x1000  }
0x183: {  	_ =	swait.ge [sflag:s14], $0x1000  }
0x184: {  	[sflag:s14] =	ssyncset.done $0x0  }
0x185: {  	[sflag:s14] =	ssyncadd.s32 $0xFFFFF000  }
0x186: {  	[hbm:s8], [sflag:s31] =	dma.local [spmem:s13], $0x1000  }
0x187: {  	_ =	swait.ge [sflag:s15], $0x1000  }
0x188: {  	[sflag:s15] =	ssyncset.done $0x0  }
0x189: {  	[sflag:s15] =	ssyncadd.s32 $0xFFFFF000  }
0x18a: {  	_ =	swait.ge [sflag:s5], $0x1000  }
0x18b: {  	[sflag:s5] =	ssyncset.done $0x0  }
0x18c: {  	[sflag:s5] =	ssyncadd.s32 $0xFFFFF000  }
0x18d: {  	_ =	swait.ge [sflag:s10], $0x1000  }
0x18e: {  	[sflag:s10] =	ssyncset.done $0x0  }
0x18f: {  	[sflag:s10] =	ssyncadd.s32 $0xFFFFF000  }
0x190: {  	_ =	swait.ge [sflag:s6], $0x4  }
0x191: {  	[sflag:s6] =	ssyncset.done $0x0  }
0x192: {  	[sflag:s6] =	ssyncadd.s32 $0xFFFFFFFC  }
0x193: {  	_ =	swait.ge [sflag:s6], $0x80  }
0x194: {  	[sflag:s6] =	ssyncset.done $0x0  }
0x195: {  	[sflag:s6] =	ssyncadd.s32 $0xFFFFFF80  }
0x196: {  	_ =	swait.ge [sflag:s6], $0x80  }
0x197: {  	[sflag:s6] =	ssyncset.done $0x0  }
0x198: {  	[sflag:s6] =	ssyncadd.s32 $0xFFFFFF80  }
0x199: {  	_ =	swait.ge [sflag:s6], $0x80  }
0x19a: {  	[sflag:s6] =	ssyncset.done $0x0  }
0x19b: {  	[sflag:s6] =	ssyncadd.s32 $0xFFFFFF80  }
0x19c: {  	p1 =	sne.s32 s0, $0x1;
	_ =	swait.ge [sflag:s6], $0x80  }
.Ltmp1:
0x19d: {  	[sflag:s6] =	ssyncset.done $0x0;
	(pc) =	sbr.rel @!p1 .LBB2_3-.Ltmp1, $4  }
0x19e: {  	s0 =	sadd.s32 $0xFFFFFFFF, s0;
	[sflag:s6] =	ssyncadd.s32 $0xFFFFFF80  }
0x19f: {  	[hbm4b:s2+s5] =	stream.indirect.scatter [tilespmem:s4], [sflag:$0x7], $0x80, s3, s5, $0xb8;
	[tilespmem:$0x18280] =	vst v63  }
0x1a0: {  	p0 =	por $0x1, $0x1;
	s25 =	simm.s32 $0x18100;
	_ =	swait.ge [sflag:s7], $0x200  }
0x1a1: {  	s24 =	simm.s32 $0x18180;
	s22 =	rddreg [dreg:$0xc];
	[sflag:s7] =	ssyncset.done $0x0  }
.LBB2_4:
0x1a2: {  	s21 =	rddreg [dreg:$0x11];
	[sflag:s7] =	ssyncadd.s32 $0xFFFFFE00  }
0x1a3: {  	[tilespmem:s3], [sflag:$0x8] =	stream.linear.gather [hbm4b:s22+s19], $0x4, $0x38;
	[tilespmem:$0x18280] =	vst v63  }
0x1a4: {  	s23 =	smov.u32 s2;
	s2 =	rddreg [dreg:$0xd]  }
0x1a5: {  	[tilespmem:s4], [sflag:$0x8] =	stream.linear.gather [hbm4b:s2+s19], $0x80, $0x38;
	[tilespmem:$0x18280] =	vst v63  }
0x1a6: {  	s22 =	rddreg [dreg:$0xe]  }
0x1a7: {  	[tilespmem:s25], [sflag:$0x8] =	stream.linear.gather [hbm4b:s22+s19], $0x80, $0x38;
	[tilespmem:$0x18280] =	vst v63  }
0x1a8: {  	s2 =	rddreg [dreg:$0xf]  }
0x1a9: {  	[tilespmem:s24], [sflag:$0x8] =	stream.linear.gather [hbm4b:s2+s19], $0x80, $0x38;
	[tilespmem:$0x18280] =	vst v63  }
0x1aa: {  	s22 =	rddreg [dreg:$0x10];
	s2 =	simm.s32 $0x18200  }
0x1ab: {  	[tilespmem:s2], [sflag:$0x8] =	stream.linear.gather [hbm4b:s22+s19], $0x80, $0x38;
	[tilespmem:$0x18280] =	vst v63  }
0x1ac: {  	[spmem:s26], [sflag:s11] =	dma.local [hbm:s21], $0x1000  }
0x1ad: {  	s22 =	rddreg [dreg:$0x12]  }
0x1ae: {  	[spmem:s13], [sflag:s28] =	dma.local [hbm:s22], $0x1000  }
0x1af: {  	_ =	swait.ge [sflag:s16], $0x1000  }
0x1b0: {  	[sflag:s16] =	ssyncset.done $0x0  }
0x1b1: {  	[sflag:s16] =	ssyncadd.s32 $0xFFFFF000  }
0x1b2: {  	[hbm:s20], [sflag:s29] =	dma.local [spmem:s26], $0x1000  }
0x1b3: {  	s21 =	rddreg [dreg:$0x13]  }
0x1b4: {  	[spmem:s17], [sflag:s30] =	dma.local [hbm:s21], $0x1000  }
0x1b5: {  	_ =	swait.ge [sflag:s14], $0x1000  }
0x1b6: {  	[sflag:s14] =	ssyncset.done $0x0  }
0x1b7: {  	s22 =	rddreg [dreg:$0x14];
	[sflag:s14] =	ssyncadd.s32 $0xFFFFF000  }
0x1b8: {  	[hbm:s22], [sflag:s31] =	dma.local [spmem:s13], $0x1000  }
0x1b9: {  	_ =	swait.ge [sflag:s5], $0x1000  }
0x1ba: {  	[sflag:s5] =	ssyncset.done $0x0  }
0x1bb: {  	s21 =	rddreg [dreg:$0x15];
	[sflag:s5] =	ssyncadd.s32 $0xFFFFF000  }
0x1bc: {  	[spmem:s26], [sflag:s11] =	dma.local [hbm:s21], $0x1000  }
0x1bd: {  	_ =	swait.ge [sflag:s18], $0x1000  }
0x1be: {  	[sflag:s18] =	ssyncset.done $0x0  }
0x1bf: {  	s22 =	rddreg [dreg:$0x16];
	[sflag:s18] =	ssyncadd.s32 $0xFFFFF000  }
0x1c0: {  	[hbm:s22], [sflag:s1] =	dma.local [spmem:s17], $0x1000  }
0x1c1: {  	_ =	swait.ge [sflag:s10], $0x1000  }
0x1c2: {  	[sflag:s10] =	ssyncset.done $0x0  }
0x1c3: {  	s21 =	rddreg [dreg:$0x17];
	[sflag:s10] =	ssyncadd.s32 $0xFFFFF000  }
0x1c4: {  	[spmem:s13], [sflag:s28] =	dma.local [hbm:s21], $0x1000  }
0x1c5: {  	_ =	swait.ge [sflag:s16], $0x1000  }
0x1c6: {  	[sflag:s16] =	ssyncset.done $0x0  }
0x1c7: {  	s22 =	rddreg [dreg:$0x18];
	[sflag:s16] =	ssyncadd.s32 $0xFFFFF000  }
0x1c8: {  	[hbm:s22], [sflag:s29] =	dma.local [spmem:s26], $0x1000  }
0x1c9: {  	_ =	swait.ge [sflag:s15], $0x1000  }
0x1ca: {  	[sflag:s15] =	ssyncset.done $0x0  }
0x1cb: {  	s21 =	rddreg [dreg:$0x19];
	[sflag:s15] =	ssyncadd.s32 $0xFFFFF000  }
0x1cc: {  	[spmem:s17], [sflag:s30] =	dma.local [hbm:s21], $0x1000  }
0x1cd: {  	_ =	swait.ge [sflag:s14], $0x1000  }
0x1ce: {  	[sflag:s14] =	ssyncset.done $0x0  }
0x1cf: {  	s22 =	rddreg [dreg:$0x1a];
	[sflag:s14] =	ssyncadd.s32 $0xFFFFF000  }
0x1d0: {  	[hbm:s22], [sflag:s31] =	dma.local [spmem:s13], $0x1000  }
0x1d1: {  	_ =	swait.ge [sflag:s5], $0x1000  }
0x1d2: {  	[sflag:s5] =	ssyncset.done $0x0  }
0x1d3: {  	s21 =	rddreg [dreg:$0x1b];
	[sflag:s5] =	ssyncadd.s32 $0xFFFFF000  }
0x1d4: {  	[spmem:s26], [sflag:s11] =	dma.local [hbm:s21], $0x1000  }
0x1d5: {  	_ =	swait.ge [sflag:s18], $0x1000  }
0x1d6: {  	[sflag:s18] =	ssyncset.done $0x0  }
0x1d7: {  	s22 =	rddreg [dreg:$0x1c];
	[sflag:s18] =	ssyncadd.s32 $0xFFFFF000  }
0x1d8: {  	[hbm:s22], [sflag:s1] =	dma.local [spmem:s17], $0x1000  }
0x1d9: {  	_ =	swait.ge [sflag:s10], $0x1000  }
0x1da: {  	[sflag:s10] =	ssyncset.done $0x0  }
0x1db: {  	s21 =	rddreg [dreg:$0x1d];
	[sflag:s10] =	ssyncadd.s32 $0xFFFFF000  }
0x1dc: {  	[spmem:s13], [sflag:s28] =	dma.local [hbm:s21], $0x1000  }
0x1dd: {  	_ =	swait.ge [sflag:s16], $0x1000  }
0x1de: {  	[sflag:s16] =	ssyncset.done $0x0  }
0x1df: {  	s22 =	rddreg [dreg:$0x1e];
	[sflag:s16] =	ssyncadd.s32 $0xFFFFF000  }
0x1e0: {  	[hbm:s22], [sflag:s29] =	dma.local [spmem:s26], $0x1000  }
0x1e1: {  	_ =	swait.ge [sflag:s15], $0x1000  }
0x1e2: {  	[sflag:s15] =	ssyncset.done $0x0  }
0x1e3: {  	s21 =	rddreg [dreg:$0x1f];
	[sflag:s15] =	ssyncadd.s32 $0xFFFFF000  }
0x1e4: {  	[spmem:s17], [sflag:s30] =	dma.local [hbm:s21], $0x1000  }
0x1e5: {  	_ =	swait.ge [sflag:s14], $0x1000  }
0x1e6: {  	s22 =	sld [smem:$0x7D1]  }
0x1e7: {  	[sflag:s14] =	ssyncset.done $0x0  }
0x1e8: {  	[sflag:s14] =	ssyncadd.s32 $0xFFFFF000  }
0x1e9: {  	[hbm:s22], [sflag:s31] =	dma.local [spmem:s13], $0x1000  }
0x1ea: {  	_ =	swait.ge [sflag:s5], $0x1000  }
0x1eb: {  	s21 =	sld [smem:$0x7D2]  }
0x1ec: {  	[sflag:s5] =	ssyncset.done $0x0  }
0x1ed: {  	[sflag:s5] =	ssyncadd.s32 $0xFFFFF000  }
0x1ee: {  	[spmem:s26], [sflag:s11] =	dma.local [hbm:s21], $0x1000  }
0x1ef: {  	_ =	swait.ge [sflag:s18], $0x1000  }
0x1f0: {  	s22 =	sld [smem:$0x7D3]  }
0x1f1: {  	[sflag:s18] =	ssyncset.done $0x0  }
0x1f2: {  	[sflag:s18] =	ssyncadd.s32 $0xFFFFF000  }
0x1f3: {  	[hbm:s22], [sflag:s1] =	dma.local [spmem:s17], $0x1000  }
0x1f4: {  	_ =	swait.ge [sflag:s10], $0x1000  }
0x1f5: {  	s21 =	sld [smem:$0x7D4]  }
0x1f6: {  	[sflag:s10] =	ssyncset.done $0x0  }
0x1f7: {  	[sflag:s10] =	ssyncadd.s32 $0xFFFFF000  }
0x1f8: {  	[spmem:s13], [sflag:s28] =	dma.local [hbm:s21], $0x1000  }
0x1f9: {  	_ =	swait.ge [sflag:s16], $0x1000  }
0x1fa: {  	s22 =	sld [smem:$0x7D5]  }
0x1fb: {  	[sflag:s16] =	ssyncset.done $0x0  }
0x1fc: {  	[sflag:s16] =	ssyncadd.s32 $0xFFFFF000  }
0x1fd: {  	[hbm:s22], [sflag:s29] =	dma.local [spmem:s26], $0x1000  }
0x1fe: {  	_ =	swait.ge [sflag:s15], $0x1000  }
0x1ff: {  	s21 =	sld [smem:$0x7D6]  }
0x200: {  	[sflag:s15] =	ssyncset.done $0x0  }
0x201: {  	[sflag:s15] =	ssyncadd.s32 $0xFFFFF000  }
0x202: {  	[spmem:s17], [sflag:s30] =	dma.local [hbm:s21], $0x1000  }
0x203: {  	_ =	swait.ge [sflag:s14], $0x1000  }
0x204: {  	s22 =	sld [smem:$0x7D7]  }
0x205: {  	[sflag:s14] =	ssyncset.done $0x0  }
0x206: {  	[sflag:s14] =	ssyncadd.s32 $0xFFFFF000  }
0x207: {  	[hbm:s22], [sflag:s31] =	dma.local [spmem:s13], $0x1000  }
0x208: {  	_ =	swait.ge [sflag:s5], $0x1000  }
0x209: {  	s21 =	sld [smem:$0x7D8]  }
0x20a: {  	[sflag:s5] =	ssyncset.done $0x0  }
0x20b: {  	[sflag:s5] =	ssyncadd.s32 $0xFFFFF000  }
0x20c: {  	[spmem:s26], [sflag:s11] =	dma.local [hbm:s21], $0x1000  }
0x20d: {  	_ =	swait.ge [sflag:s18], $0x1000  }
0x20e: {  	s22 =	sld [smem:$0x7D9]  }
0x20f: {  	[sflag:s18] =	ssyncset.done $0x0  }
0x210: {  	[sflag:s18] =	ssyncadd.s32 $0xFFFFF000  }
0x211: {  	[hbm:s22], [sflag:s1] =	dma.local [spmem:s17], $0x1000  }
0x212: {  	_ =	swait.ge [sflag:s10], $0x1000  }
0x213: {  	s21 =	sld [smem:$0x7DA]  }
0x214: {  	[sflag:s10] =	ssyncset.done $0x0  }
0x215: {  	[sflag:s10] =	ssyncadd.s32 $0xFFFFF000  }
0x216: {  	[spmem:s13], [sflag:s28] =	dma.local [hbm:s21], $0x1000  }
0x217: {  	_ =	swait.ge [sflag:s16], $0x1000  }
0x218: {  	s22 =	sld [smem:$0x7DB]  }
0x219: {  	[sflag:s16] =	ssyncset.done $0x0  }
0x21a: {  	[sflag:s16] =	ssyncadd.s32 $0xFFFFF000  }
0x21b: {  	[hbm:s22], [sflag:s29] =	dma.local [spmem:s26], $0x1000  }
0x21c: {  	_ =	swait.ge [sflag:s15], $0x1000  }
0x21d: {  	s21 =	sld [smem:$0x7DC]  }
0x21e: {  	[sflag:s15] =	ssyncset.done $0x0  }
0x21f: {  	[sflag:s15] =	ssyncadd.s32 $0xFFFFF000  }
0x220: {  	[spmem:s17], [sflag:s30] =	dma.local [hbm:s21], $0x1000  }
0x221: {  	_ =	swait.ge [sflag:s14], $0x1000  }
0x222: {  	s22 =	sld [smem:$0x7DD]  }
0x223: {  	[sflag:s14] =	ssyncset.done $0x0  }
0x224: {  	[sflag:s14] =	ssyncadd.s32 $0xFFFFF000  }
0x225: {  	[hbm:s22], [sflag:s31] =	dma.local [spmem:s13], $0x1000  }
0x226: {  	_ =	swait.ge [sflag:s5], $0x1000  }
0x227: {  	s21 =	sld [smem:$0x7DE]  }
0x228: {  	[sflag:s5] =	ssyncset.done $0x0  }
0x229: {  	[sflag:s5] =	ssyncadd.s32 $0xFFFFF000  }
0x22a: {  	[spmem:s26], [sflag:s11] =	dma.local [hbm:s21], $0x1000  }
0x22b: {  	_ =	swait.ge [sflag:s18], $0x1000  }
0x22c: {  	s22 =	sld [smem:$0x7DF]  }
0x22d: {  	[sflag:s18] =	ssyncset.done $0x0  }
0x22e: {  	[sflag:s18] =	ssyncadd.s32 $0xFFFFF000  }
0x22f: {  	[hbm:s22], [sflag:s1] =	dma.local [spmem:s17], $0x1000  }
0x230: {  	_ =	swait.ge [sflag:s10], $0x1000  }
0x231: {  	s21 =	sld [smem:$0x7E0]  }
0x232: {  	[sflag:s10] =	ssyncset.done $0x0  }
0x233: {  	[sflag:s10] =	ssyncadd.s32 $0xFFFFF000  }
0x234: {  	[spmem:s13], [sflag:s28] =	dma.local [hbm:s21], $0x1000  }
0x235: {  	_ =	swait.ge [sflag:s16], $0x1000  }
0x236: {  	s22 =	sld [smem:$0x7E1]  }
0x237: {  	[sflag:s16] =	ssyncset.done $0x0  }
0x238: {  	[sflag:s16] =	ssyncadd.s32 $0xFFFFF000  }
0x239: {  	[hbm:s22], [sflag:s29] =	dma.local [spmem:s26], $0x1000  }
0x23a: {  	_ =	swait.ge [sflag:s15], $0x1000  }
0x23b: {  	s21 =	sld [smem:$0x7E2]  }
0x23c: {  	[sflag:s15] =	ssyncset.done $0x0  }
0x23d: {  	[sflag:s15] =	ssyncadd.s32 $0xFFFFF000  }
0x23e: {  	[spmem:s17], [sflag:s30] =	dma.local [hbm:s21], $0x1000  }
0x23f: {  	_ =	swait.ge [sflag:s14], $0x1000  }
0x240: {  	s22 =	sld [smem:$0x7E3]  }
0x241: {  	[sflag:s14] =	ssyncset.done $0x0  }
0x242: {  	[sflag:s14] =	ssyncadd.s32 $0xFFFFF000  }
0x243: {  	[hbm:s22], [sflag:s31] =	dma.local [spmem:s13], $0x1000  }
0x244: {  	_ =	swait.ge [sflag:s5], $0x1000  }
0x245: {  	s21 =	sld [smem:$0x7E4]  }
0x246: {  	[sflag:s5] =	ssyncset.done $0x0  }
0x247: {  	[sflag:s5] =	ssyncadd.s32 $0xFFFFF000  }
0x248: {  	[spmem:s26], [sflag:s11] =	dma.local [hbm:s21], $0x1000  }
0x249: {  	_ =	swait.ge [sflag:s18], $0x1000  }
0x24a: {  	s22 =	sld [smem:$0x7E5]  }
0x24b: {  	[sflag:s18] =	ssyncset.done $0x0  }
0x24c: {  	[sflag:s18] =	ssyncadd.s32 $0xFFFFF000  }
0x24d: {  	[hbm:s22], [sflag:s1] =	dma.local [spmem:s17], $0x1000  }
0x24e: {  	_ =	swait.ge [sflag:s10], $0x1000  }
0x24f: {  	s21 =	sld [smem:$0x7E6]  }
0x250: {  	[sflag:s10] =	ssyncset.done $0x0  }
0x251: {  	[sflag:s10] =	ssyncadd.s32 $0xFFFFF000  }
0x252: {  	[spmem:s13], [sflag:s28] =	dma.local [hbm:s21], $0x1000  }
0x253: {  	_ =	swait.ge [sflag:s16], $0x1000  }
0x254: {  	s22 =	sld [smem:$0x7E7]  }
0x255: {  	[sflag:s16] =	ssyncset.done $0x0  }
0x256: {  	[sflag:s16] =	ssyncadd.s32 $0xFFFFF000  }
0x257: {  	[hbm:s22], [sflag:s29] =	dma.local [spmem:s26], $0x1000  }
0x258: {  	_ =	swait.ge [sflag:s15], $0x1000  }
0x259: {  	s21 =	sld [smem:$0x7E8]  }
0x25a: {  	[sflag:s15] =	ssyncset.done $0x0  }
0x25b: {  	[sflag:s15] =	ssyncadd.s32 $0xFFFFF000  }
0x25c: {  	[spmem:s17], [sflag:s30] =	dma.local [hbm:s21], $0x1000  }
0x25d: {  	_ =	swait.ge [sflag:s14], $0x1000  }
0x25e: {  	s22 =	sld [smem:$0x7E9]  }
0x25f: {  	[sflag:s14] =	ssyncset.done $0x0  }
0x260: {  	[sflag:s14] =	ssyncadd.s32 $0xFFFFF000  }
0x261: {  	[hbm:s22], [sflag:s31] =	dma.local [spmem:s13], $0x1000  }
0x262: {  	_ =	swait.ge [sflag:s5], $0x1000  }
0x263: {  	s21 =	sld [smem:$0x7EA]  }
0x264: {  	[sflag:s5] =	ssyncset.done $0x0  }
0x265: {  	[sflag:s5] =	ssyncadd.s32 $0xFFFFF000  }
0x266: {  	[spmem:s26], [sflag:s11] =	dma.local [hbm:s21], $0x1000  }
0x267: {  	_ =	swait.ge [sflag:s18], $0x1000  }
0x268: {  	s22 =	sld [smem:$0x7EB]  }
0x269: {  	[sflag:s18] =	ssyncset.done $0x0  }
0x26a: {  	[sflag:s18] =	ssyncadd.s32 $0xFFFFF000  }
0x26b: {  	[hbm:s22], [sflag:s1] =	dma.local [spmem:s17], $0x1000  }
0x26c: {  	_ =	swait.ge [sflag:s10], $0x1000  }
0x26d: {  	s21 =	sld [smem:$0x7EC]  }
0x26e: {  	[sflag:s10] =	ssyncset.done $0x0  }
0x26f: {  	[sflag:s10] =	ssyncadd.s32 $0xFFFFF000  }
0x270: {  	[spmem:s13], [sflag:s28] =	dma.local [hbm:s21], $0x1000  }
0x271: {  	_ =	swait.ge [sflag:s16], $0x1000  }
0x272: {  	s22 =	sld [smem:$0x7ED]  }
0x273: {  	[sflag:s16] =	ssyncset.done $0x0  }
0x274: {  	[sflag:s16] =	ssyncadd.s32 $0xFFFFF000  }
0x275: {  	[hbm:s22], [sflag:s29] =	dma.local [spmem:s26], $0x1000  }
0x276: {  	_ =	swait.ge [sflag:s15], $0x1000  }
0x277: {  	s21 =	sld [smem:$0x7EE]  }
0x278: {  	[sflag:s15] =	ssyncset.done $0x0  }
0x279: {  	[sflag:s15] =	ssyncadd.s32 $0xFFFFF000  }
0x27a: {  	[spmem:s17], [sflag:s30] =	dma.local [hbm:s21], $0x1000  }
0x27b: {  	_ =	swait.ge [sflag:s14], $0x1000  }
0x27c: {  	s22 =	sld [smem:$0x7EF]  }
0x27d: {  	[sflag:s14] =	ssyncset.done $0x0  }
0x27e: {  	[sflag:s14] =	ssyncadd.s32 $0xFFFFF000  }
0x27f: {  	[hbm:s22], [sflag:s31] =	dma.local [spmem:s13], $0x1000  }
0x280: {  	_ =	swait.ge [sflag:s5], $0x1000  }
0x281: {  	s21 =	sld [smem:$0x7F0]  }
0x282: {  	[sflag:s5] =	ssyncset.done $0x0  }
0x283: {  	[sflag:s5] =	ssyncadd.s32 $0xFFFFF000  }
0x284: {  	[spmem:s26], [sflag:s11] =	dma.local [hbm:s21], $0x1000  }
0x285: {  	_ =	swait.ge [sflag:s18], $0x1000  }
0x286: {  	s22 =	sld [smem:$0x7F1]  }
0x287: {  	[sflag:s18] =	ssyncset.done $0x0  }
0x288: {  	[sflag:s18] =	ssyncadd.s32 $0xFFFFF000  }
0x289: {  	[hbm:s22], [sflag:s1] =	dma.local [spmem:s17], $0x1000  }
0x28a: {  	_ =	swait.ge [sflag:s10], $0x1000  }
0x28b: {  	s21 =	sld [smem:$0x7F2]  }
0x28c: {  	[sflag:s10] =	ssyncset.done $0x0  }
0x28d: {  	[sflag:s10] =	ssyncadd.s32 $0xFFFFF000  }
0x28e: {  	[spmem:s13], [sflag:s28] =	dma.local [hbm:s21], $0x1000  }
0x28f: {  	_ =	swait.ge [sflag:s16], $0x1000  }
0x290: {  	s22 =	sld [smem:$0x7F3]  }
0x291: {  	[sflag:s16] =	ssyncset.done $0x0  }
0x292: {  	[sflag:s16] =	ssyncadd.s32 $0xFFFFF000  }
0x293: {  	[hbm:s22], [sflag:s29] =	dma.local [spmem:s26], $0x1000  }
0x294: {  	_ =	swait.ge [sflag:s15], $0x1000  }
0x295: {  	s21 =	sld [smem:$0x7F4]  }
0x296: {  	[sflag:s15] =	ssyncset.done $0x0  }
0x297: {  	[sflag:s15] =	ssyncadd.s32 $0xFFFFF000  }
0x298: {  	[spmem:s17], [sflag:s30] =	dma.local [hbm:s21], $0x1000  }
0x299: {  	_ =	swait.ge [sflag:s14], $0x1000  }
0x29a: {  	s22 =	sld [smem:$0x7F5]  }
0x29b: {  	[sflag:s14] =	ssyncset.done $0x0  }
0x29c: {  	[sflag:s14] =	ssyncadd.s32 $0xFFFFF000  }
0x29d: {  	[hbm:s22], [sflag:s31] =	dma.local [spmem:s13], $0x1000  }
0x29e: {  	_ =	swait.ge [sflag:s5], $0x1000  }
0x29f: {  	s21 =	sld [smem:$0x7F6]  }
0x2a0: {  	[sflag:s5] =	ssyncset.done $0x0  }
0x2a1: {  	[sflag:s5] =	ssyncadd.s32 $0xFFFFF000  }
0x2a2: {  	[spmem:s26], [sflag:s11] =	dma.local [hbm:s21], $0x1000  }
0x2a3: {  	_ =	swait.ge [sflag:s18], $0x1000  }
0x2a4: {  	s22 =	sld [smem:$0x7F7]  }
0x2a5: {  	[sflag:s18] =	ssyncset.done $0x0  }
0x2a6: {  	[sflag:s18] =	ssyncadd.s32 $0xFFFFF000  }
0x2a7: {  	[hbm:s22], [sflag:s1] =	dma.local [spmem:s17], $0x1000  }
0x2a8: {  	_ =	swait.ge [sflag:s10], $0x1000  }
0x2a9: {  	s21 =	sld [smem:$0x7F8]  }
0x2aa: {  	[sflag:s10] =	ssyncset.done $0x0  }
0x2ab: {  	[sflag:s10] =	ssyncadd.s32 $0xFFFFF000  }
0x2ac: {  	[spmem:s13], [sflag:s28] =	dma.local [hbm:s21], $0x1000  }
0x2ad: {  	_ =	swait.ge [sflag:s16], $0x1000  }
0x2ae: {  	s22 =	sld [smem:$0x7F9]  }
0x2af: {  	[sflag:s16] =	ssyncset.done $0x0  }
0x2b0: {  	[sflag:s16] =	ssyncadd.s32 $0xFFFFF000  }
0x2b1: {  	[hbm:s22], [sflag:s29] =	dma.local [spmem:s26], $0x1000  }
0x2b2: {  	_ =	swait.ge [sflag:s15], $0x1000  }
0x2b3: {  	s21 =	sld [smem:$0x7FA]  }
0x2b4: {  	[sflag:s15] =	ssyncset.done $0x0  }
0x2b5: {  	[sflag:s15] =	ssyncadd.s32 $0xFFFFF000  }
0x2b6: {  	[spmem:s17], [sflag:s30] =	dma.local [hbm:s21], $0x1000  }
0x2b7: {  	_ =	swait.ge [sflag:s14], $0x1000  }
0x2b8: {  	s22 =	sld [smem:$0x7FB]  }
0x2b9: {  	[sflag:s14] =	ssyncset.done $0x0  }
0x2ba: {  	[sflag:s14] =	ssyncadd.s32 $0xFFFFF000  }
0x2bb: {  	[hbm:s22], [sflag:s31] =	dma.local [spmem:s13], $0x1000  }
0x2bc: {  	_ =	swait.ge [sflag:s5], $0x1000  }
0x2bd: {  	s21 =	sld [smem:$0x7FC]  }
0x2be: {  	[sflag:s5] =	ssyncset.done $0x0  }
0x2bf: {  	[sflag:s5] =	ssyncadd.s32 $0xFFFFF000  }
0x2c0: {  	[spmem:s26], [sflag:s11] =	dma.local [hbm:s21], $0x1000  }
0x2c1: {  	_ =	swait.ge [sflag:s18], $0x1000  }
0x2c2: {  	s22 =	sld [smem:$0x7FD]  }
0x2c3: {  	[sflag:s18] =	ssyncset.done $0x0  }
0x2c4: {  	[sflag:s18] =	ssyncadd.s32 $0xFFFFF000  }
0x2c5: {  	[hbm:s22], [sflag:s1] =	dma.local [spmem:s17], $0x1000  }
0x2c6: {  	_ =	swait.ge [sflag:s10], $0x1000  }
0x2c7: {  	[sflag:s10] =	ssyncset.done $0x0  }
0x2c8: {  	[sflag:s10] =	ssyncadd.s32 $0xFFFFF000  }
0x2c9: {  	[spmem:s13], [sflag:s28] =	dma.local [hbm:s12], $0x1000  }
0x2ca: {  	_ =	swait.ge [sflag:s16], $0x1000  }
0x2cb: {  	[sflag:s16] =	ssyncset.done $0x0  }
0x2cc: {  	[sflag:s16] =	ssyncadd.s32 $0xFFFFF000  }
0x2cd: {  	[hbm:s9], [sflag:s29] =	dma.local [spmem:s26], $0x1000  }
0x2ce: {  	_ =	swait.ge [sflag:s14], $0x1000  }
0x2cf: {  	[sflag:s14] =	ssyncset.done $0x0  }
0x2d0: {  	[sflag:s14] =	ssyncadd.s32 $0xFFFFF000  }
0x2d1: {  	[hbm:s8], [sflag:s31] =	dma.local [spmem:s13], $0x1000  }
0x2d2: {  	_ =	swait.ge [sflag:s15], $0x1000  }
0x2d3: {  	[sflag:s15] =	ssyncset.done $0x0  }
0x2d4: {  	[sflag:s15] =	ssyncadd.s32 $0xFFFFF000  }
0x2d5: {  	_ =	swait.ge [sflag:s5], $0x1000  }
0x2d6: {  	[sflag:s5] =	ssyncset.done $0x0  }
0x2d7: {  	[sflag:s5] =	ssyncadd.s32 $0xFFFFF000  }
0x2d8: {  	_ =	swait.ge [sflag:s10], $0x1000  }
0x2d9: {  	[sflag:s10] =	ssyncset.done $0x0  }
0x2da: {  	[sflag:s10] =	ssyncadd.s32 $0xFFFFF000  }
0x2db: {  	_ =	swait.ge [sflag:s6], $0x4  }
0x2dc: {  	[sflag:s6] =	ssyncset.done $0x0  }
0x2dd: {  	[sflag:s6] =	ssyncadd.s32 $0xFFFFFFFC  }
0x2de: {  	_ =	swait.ge [sflag:s6], $0x80  }
0x2df: {  	[sflag:s6] =	ssyncset.done $0x0  }
0x2e0: {  	[sflag:s6] =	ssyncadd.s32 $0xFFFFFF80  }
0x2e1: {  	_ =	swait.ge [sflag:s6], $0x80  }
0x2e2: {  	[sflag:s6] =	ssyncset.done $0x0  }
0x2e3: {  	[sflag:s6] =	ssyncadd.s32 $0xFFFFFF80  }
0x2e4: {  	_ =	swait.ge [sflag:s6], $0x80  }
0x2e5: {  	[sflag:s6] =	ssyncset.done $0x0  }
0x2e6: {  	[sflag:s6] =	ssyncadd.s32 $0xFFFFFF80  }
0x2e7: {  	p1 =	sne.s32 s0, $0x1;
	_ =	swait.ge [sflag:s6], $0x80  }
.Ltmp2:
0x2e8: {  	[sflag:s6] =	ssyncset.done $0x0;
	(pc) =	sbr.rel @p1 .LBB2_4-.Ltmp2, $4  }
0x2e9: {  	[sflag:s6] =	ssyncadd.s32 $0xFFFFFF80  }
0x2ea: {  	[hbm4b:s23+s5] =	stream.indirect.scatter [tilespmem:s4], [sflag:$0x7], $0x80, s3, s5, $0xb8;
	[tilespmem:$0x18280] =	vst v63  }
0x2eb: {  	s0 =	sadd.s32 $0xFFFFFFFF, s0;
	_ =	swait.ge [sflag:s7], $0x200  }
0x2ec: {  	s2 =	smov.u32 s23;
	s22 =	rddreg [dreg:$0xc];
	[sflag:s7] =	ssyncset.done $0x0  }
0x2ed: {  	s28 =	rddreg [dreg:$0xb]  }
0x2ee: {  	s21 =	sld [smem:$0x7D0]  }
0x2ef: {  	s26 =	stileid.u32;
	s29 =	sld [smem:$0x7CF]  }
0x2f0: {  	s24 =	simm.s32 $0x18200;
	s25 =	simm.s32 $0x18100;
	s30 =	simm.s32 $0x18180  }
.LBB2_6:
0x2f1: {  	[sflag:s7] =	ssyncadd.s32 @p0 $0xFFFFFE00;
	s0 =	rddreg [dreg:$0xd]  }
0x2f2: {  	[tilespmem:s3], [sflag:$0x8] =	stream.linear.gather [hbm4b:s22+s19], $0x4, $0x38;
	[tilespmem:$0x18280] =	vst v63  }
0x2f3: {  	s1 =	rddreg [dreg:$0xe]  }
0x2f4: {  	[tilespmem:s4], [sflag:$0x8] =	stream.linear.gather [hbm4b:s0+s19], $0x80, $0x38;
	[tilespmem:$0x18280] =	vst v63  }
0x2f5: {  	s2 =	rddreg [dreg:$0x11]  }
0x2f6: {  	[tilespmem:s25], [sflag:$0x8] =	stream.linear.gather [hbm4b:s1+s19], $0x80, $0x38;
	[tilespmem:$0x18280] =	vst v63  }
0x2f7: {  	s22 =	rddreg [dreg:$0xf]  }
0x2f8: {  	[tilespmem:s30], [sflag:$0x8] =	stream.linear.gather [hbm4b:s22+s19], $0x80, $0x38;
	[tilespmem:$0x18280] =	vst v63  }
0x2f9: {  	s0 =	sshrl.u32 s29, $0x3;
	s25 =	rddreg [dreg:$0x10]  }
0x2fa: {  	[tilespmem:s24], [sflag:$0x8] =	stream.linear.gather [hbm4b:s25+s19], $0x80, $0x38;
	[tilespmem:$0x18280] =	vst v63  }
0x2fb: {  	[spmem:s0], [sflag:s11] =	dma.local [hbm:s2], $0x1000  }
0x2fc: {  	s1 =	sor.u32 $0x1C02, s21;
	s2 =	rddreg [dreg:$0x12]  }
0x2fd: {  	[spmem:s13], [sflag:s1] =	dma.local [hbm:s2], $0x1000  }
0x2fe: {  	_ =	swait.ge [sflag:s16], $0x1000  }
0x2ff: {  	[sflag:s16] =	ssyncset.done $0x0  }
0x300: {  	s19 =	sor.u32 $0x1C04, s21;
	[sflag:s16] =	ssyncadd.s32 $0xFFFFF000  }
0x301: {  	[hbm:s20], [sflag:s19] =	dma.local [spmem:s0], $0x1000  }
0x302: {  	s22 =	sor.u32 $0x1C03, s21;
	s29 =	rddreg [dreg:$0x13]  }
0x303: {  	[spmem:s17], [sflag:s22] =	dma.local [hbm:s29], $0x1000  }
0x304: {  	_ =	swait.ge [sflag:s14], $0x1000  }
0x305: {  	[sflag:s14] =	ssyncset.done $0x0  }
0x306: {  	s20 =	sor.u32 $0x1C05, s21;
	s30 =	rddreg [dreg:$0x14];
	[sflag:s14] =	ssyncadd.s32 $0xFFFFF000  }
0x307: {  	[hbm:s30], [sflag:s20] =	dma.local [spmem:s13], $0x1000  }
0x308: {  	_ =	swait.ge [sflag:s5], $0x1000  }
0x309: {  	[sflag:s5] =	ssyncset.done $0x0  }
0x30a: {  	s31 =	rddreg [dreg:$0x15];
	[sflag:s5] =	ssyncadd.s32 $0xFFFFF000  }
0x30b: {  	[spmem:s0], [sflag:s11] =	dma.local [hbm:s31], $0x1000  }
0x30c: {  	_ =	swait.ge [sflag:s18], $0x1000  }
0x30d: {  	[sflag:s18] =	ssyncset.done $0x0  }
0x30e: {  	s21 =	sor.u32 $0x1C06, s21;
	s24 =	rddreg [dreg:$0x16];
	[sflag:s18] =	ssyncadd.s32 $0xFFFFF000  }
0x30f: {  	[hbm:s24], [sflag:s21] =	dma.local [spmem:s17], $0x1000  }
0x310: {  	_ =	swait.ge [sflag:s10], $0x1000  }
0x311: {  	[sflag:s10] =	ssyncset.done $0x0  }
0x312: {  	s25 =	rddreg [dreg:$0x17];
	[sflag:s10] =	ssyncadd.s32 $0xFFFFF000  }
0x313: {  	[spmem:s13], [sflag:s1] =	dma.local [hbm:s25], $0x1000  }
0x314: {  	_ =	swait.ge [sflag:s16], $0x1000  }
0x315: {  	[sflag:s16] =	ssyncset.done $0x0  }
0x316: {  	s29 =	rddreg [dreg:$0x18];
	[sflag:s16] =	ssyncadd.s32 $0xFFFFF000  }
0x317: {  	[hbm:s29], [sflag:s19] =	dma.local [spmem:s0], $0x1000  }
0x318: {  	_ =	swait.ge [sflag:s15], $0x1000  }
0x319: {  	[sflag:s15] =	ssyncset.done $0x0  }
0x31a: {  	s30 =	rddreg [dreg:$0x19];
	[sflag:s15] =	ssyncadd.s32 $0xFFFFF000  }
0x31b: {  	[spmem:s17], [sflag:s22] =	dma.local [hbm:s30], $0x1000  }
0x31c: {  	_ =	swait.ge [sflag:s14], $0x1000  }
0x31d: {  	[sflag:s14] =	ssyncset.done $0x0  }
0x31e: {  	s31 =	rddreg [dreg:$0x1a];
	[sflag:s14] =	ssyncadd.s32 $0xFFFFF000  }
0x31f: {  	[hbm:s31], [sflag:s20] =	dma.local [spmem:s13], $0x1000  }
0x320: {  	_ =	swait.ge [sflag:s5], $0x1000  }
0x321: {  	[sflag:s5] =	ssyncset.done $0x0  }
0x322: {  	s24 =	rddreg [dreg:$0x1b];
	[sflag:s5] =	ssyncadd.s32 $0xFFFFF000  }
0x323: {  	[spmem:s0], [sflag:s11] =	dma.local [hbm:s24], $0x1000  }
0x324: {  	_ =	swait.ge [sflag:s18], $0x1000  }
0x325: {  	[sflag:s18] =	ssyncset.done $0x0  }
0x326: {  	s25 =	rddreg [dreg:$0x1c];
	[sflag:s18] =	ssyncadd.s32 $0xFFFFF000  }
0x327: {  	[hbm:s25], [sflag:s21] =	dma.local [spmem:s17], $0x1000  }
0x328: {  	_ =	swait.ge [sflag:s10], $0x1000  }
0x329: {  	[sflag:s10] =	ssyncset.done $0x0  }
0x32a: {  	s29 =	rddreg [dreg:$0x1d];
	[sflag:s10] =	ssyncadd.s32 $0xFFFFF000  }
0x32b: {  	[spmem:s13], [sflag:s1] =	dma.local [hbm:s29], $0x1000  }
0x32c: {  	_ =	swait.ge [sflag:s16], $0x1000  }
0x32d: {  	[sflag:s16] =	ssyncset.done $0x0  }
0x32e: {  	s30 =	rddreg [dreg:$0x1e];
	[sflag:s16] =	ssyncadd.s32 $0xFFFFF000  }
0x32f: {  	[hbm:s30], [sflag:s19] =	dma.local [spmem:s0], $0x1000  }
0x330: {  	_ =	swait.ge [sflag:s15], $0x1000  }
0x331: {  	[sflag:s15] =	ssyncset.done $0x0  }
0x332: {  	s31 =	rddreg [dreg:$0x1f];
	[sflag:s15] =	ssyncadd.s32 $0xFFFFF000  }
0x333: {  	[spmem:s17], [sflag:s22] =	dma.local [hbm:s31], $0x1000  }
0x334: {  	_ =	swait.ge [sflag:s14], $0x1000  }
0x335: {  	s24 =	sld [smem:$0x7D1]  }
0x336: {  	[sflag:s14] =	ssyncset.done $0x0  }
0x337: {  	[sflag:s14] =	ssyncadd.s32 $0xFFFFF000  }
0x338: {  	[hbm:s24], [sflag:s20] =	dma.local [spmem:s13], $0x1000  }
0x339: {  	_ =	swait.ge [sflag:s5], $0x1000  }
0x33a: {  	s25 =	sld [smem:$0x7D2]  }
0x33b: {  	[sflag:s5] =	ssyncset.done $0x0  }
0x33c: {  	[sflag:s5] =	ssyncadd.s32 $0xFFFFF000  }
0x33d: {  	[spmem:s0], [sflag:s11] =	dma.local [hbm:s25], $0x1000  }
0x33e: {  	_ =	swait.ge [sflag:s18], $0x1000  }
0x33f: {  	s29 =	sld [smem:$0x7D3]  }
0x340: {  	[sflag:s18] =	ssyncset.done $0x0  }
0x341: {  	[sflag:s18] =	ssyncadd.s32 $0xFFFFF000  }
0x342: {  	[hbm:s29], [sflag:s21] =	dma.local [spmem:s17], $0x1000  }
0x343: {  	_ =	swait.ge [sflag:s10], $0x1000  }
0x344: {  	s30 =	sld [smem:$0x7D4]  }
0x345: {  	[sflag:s10] =	ssyncset.done $0x0  }
0x346: {  	[sflag:s10] =	ssyncadd.s32 $0xFFFFF000  }
0x347: {  	[spmem:s13], [sflag:s1] =	dma.local [hbm:s30], $0x1000  }
0x348: {  	_ =	swait.ge [sflag:s16], $0x1000  }
0x349: {  	s31 =	sld [smem:$0x7D5]  }
0x34a: {  	[sflag:s16] =	ssyncset.done $0x0  }
0x34b: {  	[sflag:s16] =	ssyncadd.s32 $0xFFFFF000  }
0x34c: {  	[hbm:s31], [sflag:s19] =	dma.local [spmem:s0], $0x1000  }
0x34d: {  	_ =	swait.ge [sflag:s15], $0x1000  }
0x34e: {  	s24 =	sld [smem:$0x7D6]  }
0x34f: {  	[sflag:s15] =	ssyncset.done $0x0  }
0x350: {  	[sflag:s15] =	ssyncadd.s32 $0xFFFFF000  }
0x351: {  	[spmem:s17], [sflag:s22] =	dma.local [hbm:s24], $0x1000  }
0x352: {  	_ =	swait.ge [sflag:s14], $0x1000  }
0x353: {  	s25 =	sld [smem:$0x7D7]  }
0x354: {  	[sflag:s14] =	ssyncset.done $0x0  }
0x355: {  	[sflag:s14] =	ssyncadd.s32 $0xFFFFF000  }
0x356: {  	[hbm:s25], [sflag:s20] =	dma.local [spmem:s13], $0x1000  }
0x357: {  	_ =	swait.ge [sflag:s5], $0x1000  }
0x358: {  	s29 =	sld [smem:$0x7D8]  }
0x359: {  	[sflag:s5] =	ssyncset.done $0x0  }
0x35a: {  	[sflag:s5] =	ssyncadd.s32 $0xFFFFF000  }
0x35b: {  	[spmem:s0], [sflag:s11] =	dma.local [hbm:s29], $0x1000  }
0x35c: {  	_ =	swait.ge [sflag:s18], $0x1000  }
0x35d: {  	s30 =	sld [smem:$0x7D9]  }
0x35e: {  	[sflag:s18] =	ssyncset.done $0x0  }
0x35f: {  	[sflag:s18] =	ssyncadd.s32 $0xFFFFF000  }
0x360: {  	[hbm:s30], [sflag:s21] =	dma.local [spmem:s17], $0x1000  }
0x361: {  	_ =	swait.ge [sflag:s10], $0x1000  }
0x362: {  	s31 =	sld [smem:$0x7DA]  }
0x363: {  	[sflag:s10] =	ssyncset.done $0x0  }
0x364: {  	[sflag:s10] =	ssyncadd.s32 $0xFFFFF000  }
0x365: {  	[spmem:s13], [sflag:s1] =	dma.local [hbm:s31], $0x1000  }
0x366: {  	_ =	swait.ge [sflag:s16], $0x1000  }
0x367: {  	s24 =	sld [smem:$0x7DB]  }
0x368: {  	[sflag:s16] =	ssyncset.done $0x0  }
0x369: {  	[sflag:s16] =	ssyncadd.s32 $0xFFFFF000  }
0x36a: {  	[hbm:s24], [sflag:s19] =	dma.local [spmem:s0], $0x1000  }
0x36b: {  	_ =	swait.ge [sflag:s15], $0x1000  }
0x36c: {  	s25 =	sld [smem:$0x7DC]  }
0x36d: {  	[sflag:s15] =	ssyncset.done $0x0  }
0x36e: {  	[sflag:s15] =	ssyncadd.s32 $0xFFFFF000  }
0x36f: {  	[spmem:s17], [sflag:s22] =	dma.local [hbm:s25], $0x1000  }
0x370: {  	_ =	swait.ge [sflag:s14], $0x1000  }
0x371: {  	s29 =	sld [smem:$0x7DD]  }
0x372: {  	[sflag:s14] =	ssyncset.done $0x0  }
0x373: {  	[sflag:s14] =	ssyncadd.s32 $0xFFFFF000  }
0x374: {  	[hbm:s29], [sflag:s20] =	dma.local [spmem:s13], $0x1000  }
0x375: {  	_ =	swait.ge [sflag:s5], $0x1000  }
0x376: {  	s30 =	sld [smem:$0x7DE]  }
0x377: {  	[sflag:s5] =	ssyncset.done $0x0  }
0x378: {  	[sflag:s5] =	ssyncadd.s32 $0xFFFFF000  }
0x379: {  	[spmem:s0], [sflag:s11] =	dma.local [hbm:s30], $0x1000  }
0x37a: {  	_ =	swait.ge [sflag:s18], $0x1000  }
0x37b: {  	s31 =	sld [smem:$0x7DF]  }
0x37c: {  	[sflag:s18] =	ssyncset.done $0x0  }
0x37d: {  	[sflag:s18] =	ssyncadd.s32 $0xFFFFF000  }
0x37e: {  	[hbm:s31], [sflag:s21] =	dma.local [spmem:s17], $0x1000  }
0x37f: {  	_ =	swait.ge [sflag:s10], $0x1000  }
0x380: {  	s24 =	sld [smem:$0x7E0]  }
0x381: {  	[sflag:s10] =	ssyncset.done $0x0  }
0x382: {  	[sflag:s10] =	ssyncadd.s32 $0xFFFFF000  }
0x383: {  	[spmem:s13], [sflag:s1] =	dma.local [hbm:s24], $0x1000  }
0x384: {  	_ =	swait.ge [sflag:s16], $0x1000  }
0x385: {  	s25 =	sld [smem:$0x7E1]  }
0x386: {  	[sflag:s16] =	ssyncset.done $0x0  }
0x387: {  	[sflag:s16] =	ssyncadd.s32 $0xFFFFF000  }
0x388: {  	[hbm:s25], [sflag:s19] =	dma.local [spmem:s0], $0x1000  }
0x389: {  	_ =	swait.ge [sflag:s15], $0x1000  }
0x38a: {  	s29 =	sld [smem:$0x7E2]  }
0x38b: {  	[sflag:s15] =	ssyncset.done $0x0  }
0x38c: {  	[sflag:s15] =	ssyncadd.s32 $0xFFFFF000  }
0x38d: {  	[spmem:s17], [sflag:s22] =	dma.local [hbm:s29], $0x1000  }
0x38e: {  	_ =	swait.ge [sflag:s14], $0x1000  }
0x38f: {  	s30 =	sld [smem:$0x7E3]  }
0x390: {  	[sflag:s14] =	ssyncset.done $0x0  }
0x391: {  	[sflag:s14] =	ssyncadd.s32 $0xFFFFF000  }
0x392: {  	[hbm:s30], [sflag:s20] =	dma.local [spmem:s13], $0x1000  }
0x393: {  	_ =	swait.ge [sflag:s5], $0x1000  }
0x394: {  	s31 =	sld [smem:$0x7E4]  }
0x395: {  	[sflag:s5] =	ssyncset.done $0x0  }
0x396: {  	[sflag:s5] =	ssyncadd.s32 $0xFFFFF000  }
0x397: {  	[spmem:s0], [sflag:s11] =	dma.local [hbm:s31], $0x1000  }
0x398: {  	_ =	swait.ge [sflag:s18], $0x1000  }
0x399: {  	s24 =	sld [smem:$0x7E5]  }
0x39a: {  	[sflag:s18] =	ssyncset.done $0x0  }
0x39b: {  	[sflag:s18] =	ssyncadd.s32 $0xFFFFF000  }
0x39c: {  	[hbm:s24], [sflag:s21] =	dma.local [spmem:s17], $0x1000  }
0x39d: {  	_ =	swait.ge [sflag:s10], $0x1000  }
0x39e: {  	s25 =	sld [smem:$0x7E6]  }
0x39f: {  	[sflag:s10] =	ssyncset.done $0x0  }
0x3a0: {  	[sflag:s10] =	ssyncadd.s32 $0xFFFFF000  }
0x3a1: {  	[spmem:s13], [sflag:s1] =	dma.local [hbm:s25], $0x1000  }
0x3a2: {  	_ =	swait.ge [sflag:s16], $0x1000  }
0x3a3: {  	s29 =	sld [smem:$0x7E7]  }
0x3a4: {  	[sflag:s16] =	ssyncset.done $0x0  }
0x3a5: {  	[sflag:s16] =	ssyncadd.s32 $0xFFFFF000  }
0x3a6: {  	[hbm:s29], [sflag:s19] =	dma.local [spmem:s0], $0x1000  }
0x3a7: {  	_ =	swait.ge [sflag:s15], $0x1000  }
0x3a8: {  	s30 =	sld [smem:$0x7E8]  }
0x3a9: {  	[sflag:s15] =	ssyncset.done $0x0  }
0x3aa: {  	[sflag:s15] =	ssyncadd.s32 $0xFFFFF000  }
0x3ab: {  	[spmem:s17], [sflag:s22] =	dma.local [hbm:s30], $0x1000  }
0x3ac: {  	_ =	swait.ge [sflag:s14], $0x1000  }
0x3ad: {  	s31 =	sld [smem:$0x7E9]  }
0x3ae: {  	[sflag:s14] =	ssyncset.done $0x0  }
0x3af: {  	[sflag:s14] =	ssyncadd.s32 $0xFFFFF000  }
0x3b0: {  	[hbm:s31], [sflag:s20] =	dma.local [spmem:s13], $0x1000  }
0x3b1: {  	_ =	swait.ge [sflag:s5], $0x1000  }
0x3b2: {  	s24 =	sld [smem:$0x7EA]  }
0x3b3: {  	[sflag:s5] =	ssyncset.done $0x0  }
0x3b4: {  	[sflag:s5] =	ssyncadd.s32 $0xFFFFF000  }
0x3b5: {  	[spmem:s0], [sflag:s11] =	dma.local [hbm:s24], $0x1000  }
0x3b6: {  	_ =	swait.ge [sflag:s18], $0x1000  }
0x3b7: {  	s25 =	sld [smem:$0x7EB]  }
0x3b8: {  	[sflag:s18] =	ssyncset.done $0x0  }
0x3b9: {  	[sflag:s18] =	ssyncadd.s32 $0xFFFFF000  }
0x3ba: {  	[hbm:s25], [sflag:s21] =	dma.local [spmem:s17], $0x1000  }
0x3bb: {  	_ =	swait.ge [sflag:s10], $0x1000  }
0x3bc: {  	s29 =	sld [smem:$0x7EC]  }
0x3bd: {  	[sflag:s10] =	ssyncset.done $0x0  }
0x3be: {  	[sflag:s10] =	ssyncadd.s32 $0xFFFFF000  }
0x3bf: {  	[spmem:s13], [sflag:s1] =	dma.local [hbm:s29], $0x1000  }
0x3c0: {  	_ =	swait.ge [sflag:s16], $0x1000  }
0x3c1: {  	s30 =	sld [smem:$0x7ED]  }
0x3c2: {  	[sflag:s16] =	ssyncset.done $0x0  }
0x3c3: {  	[sflag:s16] =	ssyncadd.s32 $0xFFFFF000  }
0x3c4: {  	[hbm:s30], [sflag:s19] =	dma.local [spmem:s0], $0x1000  }
0x3c5: {  	_ =	swait.ge [sflag:s15], $0x1000  }
0x3c6: {  	s31 =	sld [smem:$0x7EE]  }
0x3c7: {  	[sflag:s15] =	ssyncset.done $0x0  }
0x3c8: {  	[sflag:s15] =	ssyncadd.s32 $0xFFFFF000  }
0x3c9: {  	[spmem:s17], [sflag:s22] =	dma.local [hbm:s31], $0x1000  }
0x3ca: {  	_ =	swait.ge [sflag:s14], $0x1000  }
0x3cb: {  	s24 =	sld [smem:$0x7EF]  }
0x3cc: {  	[sflag:s14] =	ssyncset.done $0x0  }
0x3cd: {  	[sflag:s14] =	ssyncadd.s32 $0xFFFFF000  }
0x3ce: {  	[hbm:s24], [sflag:s20] =	dma.local [spmem:s13], $0x1000  }
0x3cf: {  	_ =	swait.ge [sflag:s5], $0x1000  }
0x3d0: {  	s25 =	sld [smem:$0x7F0]  }
0x3d1: {  	[sflag:s5] =	ssyncset.done $0x0  }
0x3d2: {  	[sflag:s5] =	ssyncadd.s32 $0xFFFFF000  }
0x3d3: {  	[spmem:s0], [sflag:s11] =	dma.local [hbm:s25], $0x1000  }
0x3d4: {  	_ =	swait.ge [sflag:s18], $0x1000  }
0x3d5: {  	s29 =	sld [smem:$0x7F1]  }
0x3d6: {  	[sflag:s18] =	ssyncset.done $0x0  }
0x3d7: {  	[sflag:s18] =	ssyncadd.s32 $0xFFFFF000  }
0x3d8: {  	[hbm:s29], [sflag:s21] =	dma.local [spmem:s17], $0x1000  }
0x3d9: {  	_ =	swait.ge [sflag:s10], $0x1000  }
0x3da: {  	s30 =	sld [smem:$0x7F2]  }
0x3db: {  	[sflag:s10] =	ssyncset.done $0x0  }
0x3dc: {  	[sflag:s10] =	ssyncadd.s32 $0xFFFFF000  }
0x3dd: {  	[spmem:s13], [sflag:s1] =	dma.local [hbm:s30], $0x1000  }
0x3de: {  	_ =	swait.ge [sflag:s16], $0x1000  }
0x3df: {  	s31 =	sld [smem:$0x7F3]  }
0x3e0: {  	[sflag:s16] =	ssyncset.done $0x0  }
0x3e1: {  	[sflag:s16] =	ssyncadd.s32 $0xFFFFF000  }
0x3e2: {  	[hbm:s31], [sflag:s19] =	dma.local [spmem:s0], $0x1000  }
0x3e3: {  	_ =	swait.ge [sflag:s15], $0x1000  }
0x3e4: {  	s24 =	sld [smem:$0x7F4]  }
0x3e5: {  	[sflag:s15] =	ssyncset.done $0x0  }
0x3e6: {  	[sflag:s15] =	ssyncadd.s32 $0xFFFFF000  }
0x3e7: {  	[spmem:s17], [sflag:s22] =	dma.local [hbm:s24], $0x1000  }
0x3e8: {  	_ =	swait.ge [sflag:s14], $0x1000  }
0x3e9: {  	s25 =	sld [smem:$0x7F5]  }
0x3ea: {  	[sflag:s14] =	ssyncset.done $0x0  }
0x3eb: {  	[sflag:s14] =	ssyncadd.s32 $0xFFFFF000  }
0x3ec: {  	[hbm:s25], [sflag:s20] =	dma.local [spmem:s13], $0x1000  }
0x3ed: {  	_ =	swait.ge [sflag:s5], $0x1000  }
0x3ee: {  	s29 =	sld [smem:$0x7F6]  }
0x3ef: {  	[sflag:s5] =	ssyncset.done $0x0  }
0x3f0: {  	[sflag:s5] =	ssyncadd.s32 $0xFFFFF000  }
0x3f1: {  	[spmem:s0], [sflag:s11] =	dma.local [hbm:s29], $0x1000  }
0x3f2: {  	_ =	swait.ge [sflag:s18], $0x1000  }
0x3f3: {  	s30 =	sld [smem:$0x7F7]  }
0x3f4: {  	[sflag:s18] =	ssyncset.done $0x0  }
0x3f5: {  	[sflag:s18] =	ssyncadd.s32 $0xFFFFF000  }
0x3f6: {  	[hbm:s30], [sflag:s21] =	dma.local [spmem:s17], $0x1000  }
0x3f7: {  	_ =	swait.ge [sflag:s10], $0x1000  }
0x3f8: {  	s31 =	sld [smem:$0x7F8]  }
0x3f9: {  	[sflag:s10] =	ssyncset.done $0x0  }
0x3fa: {  	[sflag:s10] =	ssyncadd.s32 $0xFFFFF000  }
0x3fb: {  	[spmem:s13], [sflag:s1] =	dma.local [hbm:s31], $0x1000  }
0x3fc: {  	_ =	swait.ge [sflag:s16], $0x1000  }
0x3fd: {  	s24 =	sld [smem:$0x7F9]  }
0x3fe: {  	[sflag:s16] =	ssyncset.done $0x0  }
0x3ff: {  	[sflag:s16] =	ssyncadd.s32 $0xFFFFF000  }
0x400: {  	[hbm:s24], [sflag:s19] =	dma.local [spmem:s0], $0x1000  }
0x401: {  	_ =	swait.ge [sflag:s15], $0x1000  }
0x402: {  	s25 =	sld [smem:$0x7FA]  }
0x403: {  	[sflag:s15] =	ssyncset.done $0x0  }
0x404: {  	[sflag:s15] =	ssyncadd.s32 $0xFFFFF000  }
0x405: {  	[spmem:s17], [sflag:s22] =	dma.local [hbm:s25], $0x1000  }
0x406: {  	_ =	swait.ge [sflag:s14], $0x1000  }
0x407: {  	s29 =	sld [smem:$0x7FB]  }
0x408: {  	[sflag:s14] =	ssyncset.done $0x0  }
0x409: {  	[sflag:s14] =	ssyncadd.s32 $0xFFFFF000  }
0x40a: {  	[hbm:s29], [sflag:s20] =	dma.local [spmem:s13], $0x1000  }
0x40b: {  	_ =	swait.ge [sflag:s5], $0x1000  }
0x40c: {  	s30 =	sld [smem:$0x7FC]  }
0x40d: {  	[sflag:s5] =	ssyncset.done $0x0  }
0x40e: {  	[sflag:s5] =	ssyncadd.s32 $0xFFFFF000  }
0x40f: {  	[spmem:s0], [sflag:s11] =	dma.local [hbm:s30], $0x1000  }
0x410: {  	_ =	swait.ge [sflag:s18], $0x1000  }
0x411: {  	s31 =	sld [smem:$0x7FD]  }
0x412: {  	[sflag:s18] =	ssyncset.done $0x0  }
0x413: {  	[sflag:s18] =	ssyncadd.s32 $0xFFFFF000  }
0x414: {  	[hbm:s31], [sflag:s21] =	dma.local [spmem:s17], $0x1000  }
0x415: {  	_ =	swait.ge [sflag:s10], $0x1000  }
0x416: {  	[sflag:s10] =	ssyncset.done $0x0  }
0x417: {  	[sflag:s10] =	ssyncadd.s32 $0xFFFFF000  }
0x418: {  	[spmem:s13], [sflag:s1] =	dma.local [hbm:s12], $0x1000  }
0x419: {  	_ =	swait.ge [sflag:s16], $0x1000  }
0x41a: {  	[sflag:s16] =	ssyncset.done $0x0  }
0x41b: {  	[sflag:s16] =	ssyncadd.s32 $0xFFFFF000  }
0x41c: {  	[hbm:s9], [sflag:s19] =	dma.local [spmem:s0], $0x1000  }
0x41d: {  	_ =	swait.ge [sflag:s14], $0x1000  }
0x41e: {  	[sflag:s14] =	ssyncset.done $0x0  }
0x41f: {  	[sflag:s14] =	ssyncadd.s32 $0xFFFFF000  }
0x420: {  	[hbm:s8], [sflag:s20] =	dma.local [spmem:s13], $0x1000  }
0x421: {  	_ =	swait.ge [sflag:s15], $0x1000  }
0x422: {  	[sflag:s15] =	ssyncset.done $0x0  }
0x423: {  	[sflag:s15] =	ssyncadd.s32 $0xFFFFF000  }
0x424: {  	_ =	swait.ge [sflag:s5], $0x1000  }
0x425: {  	[sflag:s5] =	ssyncset.done $0x0  }
0x426: {  	[sflag:s5] =	ssyncadd.s32 $0xFFFFF000  }
0x427: {  	_ =	swait.ge [sflag:s10], $0x1000  }
0x428: {  	[sflag:s10] =	ssyncset.done $0x0  }
0x429: {  	[sflag:s10] =	ssyncadd.s32 $0xFFFFF000  }
0x42a: {  	_ =	swait.ge [sflag:s6], $0x4  }
0x42b: {  	[sflag:s6] =	ssyncset.done $0x0  }
0x42c: {  	[sflag:s6] =	ssyncadd.s32 $0xFFFFFFFC  }
0x42d: {  	_ =	swait.ge [sflag:s6], $0x80  }
0x42e: {  	[sflag:s6] =	ssyncset.done $0x0  }
0x42f: {  	[sflag:s6] =	ssyncadd.s32 $0xFFFFFF80  }
0x430: {  	_ =	swait.ge [sflag:s6], $0x80  }
0x431: {  	[sflag:s6] =	ssyncset.done $0x0  }
0x432: {  	[sflag:s6] =	ssyncadd.s32 $0xFFFFFF80  }
0x433: {  	_ =	swait.ge [sflag:s6], $0x80  }
0x434: {  	[sflag:s6] =	ssyncset.done $0x0  }
0x435: {  	[sflag:s6] =	ssyncadd.s32 $0xFFFFFF80  }
0x436: {  	_ =	swait.ge [sflag:s6], $0x80  }
0x437: {  	[sflag:s6] =	ssyncset.done $0x0  }
0x438: {  	[sflag:s6] =	ssyncadd.s32 $0xFFFFFF80  }
0x439: {  	[hbm4b:s23+s5] =	stream.indirect.scatter [tilespmem:s4], [sflag:$0x7], $0x80, s3, s5, $0xb8;
	[tilespmem:$0x18280] =	vst v63  }
0x43a: {  	_ =	swait.ge [sflag:s7], $0x200  }
0x43b: {  	[sflag:s7] =	ssyncset.done $0x0  }
0x43c: {  	[sflag:s7] =	ssyncadd.s32 $0xFFFFFE00  }
0x43d: {  	_ =	sfence.sel $0x180000  }
0x43e: {  	[bflag:$0x0] =	sbarrier.arrive $0xFFFF  }
0x43f: {  	p0 =	sne.s32 s26, $0x0;
	_ =	strace $0x90000047  }
0x440: {  	s0 =	sadd.s32 @!p0 $0x100000, s28;
	[bflag:$0x2] =	sbarrier.arrive $0xFFFF  }
0x441: {  	[sflag:s0] =	ssyncadd.tile.s32 @!p0 $0x1;
	_ =	shalt  }
.LBB2_1:
.Ltmp3:
0x442: {  	(pc) =	sbr.rel .LBB2_6-.Ltmp3, $2  }
0x443: {  	_ =	sdelay $0x2  }
0x444: {  	s23 =	smov.u32 s2  }
.LBB2_3:
.Ltmp4:
0x445: {  	(pc) =	sbr.rel .LBB2_6-.Ltmp4, $4  }
0x446: {  	s28 =	rddreg [dreg:$0xb]  }
0x447: {  	s21 =	sld [smem:$0x7D0]  }
0x448: {  	s23 =	smov.u32 s2;
	s26 =	stileid.u32;
	s29 =	sld [smem:$0x7CF]  }
0x449: {  	s24 =	simm.s32 $0x18200;
	s25 =	simm.s32 $0x18100;
	s30 =	simm.s32 $0x18180  }
.Lfunc_end2:
_tile_overlayer_lowered:
.L_overlay_start_2:
0x44a: {  	(tag) =	ssettag $0x2  }
0x44b: {  	s0 =	rddreg [dreg:$0x0];
	s2 =	stileid.u32  }
0x44c: {  	s1 =	rddreg [dreg:$0x1];
	p0 =	sne.s32 s2, $0x0  }
0x44d: {  	s3 =	rddreg [dreg:$0x2];
	[bflag:$0x3] =	sbarrier.arrive $0xFFFF;
	s2 =	simm.s32 @!p0 $0x1C09  }
0x44e: {  	[timem:s3], [sflag:s2] =	dma.local @!p0 [hbm:s0], s1  }
0x44f: {  	s0 =	simm.s32 @!p0 $0x9  }
0x450: {  	_ =	swait.ge @!p0 [sflag:s0], s1  }
0x451: {  	s1 =	ssub.s32 @!p0 $0x0, s1;
	[sflag:s0] =	ssyncset.done @!p0 $0x0  }
0x452: {  	[sflag:s0] =	ssyncadd.s32 @!p0 s1  }
0x453: {  	[bflag:$0x3] =	sbarrier.arrive $0xFFFF  }
0x454: {  	_ =	shalt  }

</sc_bundles>
